<compile_context>
chip_gen: v7x
topology: tpu7x:2x2x1
jax: 0.10.2.dev20260603
libtpu: 0.0.44.dev20260713+nightly
codegen_flags: <defaults>
</compile_context>

<pallas_src>
import functools

import jax
import jax.numpy as jnp
from jax import lax
from jax.experimental import pallas as pl
from jax.experimental.pallas import tpu as pltpu
from jax.experimental.pallas import tpu_sc as plsc

_N = 10000
_E = 320000
_D = 128
_G = 64
_NC = 2
_NS = 16
_NW = _NC * _NS
_NPAD = 10240
_RPT = _NPAD // _NS
_NCH = 80
_WCH = 40
_NCHP = _E // 128 + 20
_BLK = 2048
_NBLK = _NPAD // _BLK

_mesh = plsc.VectorSubcoreMesh(core_axis_name="c", subcore_axis_name="s")



@functools.partial(
    pl.kernel,
    out_type=jax.ShapeDtypeStruct((_NC, _NPAD), jnp.float32),
    mesh=_mesh,
    scratch_types=[
        pltpu.VMEM((_NCH, 128), jnp.int32),
        pltpu.VMEM((_RPT,), jnp.float32),
        pltpu.VMEM((128,), jnp.float32),
        pltpu.VMEM_SHARED((_NPAD,), jnp.float32),
        pltpu.SemaphoreType.DMA,
    ],
)
def _sc_degree(ei_hbm, out_hbm, dstv, zbuf, ones, deg_sh, dsem):
    c = lax.axis_index("c")
    s = lax.axis_index("s")
    wid = c * _NS + s
    base = pl.multiple_of(wid * _NCH, 8)

    def _z(i, _):
        zbuf[pl.ds(i * 16, 16)] = jnp.zeros((16,), jnp.float32)
        return 0

    lax.fori_loop(0, _RPT // 16, _z, 0)

    def _o(i, _):
        ones[pl.ds(i * 16, 16)] = jnp.ones((16,), jnp.float32)
        return 0

    lax.fori_loop(0, 8, _o, 0)

    nch = jnp.where(wid == _NW - 1, _WCH, _NCH)
    pltpu.sync_copy(ei_hbm.at[1, pl.ds(base, _WCH)], dstv.at[pl.ds(0, _WCH)])

    @pl.when(wid != _NW - 1)
    def _():
        pltpu.sync_copy(ei_hbm.at[1, pl.ds(base + _WCH, _WCH)],
                        dstv.at[pl.ds(_WCH, _WCH)])

    pltpu.sync_copy(zbuf, deg_sh.at[pl.ds(s * _RPT, _RPT)])
    plsc.subcore_barrier()

    def _fire(j, _):
        pltpu.async_copy(ones, deg_sh.at[dstv.at[j]], dsem, add=True)
        return 0

    lax.fori_loop(0, nch, _fire, 0)

    def _drain(j, _):
        pltpu.make_async_copy(ones, deg_sh.at[dstv.at[j]], dsem).wait()
        return 0

    lax.fori_loop(0, nch, _drain, 0)
    plsc.subcore_barrier()
    pltpu.sync_copy(deg_sh.at[pl.ds(s * _RPT, _RPT)],
                    out_hbm.at[c, pl.ds(s * _RPT, _RPT)])


@functools.partial(
    pl.kernel,
    out_type=jax.ShapeDtypeStruct((_NC, _NPAD, _D), jnp.float32),
    mesh=_mesh,
    scratch_types=[
        pltpu.VMEM((_WCH, 128), jnp.int32),
        pltpu.VMEM((_WCH, 128), jnp.int32),
        pltpu.VMEM((2, 128, _D), jnp.float32),
        pltpu.VMEM_SHARED((_NPAD, _D), jnp.float32),
        pltpu.SemaphoreType.DMA,
        pltpu.SemaphoreType.DMA,
        pltpu.SemaphoreType.DMA,
        pltpu.SemaphoreType.DMA,
        pltpu.SemaphoreType.DMA,
    ],
)
def _sc_prop(hs_hbm, ei_hbm, out_hbm, srcw, dstw, buf, acc_sh,
             g0, g1, s0, s1, isem):
    c = lax.axis_index("c")
    s = lax.axis_index("s")
    wid = c * _NS + s
    gs = (g0, g1)
    ss = (s0, s1)
    pltpu.async_copy(hs_hbm.at[pl.ds(s * _RPT, _RPT)],
                     acc_sh.at[pl.ds(s * _RPT, _RPT)], isem)

    def _gather(j, b, sem):
        return pltpu.async_copy(hs_hbm.at[srcw.at[j]], buf.at[b], sem)

    def _scatter(j, b, sem):
        return pltpu.async_copy(buf.at[b], acc_sh.at[dstw.at[j]], sem,
                                add=True)

    def _wait_g(j, b, sem):
        pltpu.make_async_copy(hs_hbm.at[srcw.at[j]], buf.at[b], sem).wait()

    def _wait_s(j, b, sem):
        pltpu.make_async_copy(buf.at[b], acc_sh.at[dstw.at[j]], sem).wait()

    def _load_win(load_base):
        off = pl.multiple_of(load_base, 8)
        pltpu.sync_copy(ei_hbm.at[0, pl.ds(off, _WCH)], srcw)
        pltpu.sync_copy(ei_hbm.at[1, pl.ds(off, _WCH)], dstw)

    def _win(load_base, ln, loaded=False):
        if not loaded:
            _load_win(load_base)
        _gather(0, 0, gs[0])
        _gather(1, 1, gs[1])
        _wait_g(0, 0, gs[0])
        _scatter(0, 0, ss[0])

        def _steady(a, _):
            for b in range(2):
                jl = 1 + 2 * a + b
                cur = (1 + b) % 2
                nxt = 1 - cur
                _wait_s(jl - 1, nxt, ss[nxt])
                _gather(jl + 1, nxt, gs[nxt])
                _wait_g(jl, cur, gs[cur])
                _scatter(jl, cur, ss[cur])
            return 0

        lax.fori_loop(0, (ln - 2) // 2, _steady, 0)
        _wait_g(ln - 1, 1, gs[1])
        _scatter(ln - 1, 1, ss[1])
        _wait_s(ln - 2, 0, ss[0])
        _wait_s(ln - 1, 1, ss[1])

    _load_win(wid * _NCH)
    pltpu.make_async_copy(hs_hbm.at[pl.ds(s * _RPT, _RPT)],
                          acc_sh.at[pl.ds(s * _RPT, _RPT)], isem).wait()
    plsc.subcore_barrier()
    _win(wid * _NCH, _WCH, loaded=True)

    @pl.when(wid != _NW - 1)
    def _():
        _win(wid * _NCH + _WCH, _WCH)

    plsc.subcore_barrier()
    pltpu.sync_copy(acc_sh.at[pl.ds(s * _RPT, _RPT)],
                    out_hbm.at[c, pl.ds(s * _RPT, _RPT)])



def _lrelu(v):
    return jnp.where(v >= 0, v, 0.4 * v)


def _dinv_col(deg_ref, i):
    deg = (deg_ref[0] + deg_ref[1] + 1.0).reshape(1, _BLK)
    dcol = jnp.transpose(deg, (1, 0))
    row = i * _BLK + lax.broadcasted_iota(jnp.int32, (_BLK, 1), 0)
    return jnp.where(row < _N, lax.rsqrt(dcol), 0.0)


def _tc_mm_body(x_ref, win_ref, bin_ref, wc1_ref, m1_ref):
    h0 = _lrelu(jnp.dot(x_ref[...], win_ref[...],
                        preferred_element_type=jnp.float32) + bin_ref[...])
    m1_ref[...] = jnp.dot(h0, wc1_ref[...], preferred_element_type=jnp.float32)


def _tc_scale_body(m1_ref, deg_ref, hs_ref):
    i = pl.program_id(0)
    row = i * _BLK + lax.broadcasted_iota(jnp.int32, (_BLK, 1), 0)
    hs_ref[...] = jnp.where(row < _N, _dinv_col(deg_ref, i) * m1_ref[...], 0.0)


def _tc_mid_body(p_ref, hs1_ref, deg_ref, bc1_ref, wc2_ref, hs2_ref):
    dinv = _dinv_col(deg_ref, pl.program_id(0))
    acc = p_ref[0] + p_ref[1] - hs1_ref[...]
    h1 = _lrelu(dinv * acc + bc1_ref[...])
    hs2_ref[...] = dinv * jnp.dot(h1, wc2_ref[...],
                                  preferred_element_type=jnp.float32)


def _tc_out_body(p_ref, hs2_ref, deg_ref, bc2_ref, batch_ref, wout_ref,
                 bout_ref, out_ref, s_acc, cnt_acc):
    i = pl.program_id(0)

    @pl.when(i == 0)
    def _():
        s_acc[...] = jnp.zeros_like(s_acc)
        cnt_acc[...] = jnp.zeros_like(cnt_acc)

    acc = p_ref[0] + p_ref[1] - hs2_ref[...]
    h2 = _lrelu(_dinv_col(deg_ref, i) * acc + bc2_ref[...])
    n_col = i * _BLK + lax.broadcasted_iota(jnp.int32, (_G, _BLK), 1)
    mask = ((batch_ref[...] == lax.broadcasted_iota(jnp.int32, (_G, _BLK), 0))
            & (n_col < _N)).astype(jnp.float32)
    s_acc[...] += jnp.dot(mask, h2, preferred_element_type=jnp.float32)
    cnt_acc[...] += jnp.dot(mask, jnp.ones((_BLK, _D), jnp.float32),
                            preferred_element_type=jnp.float32)

    @pl.when(i == _NBLK - 1)
    def _():
        pooled = s_acc[...] / jnp.maximum(cnt_acc[...], 1.0)
        out_ref[...] = jnp.dot(pooled, wout_ref[...],
                               preferred_element_type=jnp.float32) + bout_ref[...]


_tc_mm = pl.pallas_call(
    _tc_mm_body,
    grid=(_NBLK,),
    in_specs=[
        pl.BlockSpec((_BLK, _D), lambda i: (i, 0)),
        pl.BlockSpec((_D, _D), lambda i: (0, 0)),
        pl.BlockSpec((1, _D), lambda i: (0, 0)),
        pl.BlockSpec((_D, _D), lambda i: (0, 0)),
    ],
    out_specs=pl.BlockSpec((_BLK, _D), lambda i: (i, 0)),
    out_shape=jax.ShapeDtypeStruct((_NPAD, _D), jnp.float32),
)

_tc_scale = pl.pallas_call(
    _tc_scale_body,
    grid=(_NBLK,),
    in_specs=[
        pl.BlockSpec((_BLK, _D), lambda i: (i, 0)),
        pl.BlockSpec((_NC, _BLK), lambda i: (0, i)),
    ],
    out_specs=pl.BlockSpec((_BLK, _D), lambda i: (i, 0)),
    out_shape=jax.ShapeDtypeStruct((_NPAD, _D), jnp.float32),
)

_tc_mid = pl.pallas_call(
    _tc_mid_body,
    grid=(_NBLK,),
    in_specs=[
        pl.BlockSpec((_NC, _BLK, _D), lambda i: (0, i, 0)),
        pl.BlockSpec((_BLK, _D), lambda i: (i, 0)),
        pl.BlockSpec((_NC, _BLK), lambda i: (0, i)),
        pl.BlockSpec((1, _D), lambda i: (0, 0)),
        pl.BlockSpec((_D, _D), lambda i: (0, 0)),
    ],
    out_specs=pl.BlockSpec((_BLK, _D), lambda i: (i, 0)),
    out_shape=jax.ShapeDtypeStruct((_NPAD, _D), jnp.float32),
)

_tc_out = pl.pallas_call(
    _tc_out_body,
    grid=(_NBLK,),
    in_specs=[
        pl.BlockSpec((_NC, _BLK, _D), lambda i: (0, i, 0)),
        pl.BlockSpec((_BLK, _D), lambda i: (i, 0)),
        pl.BlockSpec((_NC, _BLK), lambda i: (0, i)),
        pl.BlockSpec((1, _D), lambda i: (0, 0)),
        pl.BlockSpec((1, _BLK), lambda i: (0, i)),
        pl.BlockSpec((_D, _D), lambda i: (0, 0)),
        pl.BlockSpec((1, _D), lambda i: (0, 0)),
    ],
    out_specs=pl.BlockSpec((_G, _D), lambda i: (0, 0)),
    out_shape=jax.ShapeDtypeStruct((_G, _D), jnp.float32),
    scratch_shapes=[
        pltpu.VMEM((_G, _D), jnp.float32),
        pltpu.VMEM((_G, _D), jnp.float32),
    ],
)


def kernel(x, edge_index, batch, W_in, b_in, W_c1, b_c1, W_c2, b_c2, W_out, b_out):
    cyc = _N + jnp.arange(_NCHP * 128 - _E, dtype=jnp.int32) % (_NPAD - _N)
    ei3 = jnp.concatenate(
        [edge_index, jnp.broadcast_to(cyc, (2, cyc.shape[0]))],
        axis=1).reshape(2, _NCHP, 128)
    batch_r = batch.reshape(1, _N)

    deg = _sc_degree(ei3)
    m1 = _tc_mm(x, W_in, b_in.reshape(1, _D), W_c1)
    hs1 = _tc_scale(m1, deg)
    p1 = _sc_prop(hs1, ei3)
    hs2 = _tc_mid(p1, hs1, deg, b_c1.reshape(1, _D), W_c2)
    p2 = _sc_prop(hs2, ei3)
    return _tc_out(p2, hs2, deg, b_c2.reshape(1, _D), batch_r,
                   W_out, b_out.reshape(1, _D))

# --- scband reference (transcript-rebuilt; emitter-appended) ---
"""Pipeline reference for scband-gcn-24386824306771 (READ-ONLY COPY).

The authoritative reference and input builder live on the scoring server;
editing this copy changes nothing except your own understanding.
"""

import jax, jax.numpy as jnp
import numpy as np

N = 10000
E = 320000
D = 128
H1 = 128
H2 = 128
H3 = 128
OUT = 128
G = 64


def setup_inputs(seed: int = 0) -> dict:
    key = jax.random.key(seed)
    ks = jax.random.split(key, 12)
    x = jax.random.normal(ks[0], (N, D), dtype=jnp.float32)
    edge_index = jax.random.randint(ks[1], (2, E), 0, N, dtype=jnp.int32)
    batch = jnp.sort(jax.random.randint(ks[2], (N,), 0, G, dtype=jnp.int32))
    W_in = jax.random.normal(ks[3], (D, H1), dtype=jnp.float32) * 0.05
    b_in = jax.random.normal(ks[4], (H1,), dtype=jnp.float32) * 0.05
    W_c1 = jax.random.normal(ks[5], (H1, H2), dtype=jnp.float32) * 0.05
    b_c1 = jax.random.normal(ks[6], (H2,), dtype=jnp.float32) * 0.05
    W_c2 = jax.random.normal(ks[7], (H2, H3), dtype=jnp.float32) * 0.05
    b_c2 = jax.random.normal(ks[8], (H3,), dtype=jnp.float32) * 0.05
    W_out = jax.random.normal(ks[9], (H3, OUT), dtype=jnp.float32) * 0.05
    b_out = jax.random.normal(ks[10], (OUT,), dtype=jnp.float32) * 0.05
    return {"x": x, "edge_index": edge_index, "batch": batch,
            "W_in": W_in, "b_in": b_in, "W_c1": W_c1, "b_c1": b_c1,
            "W_c2": W_c2, "b_c2": b_c2, "W_out": W_out, "b_out": b_out}


def _gcn_conv(h, edge_index, W, b):
    # PyG GCNConv: add self-loops, symmetric D^-1/2 (A+I) D^-1/2 normalization
    h = h @ W
    loop = jnp.arange(N, dtype=edge_index.dtype)
    src = jnp.concatenate([edge_index[0], loop])
    dst = jnp.concatenate([edge_index[1], loop])
    deg = jnp.zeros((N,), dtype=h.dtype).at[dst].add(1.0)
    dinv = jax.lax.rsqrt(jnp.maximum(deg, 1e-12))
    norm = dinv[src] * dinv[dst]
    msg = h[src] * norm[:, None]
    out = jnp.zeros((N, h.shape[1]), dtype=h.dtype).at[dst].add(msg)
    return out + b


def reference(x, edge_index, batch, W_in, b_in, W_c1, b_c1, W_c2, b_c2, W_out, b_out):
    lrelu = lambda v: jax.nn.leaky_relu(v, negative_slope=0.4)
    h = lrelu(x @ W_in + b_in)
    # dropout is identity in eval mode
    h = lrelu(_gcn_conv(h, edge_index, W_c1, b_c1))
    h = lrelu(_gcn_conv(h, edge_index, W_c2, b_c2))
    # global_mean_pool over batch ids
    s = jax.ops.segment_sum(h, batch, num_segments=G)
    cnt = jax.ops.segment_sum(jnp.ones((N,), dtype=h.dtype), batch, num_segments=G)
    pooled = s / jnp.maximum(cnt, 1.0)[:, None]
    return pooled @ W_out + b_out

if __name__ == "__main__":
    import jax
    _d = setup_inputs()
    print(jax.jit(kernel)(*tuple(_d.values())))

</pallas_src>

<mosaic_0001>
#map = affine_map<(d0, d1) -> (0, 0)>
#map1 = affine_map<(d0, d1) -> (0, 0, 0)>
module attributes {stable_mosaic.version = 14 : i64} {
  func.func @_sc_prop(%arg0: i32, %arg1: i32, %arg2: memref<10240x128xf32, #tpu.memory_space<hbm>>, %arg3: memref<2x2520x128xi32, #tpu.memory_space<hbm>>, %arg4: memref<2x10240x128xf32, #tpu.memory_space<hbm>>, %arg5: memref<40x128xi32, #tpu.memory_space<vmem>>, %arg6: memref<40x128xi32, #tpu.memory_space<vmem>>, %arg7: memref<2x128x128xf32, #tpu.memory_space<vmem>>, %arg8: memref<10240x128xf32, #tpu.memory_space<vmem_shared>>, %arg9: memref<!tpu.dma_semaphore, #tpu.memory_space<semaphore_mem>>, %arg10: memref<!tpu.dma_semaphore, #tpu.memory_space<semaphore_mem>>, %arg11: memref<!tpu.dma_semaphore, #tpu.memory_space<semaphore_mem>>, %arg12: memref<!tpu.dma_semaphore, #tpu.memory_space<semaphore_mem>>, %arg13: memref<!tpu.dma_semaphore, #tpu.memory_space<semaphore_mem>>) attributes {dimension_semantics = [#tpu.dimension_semantics<core_parallel>, #tpu.dimension_semantics<subcore_parallel>], iteration_bounds = array<i64: 2, 16>, scalar_prefetch = 0 : i64, scratch_operands = 9 : i64, tpu.core_type = #tpu.core_type<sc_vector_subcore>, window_params = [{transform_indices = #map}, {transform_indices = #map1}, {transform_indices = #map1}]} {
    %mul3A = arith.constant 16 : i32
    %mul3A_0 = arith.muli %arg0, %mul3A : i32
    %add3A = arith.addi %mul3A_0, %arg1 : i32
    %mul3A_1 = arith.constant 640 : i32
    %mul3A_2 = arith.muli %arg1, %mul3A_1 : i32
    %mul3A_3 = arith.constant 640 : i32
    %mul3A_4 = arith.muli %arg1, %mul3A_3 : i32
    %dma_start3A = arith.constant 0 : i32
    %dma_start3A_5 = tpu.memref_slice %arg8[%mul3A_4, %dma_start3A] : memref<10240x128xf32, #tpu.memory_space<vmem_shared>> -> memref<640x128xf32, #tpu.memory_space<vmem_shared>>
    %dma_start3A_6 = arith.constant 0 : i32
    %dma_start3A_7 = tpu.memref_slice %arg2[%mul3A_2, %dma_start3A_6] : memref<10240x128xf32, #tpu.memory_space<hbm>> -> memref<640x128xf32, #tpu.memory_space<hbm>>
    tpu.enqueue_dma source(%dma_start3A_7 : memref<640x128xf32, #tpu.memory_space<hbm>>) target(%dma_start3A_5 : memref<640x128xf32, #tpu.memory_space<vmem_shared>>) target_semaphore(%arg13 : memref<!tpu.dma_semaphore, #tpu.memory_space<semaphore_mem>>)
    %mul3A_8 = arith.constant 80 : i32
    %mul3A_9 = arith.muli %add3A, %mul3A_8 : i32
    %multiple_of3A = tpu.assume_multiple %mul3A_9, 8 : i32
    %run_scoped3A = arith.constant 0 : i32
    "tpu.region"() ({
      %run_scoped3A_129 = tpu.sem_alloc : memref<!tpu.dma_semaphore, #tpu.memory_space<semaphore_mem>>
      %dma_start3A_130 = arith.constant 0 : i32
      %dma_start3A_131 = tpu.memref_slice %arg3[%run_scoped3A, %multiple_of3A, %dma_start3A_130] : memref<2x2520x128xi32, #tpu.memory_space<hbm>> -> memref<1x40x128xi32, #tpu.memory_space<hbm>>
      %dma_start3A_132 = tpu.memref_squeeze %dma_start3A_131 : memref<1x40x128xi32, #tpu.memory_space<hbm>> -> memref<40x128xi32, #tpu.memory_space<hbm>>
      %dma_start3A_133 = arith.constant 0 : i32
      %dma_start3A_134 = tpu.memref_slice %arg3[%run_scoped3A, %multiple_of3A, %dma_start3A_133] : memref<2x2520x128xi32, #tpu.memory_space<hbm>> -> memref<1x40x128xi32, #tpu.memory_space<hbm>>
      %dma_start3A_135 = tpu.memref_squeeze %dma_start3A_134 : memref<1x40x128xi32, #tpu.memory_space<hbm>> -> memref<40x128xi32, #tpu.memory_space<hbm>>
      tpu.enqueue_dma source(%dma_start3A_135 : memref<40x128xi32, #tpu.memory_space<hbm>>) target(%arg5 : memref<40x128xi32, #tpu.memory_space<vmem>>) target_semaphore(%run_scoped3A_129 : memref<!tpu.dma_semaphore, #tpu.memory_space<semaphore_mem>>)
      %dma_wait3A_136 = arith.constant 0 : i32
      %dma_wait3A_137 = tpu.memref_slice %arg3[%run_scoped3A, %multiple_of3A, %dma_wait3A_136] : memref<2x2520x128xi32, #tpu.memory_space<hbm>> -> memref<1x40x128xi32, #tpu.memory_space<hbm>>
      %dma_wait3A_138 = tpu.memref_squeeze %dma_wait3A_137 : memref<1x40x128xi32, #tpu.memory_space<hbm>> -> memref<40x128xi32, #tpu.memory_space<hbm>>
      %dma_wait3A_139 = arith.constant 0 : i32
      %dma_wait3A_140 = tpu.memref_slice %arg3[%run_scoped3A, %multiple_of3A, %dma_wait3A_139] : memref<2x2520x128xi32, #tpu.memory_space<hbm>> -> memref<1x40x128xi32, #tpu.memory_space<hbm>>
      %dma_wait3A_141 = tpu.memref_squeeze %dma_wait3A_140 : memref<1x40x128xi32, #tpu.memory_space<hbm>> -> memref<40x128xi32, #tpu.memory_space<hbm>>
      tpu.wait_dma2 semaphore(%run_scoped3A_129 : memref<!tpu.dma_semaphore, #tpu.memory_space<semaphore_mem>>) src(%dma_wait3A_141 : memref<40x128xi32, #tpu.memory_space<hbm>>) dst(%arg5 : memref<40x128xi32, #tpu.memory_space<vmem>>)
      tpu.yield
    }) : () -> ()
    %run_scoped3A_10 = arith.constant 1 : i32
    "tpu.region"() ({
      %run_scoped3A_129 = tpu.sem_alloc : memref<!tpu.dma_semaphore, #tpu.memory_space<semaphore_mem>>
      %dma_start3A_130 = arith.constant 0 : i32
      %dma_start3A_131 = tpu.memref_slice %arg3[%run_scoped3A_10, %multiple_of3A, %dma_start3A_130] : memref<2x2520x128xi32, #tpu.memory_space<hbm>> -> memref<1x40x128xi32, #tpu.memory_space<hbm>>
      %dma_start3A_132 = tpu.memref_squeeze %dma_start3A_131 : memref<1x40x128xi32, #tpu.memory_space<hbm>> -> memref<40x128xi32, #tpu.memory_space<hbm>>
      %dma_start3A_133 = arith.constant 0 : i32
      %dma_start3A_134 = tpu.memref_slice %arg3[%run_scoped3A_10, %multiple_of3A, %dma_start3A_133] : memref<2x2520x128xi32, #tpu.memory_space<hbm>> -> memref<1x40x128xi32, #tpu.memory_space<hbm>>
      %dma_start3A_135 = tpu.memref_squeeze %dma_start3A_134 : memref<1x40x128xi32, #tpu.memory_space<hbm>> -> memref<40x128xi32, #tpu.memory_space<hbm>>
      tpu.enqueue_dma source(%dma_start3A_135 : memref<40x128xi32, #tpu.memory_space<hbm>>) target(%arg6 : memref<40x128xi32, #tpu.memory_space<vmem>>) target_semaphore(%run_scoped3A_129 : memref<!tpu.dma_semaphore, #tpu.memory_space<semaphore_mem>>)
      %dma_wait3A_136 = arith.constant 0 : i32
      %dma_wait3A_137 = tpu.memref_slice %arg3[%run_scoped3A_10, %multiple_of3A, %dma_wait3A_136] : memref<2x2520x128xi32, #tpu.memory_space<hbm>> -> memref<1x40x128xi32, #tpu.memory_space<hbm>>
      %dma_wait3A_138 = tpu.memref_squeeze %dma_wait3A_137 : memref<1x40x128xi32, #tpu.memory_space<hbm>> -> memref<40x128xi32, #tpu.memory_space<hbm>>
      %dma_wait3A_139 = arith.constant 0 : i32
      %dma_wait3A_140 = tpu.memref_slice %arg3[%run_scoped3A_10, %multiple_of3A, %dma_wait3A_139] : memref<2x2520x128xi32, #tpu.memory_space<hbm>> -> memref<1x40x128xi32, #tpu.memory_space<hbm>>
      %dma_wait3A_141 = tpu.memref_squeeze %dma_wait3A_140 : memref<1x40x128xi32, #tpu.memory_space<hbm>> -> memref<40x128xi32, #tpu.memory_space<hbm>>
      tpu.wait_dma2 semaphore(%run_scoped3A_129 : memref<!tpu.dma_semaphore, #tpu.memory_space<semaphore_mem>>) src(%dma_wait3A_141 : memref<40x128xi32, #tpu.memory_space<hbm>>) dst(%arg6 : memref<40x128xi32, #tpu.memory_space<vmem>>)
      tpu.yield
    }) : () -> ()
    %mul3A_11 = arith.constant 640 : i32
    %mul3A_12 = arith.muli %arg1, %mul3A_11 : i32
    %mul3A_13 = arith.constant 640 : i32
    %mul3A_14 = arith.muli %arg1, %mul3A_13 : i32
    %dma_wait3A = arith.constant 0 : i32
    %dma_wait3A_15 = tpu.memref_slice %arg8[%mul3A_14, %dma_wait3A] : memref<10240x128xf32, #tpu.memory_space<vmem_shared>> -> memref<640x128xf32, #tpu.memory_space<vmem_shared>>
    %dma_wait3A_16 = arith.constant 0 : i32
    %dma_wait3A_17 = tpu.memref_slice %arg2[%mul3A_12, %dma_wait3A_16] : memref<10240x128xf32, #tpu.memory_space<hbm>> -> memref<640x128xf32, #tpu.memory_space<hbm>>
    tpu.wait_dma2 semaphore(%arg13 : memref<!tpu.dma_semaphore, #tpu.memory_space<semaphore_mem>>) src(%dma_wait3A_17 : memref<640x128xf32, #tpu.memory_space<hbm>>) dst(%dma_wait3A_15 : memref<640x128xf32, #tpu.memory_space<vmem_shared>>)
    %barrier3A = arith.constant 0 : index
    tpu.barrier barrier_id(%barrier3A)
    %mul3A_18 = arith.constant 80 : i32
    %mul3A_19 = arith.muli %add3A, %mul3A_18 : i32
    %dma_start3A_20 = arith.constant 0 : i32
    %dma_start3A_21 = arith.constant 0 : i32
    %dma_start3A_22 = arith.constant 0 : i32
    %dma_start3A_23 = arith.constant 0 : i32
    %dma_start3A_24 = tpu.memref_slice %arg7[%dma_start3A_21, %dma_start3A_22, %dma_start3A_23] : memref<2x128x128xf32, #tpu.memory_space<vmem>> -> memref<1x128x128xf32, #tpu.memory_space<vmem>>
    %dma_start3A_25 = tpu.memref_squeeze %dma_start3A_24 : memref<1x128x128xf32, #tpu.memory_space<vmem>> -> memref<128x128xf32, #tpu.memory_space<vmem>>
    %dma_start3A_26 = arith.constant 0 : i32
    %dma_start3A_27 = tpu.memref_slice %arg5[%dma_start3A_20, %dma_start3A_26] : memref<40x128xi32, #tpu.memory_space<vmem>> -> memref<1x128xi32, #tpu.memory_space<vmem>>
    %dma_start3A_28 = tpu.memref_squeeze %dma_start3A_27 : memref<1x128xi32, #tpu.memory_space<vmem>> -> memref<128xi32, #tpu.memory_space<vmem>>
    %dma_start3A_29 = arith.constant 0 : i32
    %dma_start3A_30 = arith.constant 0 : i32
    %dma_start3A_31 = tpu.memref_slice %arg2[%dma_start3A_29, %dma_start3A_30] : memref<10240x128xf32, #tpu.memory_space<hbm>> -> memref<10240x128xf32, #tpu.memory_space<hbm>>
    tpu.enqueue_indirect_dma source(%dma_start3A_31 : memref<10240x128xf32, #tpu.memory_space<hbm>>) target(%dma_start3A_25 : memref<128x128xf32, #tpu.memory_space<vmem>>) offsets(%dma_start3A_28 : memref<128xi32, #tpu.memory_space<vmem>>) semaphore(%arg9 : memref<!tpu.dma_semaphore, #tpu.memory_space<semaphore_mem>>)
    %dma_start3A_32 = arith.constant 1 : i32
    %dma_start3A_33 = arith.constant 1 : i32
    %dma_start3A_34 = arith.constant 0 : i32
    %dma_start3A_35 = arith.constant 0 : i32
    %dma_start3A_36 = tpu.memref_slice %arg7[%dma_start3A_33, %dma_start3A_34, %dma_start3A_35] : memref<2x128x128xf32, #tpu.memory_space<vmem>> -> memref<1x128x128xf32, #tpu.memory_space<vmem>>
    %dma_start3A_37 = tpu.memref_squeeze %dma_start3A_36 : memref<1x128x128xf32, #tpu.memory_space<vmem>> -> memref<128x128xf32, #tpu.memory_space<vmem>>
    %dma_start3A_38 = arith.constant 0 : i32
    %dma_start3A_39 = tpu.memref_slice %arg5[%dma_start3A_32, %dma_start3A_38] : memref<40x128xi32, #tpu.memory_space<vmem>> -> memref<1x128xi32, #tpu.memory_space<vmem>>
    %dma_start3A_40 = tpu.memref_squeeze %dma_start3A_39 : memref<1x128xi32, #tpu.memory_space<vmem>> -> memref<128xi32, #tpu.memory_space<vmem>>
    %dma_start3A_41 = arith.constant 0 : i32
    %dma_start3A_42 = arith.constant 0 : i32
    %dma_start3A_43 = tpu.memref_slice %arg2[%dma_start3A_41, %dma_start3A_42] : memref<10240x128xf32, #tpu.memory_space<hbm>> -> memref<10240x128xf32, #tpu.memory_space<hbm>>
    tpu.enqueue_indirect_dma source(%dma_start3A_43 : memref<10240x128xf32, #tpu.memory_space<hbm>>) target(%dma_start3A_37 : memref<128x128xf32, #tpu.memory_space<vmem>>) offsets(%dma_start3A_40 : memref<128xi32, #tpu.memory_space<vmem>>) semaphore(%arg10 : memref<!tpu.dma_semaphore, #tpu.memory_space<semaphore_mem>>)
    %dma_wait3A_44 = arith.constant 0 : i32
    %dma_wait3A_45 = arith.constant 0 : i32
    %dma_wait3A_46 = arith.constant 0 : i32
    %dma_wait3A_47 = arith.constant 0 : i32
    %dma_wait3A_48 = tpu.memref_slice %arg7[%dma_wait3A_45, %dma_wait3A_46, %dma_wait3A_47] : memref<2x128x128xf32, #tpu.memory_space<vmem>> -> memref<1x128x128xf32, #tpu.memory_space<vmem>>
    %dma_wait3A_49 = tpu.memref_squeeze %dma_wait3A_48 : memref<1x128x128xf32, #tpu.memory_space<vmem>> -> memref<128x128xf32, #tpu.memory_space<vmem>>
    %dma_wait3A_50 = arith.constant 0 : i32
    %dma_wait3A_51 = tpu.memref_slice %arg5[%dma_wait3A_44, %dma_wait3A_50] : memref<40x128xi32, #tpu.memory_space<vmem>> -> memref<1x128xi32, #tpu.memory_space<vmem>>
    %dma_wait3A_52 = tpu.memref_squeeze %dma_wait3A_51 : memref<1x128xi32, #tpu.memory_space<vmem>> -> memref<128xi32, #tpu.memory_space<vmem>>
    %dma_wait3A_53 = arith.constant 0 : i32
    %dma_wait3A_54 = arith.constant 0 : i32
    %dma_wait3A_55 = tpu.memref_slice %arg2[%dma_wait3A_53, %dma_wait3A_54] : memref<10240x128xf32, #tpu.memory_space<hbm>> -> memref<10240x128xf32, #tpu.memory_space<hbm>>
    tpu.wait_indirect_dma semaphore(%arg9 : memref<!tpu.dma_semaphore, #tpu.memory_space<semaphore_mem>>) src(%dma_wait3A_55 : memref<10240x128xf32, #tpu.memory_space<hbm>>) dst(%dma_wait3A_49 : memref<128x128xf32, #tpu.memory_space<vmem>>)
    %dma_start3A_56 = arith.constant 0 : i32
    %dma_start3A_57 = arith.constant 0 : i32
    %dma_start3A_58 = arith.constant 0 : i32
    %dma_start3A_59 = arith.constant 0 : i32
    %dma_start3A_60 = tpu.memref_slice %arg7[%dma_start3A_56, %dma_start3A_58, %dma_start3A_59] : memref<2x128x128xf32, #tpu.memory_space<vmem>> -> memref<1x128x128xf32, #tpu.memory_space<vmem>>
    %dma_start3A_61 = tpu.memref_squeeze %dma_start3A_60 : memref<1x128x128xf32, #tpu.memory_space<vmem>> -> memref<128x128xf32, #tpu.memory_space<vmem>>
    %dma_start3A_62 = arith.constant 0 : i32
    %dma_start3A_63 = tpu.memref_slice %arg6[%dma_start3A_57, %dma_start3A_62] : memref<40x128xi32, #tpu.memory_space<vmem>> -> memref<1x128xi32, #tpu.memory_space<vmem>>
    %dma_start3A_64 = tpu.memref_squeeze %dma_start3A_63 : memref<1x128xi32, #tpu.memory_space<vmem>> -> memref<128xi32, #tpu.memory_space<vmem>>
    %dma_start3A_65 = arith.constant 0 : i32
    %dma_start3A_66 = arith.constant 0 : i32
    %dma_start3A_67 = tpu.memref_slice %arg8[%dma_start3A_65, %dma_start3A_66] : memref<10240x128xf32, #tpu.memory_space<vmem_shared>> -> memref<10240x128xf32, #tpu.memory_space<vmem_shared>>
    tpu.enqueue_indirect_dma source(%dma_start3A_61 : memref<128x128xf32, #tpu.memory_space<vmem>>) target(%dma_start3A_67 : memref<10240x128xf32, #tpu.memory_space<vmem_shared>>) offsets(%dma_start3A_64 : memref<128xi32, #tpu.memory_space<vmem>>) semaphore(%arg11 : memref<!tpu.dma_semaphore, #tpu.memory_space<semaphore_mem>>) {add = true}
    %scan3A = arith.constant 0 : i32
    %scan3A_68 = arith.constant 0 : i32
    %scan3A_69 = arith.constant 19 : i32
    %scan3A_70 = arith.addi %scan3A_68, %scan3A_69 : i32
    %scan3A_71 = arith.constant 1 : i32
    %scan3A_72 = scf.for %scan3A_129 = %scan3A_68 to %scan3A_70 step %scan3A_71 iter_args(%scan3A_130 = %scan3A) -> (i32)  : i32 {
      %mul3A_131 = arith.constant 2 : i32
      %mul3A_132 = arith.muli %mul3A_131, %scan3A_129 : i32
      %add3A_133 = arith.constant 1 : i32
      %add3A_134 = arith.addi %add3A_133, %mul3A_132 : i32
      %add3A_135 = arith.constant 0 : i32
      %add3A_136 = arith.addi %add3A_134, %add3A_135 : i32
      %sub3A = arith.constant 1 : i32
      %sub3A_137 = arith.subi %add3A_136, %sub3A : i32
      %dma_wait3A_138 = arith.constant 0 : i32
      %dma_wait3A_139 = arith.constant 0 : i32
      %dma_wait3A_140 = arith.constant 0 : i32
      %dma_wait3A_141 = tpu.memref_slice %arg7[%dma_wait3A_138, %dma_wait3A_139, %dma_wait3A_140] : memref<2x128x128xf32, #tpu.memory_space<vmem>> -> memref<1x128x128xf32, #tpu.memory_space<vmem>>
      %dma_wait3A_142 = tpu.memref_squeeze %dma_wait3A_141 : memref<1x128x128xf32, #tpu.memory_space<vmem>> -> memref<128x128xf32, #tpu.memory_space<vmem>>
      %dma_wait3A_143 = arith.constant 0 : i32
      %dma_wait3A_144 = tpu.memref_slice %arg6[%sub3A_137, %dma_wait3A_143] : memref<40x128xi32, #tpu.memory_space<vmem>> -> memref<1x128xi32, #tpu.memory_space<vmem>>
      %dma_wait3A_145 = tpu.memref_squeeze %dma_wait3A_144 : memref<1x128xi32, #tpu.memory_space<vmem>> -> memref<128xi32, #tpu.memory_space<vmem>>
      %dma_wait3A_146 = arith.constant 0 : i32
      %dma_wait3A_147 = arith.constant 0 : i32
      %dma_wait3A_148 = tpu.memref_slice %arg8[%dma_wait3A_146, %dma_wait3A_147] : memref<10240x128xf32, #tpu.memory_space<vmem_shared>> -> memref<10240x128xf32, #tpu.memory_space<vmem_shared>>
      tpu.wait_indirect_dma semaphore(%arg11 : memref<!tpu.dma_semaphore, #tpu.memory_space<semaphore_mem>>) src(%dma_wait3A_142 : memref<128x128xf32, #tpu.memory_space<vmem>>) dst(%dma_wait3A_148 : memref<10240x128xf32, #tpu.memory_space<vmem_shared>>)
      %add3A_149 = arith.constant 1 : i32
      %add3A_150 = arith.addi %add3A_136, %add3A_149 : i32
      %dma_start3A_151 = arith.constant 0 : i32
      %dma_start3A_152 = arith.constant 0 : i32
      %dma_start3A_153 = arith.constant 0 : i32
      %dma_start3A_154 = tpu.memref_slice %arg7[%dma_start3A_151, %dma_start3A_152, %dma_start3A_153] : memref<2x128x128xf32, #tpu.memory_space<vmem>> -> memref<1x128x128xf32, #tpu.memory_space<vmem>>
      %dma_start3A_155 = tpu.memref_squeeze %dma_start3A_154 : memref<1x128x128xf32, #tpu.memory_space<vmem>> -> memref<128x128xf32, #tpu.memory_space<vmem>>
      %dma_start3A_156 = arith.constant 0 : i32
      %dma_start3A_157 = tpu.memref_slice %arg5[%add3A_150, %dma_start3A_156] : memref<40x128xi32, #tpu.memory_space<vmem>> -> memref<1x128xi32, #tpu.memory_space<vmem>>
      %dma_start3A_158 = tpu.memref_squeeze %dma_start3A_157 : memref<1x128xi32, #tpu.memory_space<vmem>> -> memref<128xi32, #tpu.memory_space<vmem>>
      %dma_start3A_159 = arith.constant 0 : i32
      %dma_start3A_160 = arith.constant 0 : i32
      %dma_start3A_161 = tpu.memref_slice %arg2[%dma_start3A_159, %dma_start3A_160] : memref<10240x128xf32, #tpu.memory_space<hbm>> -> memref<10240x128xf32, #tpu.memory_space<hbm>>
      tpu.enqueue_indirect_dma source(%dma_start3A_161 : memref<10240x128xf32, #tpu.memory_space<hbm>>) target(%dma_start3A_155 : memref<128x128xf32, #tpu.memory_space<vmem>>) offsets(%dma_start3A_158 : memref<128xi32, #tpu.memory_space<vmem>>) semaphore(%arg9 : memref<!tpu.dma_semaphore, #tpu.memory_space<semaphore_mem>>)
      %dma_wait3A_162 = arith.constant 1 : i32
      %dma_wait3A_163 = arith.constant 0 : i32
      %dma_wait3A_164 = arith.constant 0 : i32
      %dma_wait3A_165 = tpu.memref_slice %arg7[%dma_wait3A_162, %dma_wait3A_163, %dma_wait3A_164] : memref<2x128x128xf32, #tpu.memory_space<vmem>> -> memref<1x128x128xf32, #tpu.memory_space<vmem>>
      %dma_wait3A_166 = tpu.memref_squeeze %dma_wait3A_165 : memref<1x128x128xf32, #tpu.memory_space<vmem>> -> memref<128x128xf32, #tpu.memory_space<vmem>>
      %dma_wait3A_167 = arith.constant 0 : i32
      %dma_wait3A_168 = tpu.memref_slice %arg5[%add3A_136, %dma_wait3A_167] : memref<40x128xi32, #tpu.memory_space<vmem>> -> memref<1x128xi32, #tpu.memory_space<vmem>>
      %dma_wait3A_169 = tpu.memref_squeeze %dma_wait3A_168 : memref<1x128xi32, #tpu.memory_space<vmem>> -> memref<128xi32, #tpu.memory_space<vmem>>
      %dma_wait3A_170 = arith.constant 0 : i32
      %dma_wait3A_171 = arith.constant 0 : i32
      %dma_wait3A_172 = tpu.memref_slice %arg2[%dma_wait3A_170, %dma_wait3A_171] : memref<10240x128xf32, #tpu.memory_space<hbm>> -> memref<10240x128xf32, #tpu.memory_space<hbm>>
      tpu.wait_indirect_dma semaphore(%arg10 : memref<!tpu.dma_semaphore, #tpu.memory_space<semaphore_mem>>) src(%dma_wait3A_172 : memref<10240x128xf32, #tpu.memory_space<hbm>>) dst(%dma_wait3A_166 : memref<128x128xf32, #tpu.memory_space<vmem>>)
      %dma_start3A_173 = arith.constant 1 : i32
      %dma_start3A_174 = arith.constant 0 : i32
      %dma_start3A_175 = arith.constant 0 : i32
      %dma_start3A_176 = tpu.memref_slice %arg7[%dma_start3A_173, %dma_start3A_174, %dma_start3A_175] : memref<2x128x128xf32, #tpu.memory_space<vmem>> -> memref<1x128x128xf32, #tpu.memory_space<vmem>>
      %dma_start3A_177 = tpu.memref_squeeze %dma_start3A_176 : memref<1x128x128xf32, #tpu.memory_space<vmem>> -> memref<128x128xf32, #tpu.memory_space<vmem>>
      %dma_start3A_178 = arith.constant 0 : i32
      %dma_start3A_179 = tpu.memref_slice %arg6[%add3A_136, %dma_start3A_178] : memref<40x128xi32, #tpu.memory_space<vmem>> -> memref<1x128xi32, #tpu.memory_space<vmem>>
      %dma_start3A_180 = tpu.memref_squeeze %dma_start3A_179 : memref<1x128xi32, #tpu.memory_space<vmem>> -> memref<128xi32, #tpu.memory_space<vmem>>
      %dma_start3A_181 = arith.constant 0 : i32
      %dma_start3A_182 = arith.constant 0 : i32
      %dma_start3A_183 = tpu.memref_slice %arg8[%dma_start3A_181, %dma_start3A_182] : memref<10240x128xf32, #tpu.memory_space<vmem_shared>> -> memref<10240x128xf32, #tpu.memory_space<vmem_shared>>
      tpu.enqueue_indirect_dma source(%dma_start3A_177 : memref<128x128xf32, #tpu.memory_space<vmem>>) target(%dma_start3A_183 : memref<10240x128xf32, #tpu.memory_space<vmem_shared>>) offsets(%dma_start3A_180 : memref<128xi32, #tpu.memory_space<vmem>>) semaphore(%arg12 : memref<!tpu.dma_semaphore, #tpu.memory_space<semaphore_mem>>) {add = true}
      %mul3A_184 = arith.constant 2 : i32
      %mul3A_185 = arith.muli %mul3A_184, %scan3A_129 : i32
      %add3A_186 = arith.constant 1 : i32
      %add3A_187 = arith.addi %add3A_186, %mul3A_185 : i32
      %add3A_188 = arith.constant 1 : i32
      %add3A_189 = arith.addi %add3A_187, %add3A_188 : i32
      %sub3A_190 = arith.constant 1 : i32
      %sub3A_191 = arith.subi %add3A_189, %sub3A_190 : i32
      %dma_wait3A_192 = arith.constant 1 : i32
      %dma_wait3A_193 = arith.constant 0 : i32
      %dma_wait3A_194 = arith.constant 0 : i32
      %dma_wait3A_195 = tpu.memref_slice %arg7[%dma_wait3A_192, %dma_wait3A_193, %dma_wait3A_194] : memref<2x128x128xf32, #tpu.memory_space<vmem>> -> memref<1x128x128xf32, #tpu.memory_space<vmem>>
      %dma_wait3A_196 = tpu.memref_squeeze %dma_wait3A_195 : memref<1x128x128xf32, #tpu.memory_space<vmem>> -> memref<128x128xf32, #tpu.memory_space<vmem>>
      %dma_wait3A_197 = arith.constant 0 : i32
      %dma_wait3A_198 = tpu.memref_slice %arg6[%sub3A_191, %dma_wait3A_197] : memref<40x128xi32, #tpu.memory_space<vmem>> -> memref<1x128xi32, #tpu.memory_space<vmem>>
      %dma_wait3A_199 = tpu.memref_squeeze %dma_wait3A_198 : memref<1x128xi32, #tpu.memory_space<vmem>> -> memref<128xi32, #tpu.memory_space<vmem>>
      %dma_wait3A_200 = arith.constant 0 : i32
      %dma_wait3A_201 = arith.constant 0 : i32
      %dma_wait3A_202 = tpu.memref_slice %arg8[%dma_wait3A_200, %dma_wait3A_201] : memref<10240x128xf32, #tpu.memory_space<vmem_shared>> -> memref<10240x128xf32, #tpu.memory_space<vmem_shared>>
      tpu.wait_indirect_dma semaphore(%arg12 : memref<!tpu.dma_semaphore, #tpu.memory_space<semaphore_mem>>) src(%dma_wait3A_196 : memref<128x128xf32, #tpu.memory_space<vmem>>) dst(%dma_wait3A_202 : memref<10240x128xf32, #tpu.memory_space<vmem_shared>>)
      %add3A_203 = arith.constant 1 : i32
      %add3A_204 = arith.addi %add3A_189, %add3A_203 : i32
      %dma_start3A_205 = arith.constant 1 : i32
      %dma_start3A_206 = arith.constant 0 : i32
      %dma_start3A_207 = arith.constant 0 : i32
      %dma_start3A_208 = tpu.memref_slice %arg7[%dma_start3A_205, %dma_start3A_206, %dma_start3A_207] : memref<2x128x128xf32, #tpu.memory_space<vmem>> -> memref<1x128x128xf32, #tpu.memory_space<vmem>>
      %dma_start3A_209 = tpu.memref_squeeze %dma_start3A_208 : memref<1x128x128xf32, #tpu.memory_space<vmem>> -> memref<128x128xf32, #tpu.memory_space<vmem>>
      %dma_start3A_210 = arith.constant 0 : i32
      %dma_start3A_211 = tpu.memref_slice %arg5[%add3A_204, %dma_start3A_210] : memref<40x128xi32, #tpu.memory_space<vmem>> -> memref<1x128xi32, #tpu.memory_space<vmem>>
      %dma_start3A_212 = tpu.memref_squeeze %dma_start3A_211 : memref<1x128xi32, #tpu.memory_space<vmem>> -> memref<128xi32, #tpu.memory_space<vmem>>
      %dma_start3A_213 = arith.constant 0 : i32
      %dma_start3A_214 = arith.constant 0 : i32
      %dma_start3A_215 = tpu.memref_slice %arg2[%dma_start3A_213, %dma_start3A_214] : memref<10240x128xf32, #tpu.memory_space<hbm>> -> memref<10240x128xf32, #tpu.memory_space<hbm>>
      tpu.enqueue_indirect_dma source(%dma_start3A_215 : memref<10240x128xf32, #tpu.memory_space<hbm>>) target(%dma_start3A_209 : memref<128x128xf32, #tpu.memory_space<vmem>>) offsets(%dma_start3A_212 : memref<128xi32, #tpu.memory_space<vmem>>) semaphore(%arg10 : memref<!tpu.dma_semaphore, #tpu.memory_space<semaphore_mem>>)
      %dma_wait3A_216 = arith.constant 0 : i32
      %dma_wait3A_217 = arith.constant 0 : i32
      %dma_wait3A_218 = arith.constant 0 : i32
      %dma_wait3A_219 = tpu.memref_slice %arg7[%dma_wait3A_216, %dma_wait3A_217, %dma_wait3A_218] : memref<2x128x128xf32, #tpu.memory_space<vmem>> -> memref<1x128x128xf32, #tpu.memory_space<vmem>>
      %dma_wait3A_220 = tpu.memref_squeeze %dma_wait3A_219 : memref<1x128x128xf32, #tpu.memory_space<vmem>> -> memref<128x128xf32, #tpu.memory_space<vmem>>
      %dma_wait3A_221 = arith.constant 0 : i32
      %dma_wait3A_222 = tpu.memref_slice %arg5[%add3A_189, %dma_wait3A_221] : memref<40x128xi32, #tpu.memory_space<vmem>> -> memref<1x128xi32, #tpu.memory_space<vmem>>
      %dma_wait3A_223 = tpu.memref_squeeze %dma_wait3A_222 : memref<1x128xi32, #tpu.memory_space<vmem>> -> memref<128xi32, #tpu.memory_space<vmem>>
      %dma_wait3A_224 = arith.constant 0 : i32
      %dma_wait3A_225 = arith.constant 0 : i32
      %dma_wait3A_226 = tpu.memref_slice %arg2[%dma_wait3A_224, %dma_wait3A_225] : memref<10240x128xf32, #tpu.memory_space<hbm>> -> memref<10240x128xf32, #tpu.memory_space<hbm>>
      tpu.wait_indirect_dma semaphore(%arg9 : memref<!tpu.dma_semaphore, #tpu.memory_space<semaphore_mem>>) src(%dma_wait3A_226 : memref<10240x128xf32, #tpu.memory_space<hbm>>) dst(%dma_wait3A_220 : memref<128x128xf32, #tpu.memory_space<vmem>>)
      %dma_start3A_227 = arith.constant 0 : i32
      %dma_start3A_228 = arith.constant 0 : i32
      %dma_start3A_229 = arith.constant 0 : i32
      %dma_start3A_230 = tpu.memref_slice %arg7[%dma_start3A_227, %dma_start3A_228, %dma_start3A_229] : memref<2x128x128xf32, #tpu.memory_space<vmem>> -> memref<1x128x128xf32, #tpu.memory_space<vmem>>
      %dma_start3A_231 = tpu.memref_squeeze %dma_start3A_230 : memref<1x128x128xf32, #tpu.memory_space<vmem>> -> memref<128x128xf32, #tpu.memory_space<vmem>>
      %dma_start3A_232 = arith.constant 0 : i32
      %dma_start3A_233 = tpu.memref_slice %arg6[%add3A_189, %dma_start3A_232] : memref<40x128xi32, #tpu.memory_space<vmem>> -> memref<1x128xi32, #tpu.memory_space<vmem>>
      %dma_start3A_234 = tpu.memref_squeeze %dma_start3A_233 : memref<1x128xi32, #tpu.memory_space<vmem>> -> memref<128xi32, #tpu.memory_space<vmem>>
      %dma_start3A_235 = arith.constant 0 : i32
      %dma_start3A_236 = arith.constant 0 : i32
      %dma_start3A_237 = tpu.memref_slice %arg8[%dma_start3A_235, %dma_start3A_236] : memref<10240x128xf32, #tpu.memory_space<vmem_shared>> -> memref<10240x128xf32, #tpu.memory_space<vmem_shared>>
      tpu.enqueue_indirect_dma source(%dma_start3A_231 : memref<128x128xf32, #tpu.memory_space<vmem>>) target(%dma_start3A_237 : memref<10240x128xf32, #tpu.memory_space<vmem_shared>>) offsets(%dma_start3A_234 : memref<128xi32, #tpu.memory_space<vmem>>) semaphore(%arg11 : memref<!tpu.dma_semaphore, #tpu.memory_space<semaphore_mem>>) {add = true}
      %scan3A_238 = arith.constant 0 : i32
      scf.yield %scan3A_238 : i32
    }
    %scan3A_73 = arith.constant 19 : i32
    %dma_wait3A_74 = arith.constant 39 : i32
    %dma_wait3A_75 = arith.constant 1 : i32
    %dma_wait3A_76 = arith.constant 0 : i32
    %dma_wait3A_77 = arith.constant 0 : i32
    %dma_wait3A_78 = tpu.memref_slice %arg7[%dma_wait3A_75, %dma_wait3A_76, %dma_wait3A_77] : memref<2x128x128xf32, #tpu.memory_space<vmem>> -> memref<1x128x128xf32, #tpu.memory_space<vmem>>
    %dma_wait3A_79 = tpu.memref_squeeze %dma_wait3A_78 : memref<1x128x128xf32, #tpu.memory_space<vmem>> -> memref<128x128xf32, #tpu.memory_space<vmem>>
    %dma_wait3A_80 = arith.constant 0 : i32
    %dma_wait3A_81 = tpu.memref_slice %arg5[%dma_wait3A_74, %dma_wait3A_80] : memref<40x128xi32, #tpu.memory_space<vmem>> -> memref<1x128xi32, #tpu.memory_space<vmem>>
    %dma_wait3A_82 = tpu.memref_squeeze %dma_wait3A_81 : memref<1x128xi32, #tpu.memory_space<vmem>> -> memref<128xi32, #tpu.memory_space<vmem>>
    %dma_wait3A_83 = arith.constant 0 : i32
    %dma_wait3A_84 = arith.constant 0 : i32
    %dma_wait3A_85 = tpu.memref_slice %arg2[%dma_wait3A_83, %dma_wait3A_84] : memref<10240x128xf32, #tpu.memory_space<hbm>> -> memref<10240x128xf32, #tpu.memory_space<hbm>>
    tpu.wait_indirect_dma semaphore(%arg10 : memref<!tpu.dma_semaphore, #tpu.memory_space<semaphore_mem>>) src(%dma_wait3A_85 : memref<10240x128xf32, #tpu.memory_space<hbm>>) dst(%dma_wait3A_79 : memref<128x128xf32, #tpu.memory_space<vmem>>)
    %dma_start3A_86 = arith.constant 1 : i32
    %dma_start3A_87 = arith.constant 39 : i32
    %dma_start3A_88 = arith.constant 0 : i32
    %dma_start3A_89 = arith.constant 0 : i32
    %dma_start3A_90 = tpu.memref_slice %arg7[%dma_start3A_86, %dma_start3A_88, %dma_start3A_89] : memref<2x128x128xf32, #tpu.memory_space<vmem>> -> memref<1x128x128xf32, #tpu.memory_space<vmem>>
    %dma_start3A_91 = tpu.memref_squeeze %dma_start3A_90 : memref<1x128x128xf32, #tpu.memory_space<vmem>> -> memref<128x128xf32, #tpu.memory_space<vmem>>
    %dma_start3A_92 = arith.constant 0 : i32
    %dma_start3A_93 = tpu.memref_slice %arg6[%dma_start3A_87, %dma_start3A_92] : memref<40x128xi32, #tpu.memory_space<vmem>> -> memref<1x128xi32, #tpu.memory_space<vmem>>
    %dma_start3A_94 = tpu.memref_squeeze %dma_start3A_93 : memref<1x128xi32, #tpu.memory_space<vmem>> -> memref<128xi32, #tpu.memory_space<vmem>>
    %dma_start3A_95 = arith.constant 0 : i32
    %dma_start3A_96 = arith.constant 0 : i32
    %dma_start3A_97 = tpu.memref_slice %arg8[%dma_start3A_95, %dma_start3A_96] : memref<10240x128xf32, #tpu.memory_space<vmem_shared>> -> memref<10240x128xf32, #tpu.memory_space<vmem_shared>>
    tpu.enqueue_indirect_dma source(%dma_start3A_91 : memref<128x128xf32, #tpu.memory_space<vmem>>) target(%dma_start3A_97 : memref<10240x128xf32, #tpu.memory_space<vmem_shared>>) offsets(%dma_start3A_94 : memref<128xi32, #tpu.memory_space<vmem>>) semaphore(%arg12 : memref<!tpu.dma_semaphore, #tpu.memory_space<semaphore_mem>>) {add = true}
    %dma_wait3A_98 = arith.constant 0 : i32
    %dma_wait3A_99 = arith.constant 38 : i32
    %dma_wait3A_100 = arith.constant 0 : i32
    %dma_wait3A_101 = arith.constant 0 : i32
    %dma_wait3A_102 = tpu.memref_slice %arg7[%dma_wait3A_98, %dma_wait3A_100, %dma_wait3A_101] : memref<2x128x128xf32, #tpu.memory_space<vmem>> -> memref<1x128x128xf32, #tpu.memory_space<vmem>>
    %dma_wait3A_103 = tpu.memref_squeeze %dma_wait3A_102 : memref<1x128x128xf32, #tpu.memory_space<vmem>> -> memref<128x128xf32, #tpu.memory_space<vmem>>
    %dma_wait3A_104 = arith.constant 0 : i32
    %dma_wait3A_105 = tpu.memref_slice %arg6[%dma_wait3A_99, %dma_wait3A_104] : memref<40x128xi32, #tpu.memory_space<vmem>> -> memref<1x128xi32, #tpu.memory_space<vmem>>
    %dma_wait3A_106 = tpu.memref_squeeze %dma_wait3A_105 : memref<1x128xi32, #tpu.memory_space<vmem>> -> memref<128xi32, #tpu.memory_space<vmem>>
    %dma_wait3A_107 = arith.constant 0 : i32
    %dma_wait3A_108 = arith.constant 0 : i32
    %dma_wait3A_109 = tpu.memref_slice %arg8[%dma_wait3A_107, %dma_wait3A_108] : memref<10240x128xf32, #tpu.memory_space<vmem_shared>> -> memref<10240x128xf32, #tpu.memory_space<vmem_shared>>
    tpu.wait_indirect_dma semaphore(%arg11 : memref<!tpu.dma_semaphore, #tpu.memory_space<semaphore_mem>>) src(%dma_wait3A_103 : memref<128x128xf32, #tpu.memory_space<vmem>>) dst(%dma_wait3A_109 : memref<10240x128xf32, #tpu.memory_space<vmem_shared>>)
    %dma_wait3A_110 = arith.constant 1 : i32
    %dma_wait3A_111 = arith.constant 39 : i32
    %dma_wait3A_112 = arith.constant 0 : i32
    %dma_wait3A_113 = arith.constant 0 : i32
    %dma_wait3A_114 = tpu.memref_slice %arg7[%dma_wait3A_110, %dma_wait3A_112, %dma_wait3A_113] : memref<2x128x128xf32, #tpu.memory_space<vmem>> -> memref<1x128x128xf32, #tpu.memory_space<vmem>>
    %dma_wait3A_115 = tpu.memref_squeeze %dma_wait3A_114 : memref<1x128x128xf32, #tpu.memory_space<vmem>> -> memref<128x128xf32, #tpu.memory_space<vmem>>
    %dma_wait3A_116 = arith.constant 0 : i32
    %dma_wait3A_117 = tpu.memref_slice %arg6[%dma_wait3A_111, %dma_wait3A_116] : memref<40x128xi32, #tpu.memory_space<vmem>> -> memref<1x128xi32, #tpu.memory_space<vmem>>
    %dma_wait3A_118 = tpu.memref_squeeze %dma_wait3A_117 : memref<1x128xi32, #tpu.memory_space<vmem>> -> memref<128xi32, #tpu.memory_space<vmem>>
    %dma_wait3A_119 = arith.constant 0 : i32
    %dma_wait3A_120 = arith.constant 0 : i32
    %dma_wait3A_121 = tpu.memref_slice %arg8[%dma_wait3A_119, %dma_wait3A_120] : memref<10240x128xf32, #tpu.memory_space<vmem_shared>> -> memref<10240x128xf32, #tpu.memory_space<vmem_shared>>
    tpu.wait_indirect_dma semaphore(%arg12 : memref<!tpu.dma_semaphore, #tpu.memory_space<semaphore_mem>>) src(%dma_wait3A_115 : memref<128x128xf32, #tpu.memory_space<vmem>>) dst(%dma_wait3A_121 : memref<10240x128xf32, #tpu.memory_space<vmem_shared>>)
    %ne3A = arith.constant 31 : i32
    %ne3A_122 = arith.cmpi ne, %add3A, %ne3A : i32
    %convert_element_type3A = arith.extui %ne3A_122 : i1 to i32
    %cond3A = arith.constant 0 : i32
    %cond3A_123 = arith.cmpi ne, %convert_element_type3A, %cond3A : i32
    scf.if %cond3A_123 {
      %mul3A_129 = arith.constant 80 : i32
      %mul3A_130 = arith.muli %add3A, %mul3A_129 : i32
      %add3A_131 = arith.constant 40 : i32
      %add3A_132 = arith.addi %mul3A_130, %add3A_131 : i32
      %multiple_of3A_133 = tpu.assume_multiple %add3A_132, 8 : i32
      %run_scoped3A_134 = arith.constant 0 : i32
      "tpu.region"() ({
        %run_scoped3A_239 = tpu.sem_alloc : memref<!tpu.dma_semaphore, #tpu.memory_space<semaphore_mem>>
        %dma_start3A_240 = arith.constant 0 : i32
        %dma_start3A_241 = tpu.memref_slice %arg3[%run_scoped3A_134, %multiple_of3A_133, %dma_start3A_240] : memref<2x2520x128xi32, #tpu.memory_space<hbm>> -> memref<1x40x128xi32, #tpu.memory_space<hbm>>
        %dma_start3A_242 = tpu.memref_squeeze %dma_start3A_241 : memref<1x40x128xi32, #tpu.memory_space<hbm>> -> memref<40x128xi32, #tpu.memory_space<hbm>>
        %dma_start3A_243 = arith.constant 0 : i32
        %dma_start3A_244 = tpu.memref_slice %arg3[%run_scoped3A_134, %multiple_of3A_133, %dma_start3A_243] : memref<2x2520x128xi32, #tpu.memory_space<hbm>> -> memref<1x40x128xi32, #tpu.memory_space<hbm>>
        %dma_start3A_245 = tpu.memref_squeeze %dma_start3A_244 : memref<1x40x128xi32, #tpu.memory_space<hbm>> -> memref<40x128xi32, #tpu.memory_space<hbm>>
        tpu.enqueue_dma source(%dma_start3A_245 : memref<40x128xi32, #tpu.memory_space<hbm>>) target(%arg5 : memref<40x128xi32, #tpu.memory_space<vmem>>) target_semaphore(%run_scoped3A_239 : memref<!tpu.dma_semaphore, #tpu.memory_space<semaphore_mem>>)
        %dma_wait3A_246 = arith.constant 0 : i32
        %dma_wait3A_247 = tpu.memref_slice %arg3[%run_scoped3A_134, %multiple_of3A_133, %dma_wait3A_246] : memref<2x2520x128xi32, #tpu.memory_space<hbm>> -> memref<1x40x128xi32, #tpu.memory_space<hbm>>
        %dma_wait3A_248 = tpu.memref_squeeze %dma_wait3A_247 : memref<1x40x128xi32, #tpu.memory_space<hbm>> -> memref<40x128xi32, #tpu.memory_space<hbm>>
        %dma_wait3A_249 = arith.constant 0 : i32
        %dma_wait3A_250 = tpu.memref_slice %arg3[%run_scoped3A_134, %multiple_of3A_133, %dma_wait3A_249] : memref<2x2520x128xi32, #tpu.memory_space<hbm>> -> memref<1x40x128xi32, #tpu.memory_space<hbm>>
        %dma_wait3A_251 = tpu.memref_squeeze %dma_wait3A_250 : memref<1x40x128xi32, #tpu.memory_space<hbm>> -> memref<40x128xi32, #tpu.memory_space<hbm>>
        tpu.wait_dma2 semaphore(%run_scoped3A_239 : memref<!tpu.dma_semaphore, #tpu.memory_space<semaphore_mem>>) src(%dma_wait3A_251 : memref<40x128xi32, #tpu.memory_space<hbm>>) dst(%arg5 : memref<40x128xi32, #tpu.memory_space<vmem>>)
        tpu.yield
      }) : () -> ()
      %run_scoped3A_135 = arith.constant 1 : i32
      "tpu.region"() ({
        %run_scoped3A_239 = tpu.sem_alloc : memref<!tpu.dma_semaphore, #tpu.memory_space<semaphore_mem>>
        %dma_start3A_240 = arith.constant 0 : i32
        %dma_start3A_241 = tpu.memref_slice %arg3[%run_scoped3A_135, %multiple_of3A_133, %dma_start3A_240] : memref<2x2520x128xi32, #tpu.memory_space<hbm>> -> memref<1x40x128xi32, #tpu.memory_space<hbm>>
        %dma_start3A_242 = tpu.memref_squeeze %dma_start3A_241 : memref<1x40x128xi32, #tpu.memory_space<hbm>> -> memref<40x128xi32, #tpu.memory_space<hbm>>
        %dma_start3A_243 = arith.constant 0 : i32
        %dma_start3A_244 = tpu.memref_slice %arg3[%run_scoped3A_135, %multiple_of3A_133, %dma_start3A_243] : memref<2x2520x128xi32, #tpu.memory_space<hbm>> -> memref<1x40x128xi32, #tpu.memory_space<hbm>>
        %dma_start3A_245 = tpu.memref_squeeze %dma_start3A_244 : memref<1x40x128xi32, #tpu.memory_space<hbm>> -> memref<40x128xi32, #tpu.memory_space<hbm>>
        tpu.enqueue_dma source(%dma_start3A_245 : memref<40x128xi32, #tpu.memory_space<hbm>>) target(%arg6 : memref<40x128xi32, #tpu.memory_space<vmem>>) target_semaphore(%run_scoped3A_239 : memref<!tpu.dma_semaphore, #tpu.memory_space<semaphore_mem>>)
        %dma_wait3A_246 = arith.constant 0 : i32
        %dma_wait3A_247 = tpu.memref_slice %arg3[%run_scoped3A_135, %multiple_of3A_133, %dma_wait3A_246] : memref<2x2520x128xi32, #tpu.memory_space<hbm>> -> memref<1x40x128xi32, #tpu.memory_space<hbm>>
        %dma_wait3A_248 = tpu.memref_squeeze %dma_wait3A_247 : memref<1x40x128xi32, #tpu.memory_space<hbm>> -> memref<40x128xi32, #tpu.memory_space<hbm>>
        %dma_wait3A_249 = arith.constant 0 : i32
        %dma_wait3A_250 = tpu.memref_slice %arg3[%run_scoped3A_135, %multiple_of3A_133, %dma_wait3A_249] : memref<2x2520x128xi32, #tpu.memory_space<hbm>> -> memref<1x40x128xi32, #tpu.memory_space<hbm>>
        %dma_wait3A_251 = tpu.memref_squeeze %dma_wait3A_250 : memref<1x40x128xi32, #tpu.memory_space<hbm>> -> memref<40x128xi32, #tpu.memory_space<hbm>>
        tpu.wait_dma2 semaphore(%run_scoped3A_239 : memref<!tpu.dma_semaphore, #tpu.memory_space<semaphore_mem>>) src(%dma_wait3A_251 : memref<40x128xi32, #tpu.memory_space<hbm>>) dst(%arg6 : memref<40x128xi32, #tpu.memory_space<vmem>>)
        tpu.yield
      }) : () -> ()
      %dma_start3A_136 = arith.constant 0 : i32
      %dma_start3A_137 = arith.constant 0 : i32
      %dma_start3A_138 = arith.constant 0 : i32
      %dma_start3A_139 = arith.constant 0 : i32
      %dma_start3A_140 = tpu.memref_slice %arg7[%dma_start3A_137, %dma_start3A_138, %dma_start3A_139] : memref<2x128x128xf32, #tpu.memory_space<vmem>> -> memref<1x128x128xf32, #tpu.memory_space<vmem>>
      %dma_start3A_141 = tpu.memref_squeeze %dma_start3A_140 : memref<1x128x128xf32, #tpu.memory_space<vmem>> -> memref<128x128xf32, #tpu.memory_space<vmem>>
      %dma_start3A_142 = arith.constant 0 : i32
      %dma_start3A_143 = tpu.memref_slice %arg5[%dma_start3A_136, %dma_start3A_142] : memref<40x128xi32, #tpu.memory_space<vmem>> -> memref<1x128xi32, #tpu.memory_space<vmem>>
      %dma_start3A_144 = tpu.memref_squeeze %dma_start3A_143 : memref<1x128xi32, #tpu.memory_space<vmem>> -> memref<128xi32, #tpu.memory_space<vmem>>
      %dma_start3A_145 = arith.constant 0 : i32
      %dma_start3A_146 = arith.constant 0 : i32
      %dma_start3A_147 = tpu.memref_slice %arg2[%dma_start3A_145, %dma_start3A_146] : memref<10240x128xf32, #tpu.memory_space<hbm>> -> memref<10240x128xf32, #tpu.memory_space<hbm>>
      tpu.enqueue_indirect_dma source(%dma_start3A_147 : memref<10240x128xf32, #tpu.memory_space<hbm>>) target(%dma_start3A_141 : memref<128x128xf32, #tpu.memory_space<vmem>>) offsets(%dma_start3A_144 : memref<128xi32, #tpu.memory_space<vmem>>) semaphore(%arg9 : memref<!tpu.dma_semaphore, #tpu.memory_space<semaphore_mem>>)
      %dma_start3A_148 = arith.constant 1 : i32
      %dma_start3A_149 = arith.constant 1 : i32
      %dma_start3A_150 = arith.constant 0 : i32
      %dma_start3A_151 = arith.constant 0 : i32
      %dma_start3A_152 = tpu.memref_slice %arg7[%dma_start3A_149, %dma_start3A_150, %dma_start3A_151] : memref<2x128x128xf32, #tpu.memory_space<vmem>> -> memref<1x128x128xf32, #tpu.memory_space<vmem>>
      %dma_start3A_153 = tpu.memref_squeeze %dma_start3A_152 : memref<1x128x128xf32, #tpu.memory_space<vmem>> -> memref<128x128xf32, #tpu.memory_space<vmem>>
      %dma_start3A_154 = arith.constant 0 : i32
      %dma_start3A_155 = tpu.memref_slice %arg5[%dma_start3A_148, %dma_start3A_154] : memref<40x128xi32, #tpu.memory_space<vmem>> -> memref<1x128xi32, #tpu.memory_space<vmem>>
      %dma_start3A_156 = tpu.memref_squeeze %dma_start3A_155 : memref<1x128xi32, #tpu.memory_space<vmem>> -> memref<128xi32, #tpu.memory_space<vmem>>
      %dma_start3A_157 = arith.constant 0 : i32
      %dma_start3A_158 = arith.constant 0 : i32
      %dma_start3A_159 = tpu.memref_slice %arg2[%dma_start3A_157, %dma_start3A_158] : memref<10240x128xf32, #tpu.memory_space<hbm>> -> memref<10240x128xf32, #tpu.memory_space<hbm>>
      tpu.enqueue_indirect_dma source(%dma_start3A_159 : memref<10240x128xf32, #tpu.memory_space<hbm>>) target(%dma_start3A_153 : memref<128x128xf32, #tpu.memory_space<vmem>>) offsets(%dma_start3A_156 : memref<128xi32, #tpu.memory_space<vmem>>) semaphore(%arg10 : memref<!tpu.dma_semaphore, #tpu.memory_space<semaphore_mem>>)
      %dma_wait3A_160 = arith.constant 0 : i32
      %dma_wait3A_161 = arith.constant 0 : i32
      %dma_wait3A_162 = arith.constant 0 : i32
      %dma_wait3A_163 = arith.constant 0 : i32
      %dma_wait3A_164 = tpu.memref_slice %arg7[%dma_wait3A_161, %dma_wait3A_162, %dma_wait3A_163] : memref<2x128x128xf32, #tpu.memory_space<vmem>> -> memref<1x128x128xf32, #tpu.memory_space<vmem>>
      %dma_wait3A_165 = tpu.memref_squeeze %dma_wait3A_164 : memref<1x128x128xf32, #tpu.memory_space<vmem>> -> memref<128x128xf32, #tpu.memory_space<vmem>>
      %dma_wait3A_166 = arith.constant 0 : i32
      %dma_wait3A_167 = tpu.memref_slice %arg5[%dma_wait3A_160, %dma_wait3A_166] : memref<40x128xi32, #tpu.memory_space<vmem>> -> memref<1x128xi32, #tpu.memory_space<vmem>>
      %dma_wait3A_168 = tpu.memref_squeeze %dma_wait3A_167 : memref<1x128xi32, #tpu.memory_space<vmem>> -> memref<128xi32, #tpu.memory_space<vmem>>
      %dma_wait3A_169 = arith.constant 0 : i32
      %dma_wait3A_170 = arith.constant 0 : i32
      %dma_wait3A_171 = tpu.memref_slice %arg2[%dma_wait3A_169, %dma_wait3A_170] : memref<10240x128xf32, #tpu.memory_space<hbm>> -> memref<10240x128xf32, #tpu.memory_space<hbm>>
      tpu.wait_indirect_dma semaphore(%arg9 : memref<!tpu.dma_semaphore, #tpu.memory_space<semaphore_mem>>) src(%dma_wait3A_171 : memref<10240x128xf32, #tpu.memory_space<hbm>>) dst(%dma_wait3A_165 : memref<128x128xf32, #tpu.memory_space<vmem>>)
      %dma_start3A_172 = arith.constant 0 : i32
      %dma_start3A_173 = arith.constant 0 : i32
      %dma_start3A_174 = arith.constant 0 : i32
      %dma_start3A_175 = arith.constant 0 : i32
      %dma_start3A_176 = tpu.memref_slice %arg7[%dma_start3A_172, %dma_start3A_174, %dma_start3A_175] : memref<2x128x128xf32, #tpu.memory_space<vmem>> -> memref<1x128x128xf32, #tpu.memory_space<vmem>>
      %dma_start3A_177 = tpu.memref_squeeze %dma_start3A_176 : memref<1x128x128xf32, #tpu.memory_space<vmem>> -> memref<128x128xf32, #tpu.memory_space<vmem>>
      %dma_start3A_178 = arith.constant 0 : i32
      %dma_start3A_179 = tpu.memref_slice %arg6[%dma_start3A_173, %dma_start3A_178] : memref<40x128xi32, #tpu.memory_space<vmem>> -> memref<1x128xi32, #tpu.memory_space<vmem>>
      %dma_start3A_180 = tpu.memref_squeeze %dma_start3A_179 : memref<1x128xi32, #tpu.memory_space<vmem>> -> memref<128xi32, #tpu.memory_space<vmem>>
      %dma_start3A_181 = arith.constant 0 : i32
      %dma_start3A_182 = arith.constant 0 : i32
      %dma_start3A_183 = tpu.memref_slice %arg8[%dma_start3A_181, %dma_start3A_182] : memref<10240x128xf32, #tpu.memory_space<vmem_shared>> -> memref<10240x128xf32, #tpu.memory_space<vmem_shared>>
      tpu.enqueue_indirect_dma source(%dma_start3A_177 : memref<128x128xf32, #tpu.memory_space<vmem>>) target(%dma_start3A_183 : memref<10240x128xf32, #tpu.memory_space<vmem_shared>>) offsets(%dma_start3A_180 : memref<128xi32, #tpu.memory_space<vmem>>) semaphore(%arg11 : memref<!tpu.dma_semaphore, #tpu.memory_space<semaphore_mem>>) {add = true}
      %scan3A_184 = arith.constant 0 : i32
      %scan3A_185 = arith.constant 0 : i32
      %scan3A_186 = arith.constant 19 : i32
      %scan3A_187 = arith.addi %scan3A_185, %scan3A_186 : i32
      %scan3A_188 = arith.constant 1 : i32
      %scan3A_189 = scf.for %scan3A_239 = %scan3A_185 to %scan3A_187 step %scan3A_188 iter_args(%scan3A_240 = %scan3A_184) -> (i32)  : i32 {
        %mul3A_241 = arith.constant 2 : i32
        %mul3A_242 = arith.muli %mul3A_241, %scan3A_239 : i32
        %add3A_243 = arith.constant 1 : i32
        %add3A_244 = arith.addi %add3A_243, %mul3A_242 : i32
        %add3A_245 = arith.constant 0 : i32
        %add3A_246 = arith.addi %add3A_244, %add3A_245 : i32
        %sub3A = arith.constant 1 : i32
        %sub3A_247 = arith.subi %add3A_246, %sub3A : i32
        %dma_wait3A_248 = arith.constant 0 : i32
        %dma_wait3A_249 = arith.constant 0 : i32
        %dma_wait3A_250 = arith.constant 0 : i32
        %dma_wait3A_251 = tpu.memref_slice %arg7[%dma_wait3A_248, %dma_wait3A_249, %dma_wait3A_250] : memref<2x128x128xf32, #tpu.memory_space<vmem>> -> memref<1x128x128xf32, #tpu.memory_space<vmem>>
        %dma_wait3A_252 = tpu.memref_squeeze %dma_wait3A_251 : memref<1x128x128xf32, #tpu.memory_space<vmem>> -> memref<128x128xf32, #tpu.memory_space<vmem>>
        %dma_wait3A_253 = arith.constant 0 : i32
        %dma_wait3A_254 = tpu.memref_slice %arg6[%sub3A_247, %dma_wait3A_253] : memref<40x128xi32, #tpu.memory_space<vmem>> -> memref<1x128xi32, #tpu.memory_space<vmem>>
        %dma_wait3A_255 = tpu.memref_squeeze %dma_wait3A_254 : memref<1x128xi32, #tpu.memory_space<vmem>> -> memref<128xi32, #tpu.memory_space<vmem>>
        %dma_wait3A_256 = arith.constant 0 : i32
        %dma_wait3A_257 = arith.constant 0 : i32
        %dma_wait3A_258 = tpu.memref_slice %arg8[%dma_wait3A_256, %dma_wait3A_257] : memref<10240x128xf32, #tpu.memory_space<vmem_shared>> -> memref<10240x128xf32, #tpu.memory_space<vmem_shared>>
        tpu.wait_indirect_dma semaphore(%arg11 : memref<!tpu.dma_semaphore, #tpu.memory_space<semaphore_mem>>) src(%dma_wait3A_252 : memref<128x128xf32, #tpu.memory_space<vmem>>) dst(%dma_wait3A_258 : memref<10240x128xf32, #tpu.memory_space<vmem_shared>>)
        %add3A_259 = arith.constant 1 : i32
        %add3A_260 = arith.addi %add3A_246, %add3A_259 : i32
        %dma_start3A_261 = arith.constant 0 : i32
        %dma_start3A_262 = arith.constant 0 : i32
        %dma_start3A_263 = arith.constant 0 : i32
        %dma_start3A_264 = tpu.memref_slice %arg7[%dma_start3A_261, %dma_start3A_262, %dma_start3A_263] : memref<2x128x128xf32, #tpu.memory_space<vmem>> -> memref<1x128x128xf32, #tpu.memory_space<vmem>>
        %dma_start3A_265 = tpu.memref_squeeze %dma_start3A_264 : memref<1x128x128xf32, #tpu.memory_space<vmem>> -> memref<128x128xf32, #tpu.memory_space<vmem>>
        %dma_start3A_266 = arith.constant 0 : i32
        %dma_start3A_267 = tpu.memref_slice %arg5[%add3A_260, %dma_start3A_266] : memref<40x128xi32, #tpu.memory_space<vmem>> -> memref<1x128xi32, #tpu.memory_space<vmem>>
        %dma_start3A_268 = tpu.memref_squeeze %dma_start3A_267 : memref<1x128xi32, #tpu.memory_space<vmem>> -> memref<128xi32, #tpu.memory_space<vmem>>
        %dma_start3A_269 = arith.constant 0 : i32
        %dma_start3A_270 = arith.constant 0 : i32
        %dma_start3A_271 = tpu.memref_slice %arg2[%dma_start3A_269, %dma_start3A_270] : memref<10240x128xf32, #tpu.memory_space<hbm>> -> memref<10240x128xf32, #tpu.memory_space<hbm>>
        tpu.enqueue_indirect_dma source(%dma_start3A_271 : memref<10240x128xf32, #tpu.memory_space<hbm>>) target(%dma_start3A_265 : memref<128x128xf32, #tpu.memory_space<vmem>>) offsets(%dma_start3A_268 : memref<128xi32, #tpu.memory_space<vmem>>) semaphore(%arg9 : memref<!tpu.dma_semaphore, #tpu.memory_space<semaphore_mem>>)
        %dma_wait3A_272 = arith.constant 1 : i32
        %dma_wait3A_273 = arith.constant 0 : i32
        %dma_wait3A_274 = arith.constant 0 : i32
        %dma_wait3A_275 = tpu.memref_slice %arg7[%dma_wait3A_272, %dma_wait3A_273, %dma_wait3A_274] : memref<2x128x128xf32, #tpu.memory_space<vmem>> -> memref<1x128x128xf32, #tpu.memory_space<vmem>>
        %dma_wait3A_276 = tpu.memref_squeeze %dma_wait3A_275 : memref<1x128x128xf32, #tpu.memory_space<vmem>> -> memref<128x128xf32, #tpu.memory_space<vmem>>
        %dma_wait3A_277 = arith.constant 0 : i32
        %dma_wait3A_278 = tpu.memref_slice %arg5[%add3A_246, %dma_wait3A_277] : memref<40x128xi32, #tpu.memory_space<vmem>> -> memref<1x128xi32, #tpu.memory_space<vmem>>
        %dma_wait3A_279 = tpu.memref_squeeze %dma_wait3A_278 : memref<1x128xi32, #tpu.memory_space<vmem>> -> memref<128xi32, #tpu.memory_space<vmem>>
        %dma_wait3A_280 = arith.constant 0 : i32
        %dma_wait3A_281 = arith.constant 0 : i32
        %dma_wait3A_282 = tpu.memref_slice %arg2[%dma_wait3A_280, %dma_wait3A_281] : memref<10240x128xf32, #tpu.memory_space<hbm>> -> memref<10240x128xf32, #tpu.memory_space<hbm>>
        tpu.wait_indirect_dma semaphore(%arg10 : memref<!tpu.dma_semaphore, #tpu.memory_space<semaphore_mem>>) src(%dma_wait3A_282 : memref<10240x128xf32, #tpu.memory_space<hbm>>) dst(%dma_wait3A_276 : memref<128x128xf32, #tpu.memory_space<vmem>>)
        %dma_start3A_283 = arith.constant 1 : i32
        %dma_start3A_284 = arith.constant 0 : i32
        %dma_start3A_285 = arith.constant 0 : i32
        %dma_start3A_286 = tpu.memref_slice %arg7[%dma_start3A_283, %dma_start3A_284, %dma_start3A_285] : memref<2x128x128xf32, #tpu.memory_space<vmem>> -> memref<1x128x128xf32, #tpu.memory_space<vmem>>
        %dma_start3A_287 = tpu.memref_squeeze %dma_start3A_286 : memref<1x128x128xf32, #tpu.memory_space<vmem>> -> memref<128x128xf32, #tpu.memory_space<vmem>>
        %dma_start3A_288 = arith.constant 0 : i32
        %dma_start3A_289 = tpu.memref_slice %arg6[%add3A_246, %dma_start3A_288] : memref<40x128xi32, #tpu.memory_space<vmem>> -> memref<1x128xi32, #tpu.memory_space<vmem>>
        %dma_start3A_290 = tpu.memref_squeeze %dma_start3A_289 : memref<1x128xi32, #tpu.memory_space<vmem>> -> memref<128xi32, #tpu.memory_space<vmem>>
        %dma_start3A_291 = arith.constant 0 : i32
        %dma_start3A_292 = arith.constant 0 : i32
        %dma_start3A_293 = tpu.memref_slice %arg8[%dma_start3A_291, %dma_start3A_292] : memref<10240x128xf32, #tpu.memory_space<vmem_shared>> -> memref<10240x128xf32, #tpu.memory_space<vmem_shared>>
        tpu.enqueue_indirect_dma source(%dma_start3A_287 : memref<128x128xf32, #tpu.memory_space<vmem>>) target(%dma_start3A_293 : memref<10240x128xf32, #tpu.memory_space<vmem_shared>>) offsets(%dma_start3A_290 : memref<128xi32, #tpu.memory_space<vmem>>) semaphore(%arg12 : memref<!tpu.dma_semaphore, #tpu.memory_space<semaphore_mem>>) {add = true}
        %mul3A_294 = arith.constant 2 : i32
        %mul3A_295 = arith.muli %mul3A_294, %scan3A_239 : i32
        %add3A_296 = arith.constant 1 : i32
        %add3A_297 = arith.addi %add3A_296, %mul3A_295 : i32
        %add3A_298 = arith.constant 1 : i32
        %add3A_299 = arith.addi %add3A_297, %add3A_298 : i32
        %sub3A_300 = arith.constant 1 : i32
        %sub3A_301 = arith.subi %add3A_299, %sub3A_300 : i32
        %dma_wait3A_302 = arith.constant 1 : i32
        %dma_wait3A_303 = arith.constant 0 : i32
        %dma_wait3A_304 = arith.constant 0 : i32
        %dma_wait3A_305 = tpu.memref_slice %arg7[%dma_wait3A_302, %dma_wait3A_303, %dma_wait3A_304] : memref<2x128x128xf32, #tpu.memory_space<vmem>> -> memref<1x128x128xf32, #tpu.memory_space<vmem>>
        %dma_wait3A_306 = tpu.memref_squeeze %dma_wait3A_305 : memref<1x128x128xf32, #tpu.memory_space<vmem>> -> memref<128x128xf32, #tpu.memory_space<vmem>>
        %dma_wait3A_307 = arith.constant 0 : i32
        %dma_wait3A_308 = tpu.memref_slice %arg6[%sub3A_301, %dma_wait3A_307] : memref<40x128xi32, #tpu.memory_space<vmem>> -> memref<1x128xi32, #tpu.memory_space<vmem>>
        %dma_wait3A_309 = tpu.memref_squeeze %dma_wait3A_308 : memref<1x128xi32, #tpu.memory_space<vmem>> -> memref<128xi32, #tpu.memory_space<vmem>>
        %dma_wait3A_310 = arith.constant 0 : i32
        %dma_wait3A_311 = arith.constant 0 : i32
        %dma_wait3A_312 = tpu.memref_slice %arg8[%dma_wait3A_310, %dma_wait3A_311] : memref<10240x128xf32, #tpu.memory_space<vmem_shared>> -> memref<10240x128xf32, #tpu.memory_space<vmem_shared>>
        tpu.wait_indirect_dma semaphore(%arg12 : memref<!tpu.dma_semaphore, #tpu.memory_space<semaphore_mem>>) src(%dma_wait3A_306 : memref<128x128xf32, #tpu.memory_space<vmem>>) dst(%dma_wait3A_312 : memref<10240x128xf32, #tpu.memory_space<vmem_shared>>)
        %add3A_313 = arith.constant 1 : i32
        %add3A_314 = arith.addi %add3A_299, %add3A_313 : i32
        %dma_start3A_315 = arith.constant 1 : i32
        %dma_start3A_316 = arith.constant 0 : i32
        %dma_start3A_317 = arith.constant 0 : i32
        %dma_start3A_318 = tpu.memref_slice %arg7[%dma_start3A_315, %dma_start3A_316, %dma_start3A_317] : memref<2x128x128xf32, #tpu.memory_space<vmem>> -> memref<1x128x128xf32, #tpu.memory_space<vmem>>
        %dma_start3A_319 = tpu.memref_squeeze %dma_start3A_318 : memref<1x128x128xf32, #tpu.memory_space<vmem>> -> memref<128x128xf32, #tpu.memory_space<vmem>>
        %dma_start3A_320 = arith.constant 0 : i32
        %dma_start3A_321 = tpu.memref_slice %arg5[%add3A_314, %dma_start3A_320] : memref<40x128xi32, #tpu.memory_space<vmem>> -> memref<1x128xi32, #tpu.memory_space<vmem>>
        %dma_start3A_322 = tpu.memref_squeeze %dma_start3A_321 : memref<1x128xi32, #tpu.memory_space<vmem>> -> memref<128xi32, #tpu.memory_space<vmem>>
        %dma_start3A_323 = arith.constant 0 : i32
        %dma_start3A_324 = arith.constant 0 : i32
        %dma_start3A_325 = tpu.memref_slice %arg2[%dma_start3A_323, %dma_start3A_324] : memref<10240x128xf32, #tpu.memory_space<hbm>> -> memref<10240x128xf32, #tpu.memory_space<hbm>>
        tpu.enqueue_indirect_dma source(%dma_start3A_325 : memref<10240x128xf32, #tpu.memory_space<hbm>>) target(%dma_start3A_319 : memref<128x128xf32, #tpu.memory_space<vmem>>) offsets(%dma_start3A_322 : memref<128xi32, #tpu.memory_space<vmem>>) semaphore(%arg10 : memref<!tpu.dma_semaphore, #tpu.memory_space<semaphore_mem>>)
        %dma_wait3A_326 = arith.constant 0 : i32
        %dma_wait3A_327 = arith.constant 0 : i32
        %dma_wait3A_328 = arith.constant 0 : i32
        %dma_wait3A_329 = tpu.memref_slice %arg7[%dma_wait3A_326, %dma_wait3A_327, %dma_wait3A_328] : memref<2x128x128xf32, #tpu.memory_space<vmem>> -> memref<1x128x128xf32, #tpu.memory_space<vmem>>
        %dma_wait3A_330 = tpu.memref_squeeze %dma_wait3A_329 : memref<1x128x128xf32, #tpu.memory_space<vmem>> -> memref<128x128xf32, #tpu.memory_space<vmem>>
        %dma_wait3A_331 = arith.constant 0 : i32
        %dma_wait3A_332 = tpu.memref_slice %arg5[%add3A_299, %dma_wait3A_331] : memref<40x128xi32, #tpu.memory_space<vmem>> -> memref<1x128xi32, #tpu.memory_space<vmem>>
        %dma_wait3A_333 = tpu.memref_squeeze %dma_wait3A_332 : memref<1x128xi32, #tpu.memory_space<vmem>> -> memref<128xi32, #tpu.memory_space<vmem>>
        %dma_wait3A_334 = arith.constant 0 : i32
        %dma_wait3A_335 = arith.constant 0 : i32
        %dma_wait3A_336 = tpu.memref_slice %arg2[%dma_wait3A_334, %dma_wait3A_335] : memref<10240x128xf32, #tpu.memory_space<hbm>> -> memref<10240x128xf32, #tpu.memory_space<hbm>>
        tpu.wait_indirect_dma semaphore(%arg9 : memref<!tpu.dma_semaphore, #tpu.memory_space<semaphore_mem>>) src(%dma_wait3A_336 : memref<10240x128xf32, #tpu.memory_space<hbm>>) dst(%dma_wait3A_330 : memref<128x128xf32, #tpu.memory_space<vmem>>)
        %dma_start3A_337 = arith.constant 0 : i32
        %dma_start3A_338 = arith.constant 0 : i32
        %dma_start3A_339 = arith.constant 0 : i32
        %dma_start3A_340 = tpu.memref_slice %arg7[%dma_start3A_337, %dma_start3A_338, %dma_start3A_339] : memref<2x128x128xf32, #tpu.memory_space<vmem>> -> memref<1x128x128xf32, #tpu.memory_space<vmem>>
        %dma_start3A_341 = tpu.memref_squeeze %dma_start3A_340 : memref<1x128x128xf32, #tpu.memory_space<vmem>> -> memref<128x128xf32, #tpu.memory_space<vmem>>
        %dma_start3A_342 = arith.constant 0 : i32
        %dma_start3A_343 = tpu.memref_slice %arg6[%add3A_299, %dma_start3A_342] : memref<40x128xi32, #tpu.memory_space<vmem>> -> memref<1x128xi32, #tpu.memory_space<vmem>>
        %dma_start3A_344 = tpu.memref_squeeze %dma_start3A_343 : memref<1x128xi32, #tpu.memory_space<vmem>> -> memref<128xi32, #tpu.memory_space<vmem>>
        %dma_start3A_345 = arith.constant 0 : i32
        %dma_start3A_346 = arith.constant 0 : i32
        %dma_start3A_347 = tpu.memref_slice %arg8[%dma_start3A_345, %dma_start3A_346] : memref<10240x128xf32, #tpu.memory_space<vmem_shared>> -> memref<10240x128xf32, #tpu.memory_space<vmem_shared>>
        tpu.enqueue_indirect_dma source(%dma_start3A_341 : memref<128x128xf32, #tpu.memory_space<vmem>>) target(%dma_start3A_347 : memref<10240x128xf32, #tpu.memory_space<vmem_shared>>) offsets(%dma_start3A_344 : memref<128xi32, #tpu.memory_space<vmem>>) semaphore(%arg11 : memref<!tpu.dma_semaphore, #tpu.memory_space<semaphore_mem>>) {add = true}
        %scan3A_348 = arith.constant 0 : i32
        scf.yield %scan3A_348 : i32
      }
      %scan3A_190 = arith.constant 19 : i32
      %dma_wait3A_191 = arith.constant 39 : i32
      %dma_wait3A_192 = arith.constant 1 : i32
      %dma_wait3A_193 = arith.constant 0 : i32
      %dma_wait3A_194 = arith.constant 0 : i32
      %dma_wait3A_195 = tpu.memref_slice %arg7[%dma_wait3A_192, %dma_wait3A_193, %dma_wait3A_194] : memref<2x128x128xf32, #tpu.memory_space<vmem>> -> memref<1x128x128xf32, #tpu.memory_space<vmem>>
      %dma_wait3A_196 = tpu.memref_squeeze %dma_wait3A_195 : memref<1x128x128xf32, #tpu.memory_space<vmem>> -> memref<128x128xf32, #tpu.memory_space<vmem>>
      %dma_wait3A_197 = arith.constant 0 : i32
      %dma_wait3A_198 = tpu.memref_slice %arg5[%dma_wait3A_191, %dma_wait3A_197] : memref<40x128xi32, #tpu.memory_space<vmem>> -> memref<1x128xi32, #tpu.memory_space<vmem>>
      %dma_wait3A_199 = tpu.memref_squeeze %dma_wait3A_198 : memref<1x128xi32, #tpu.memory_space<vmem>> -> memref<128xi32, #tpu.memory_space<vmem>>
      %dma_wait3A_200 = arith.constant 0 : i32
      %dma_wait3A_201 = arith.constant 0 : i32
      %dma_wait3A_202 = tpu.memref_slice %arg2[%dma_wait3A_200, %dma_wait3A_201] : memref<10240x128xf32, #tpu.memory_space<hbm>> -> memref<10240x128xf32, #tpu.memory_space<hbm>>
      tpu.wait_indirect_dma semaphore(%arg10 : memref<!tpu.dma_semaphore, #tpu.memory_space<semaphore_mem>>) src(%dma_wait3A_202 : memref<10240x128xf32, #tpu.memory_space<hbm>>) dst(%dma_wait3A_196 : memref<128x128xf32, #tpu.memory_space<vmem>>)
      %dma_start3A_203 = arith.constant 1 : i32
      %dma_start3A_204 = arith.constant 39 : i32
      %dma_start3A_205 = arith.constant 0 : i32
      %dma_start3A_206 = arith.constant 0 : i32
      %dma_start3A_207 = tpu.memref_slice %arg7[%dma_start3A_203, %dma_start3A_205, %dma_start3A_206] : memref<2x128x128xf32, #tpu.memory_space<vmem>> -> memref<1x128x128xf32, #tpu.memory_space<vmem>>
      %dma_start3A_208 = tpu.memref_squeeze %dma_start3A_207 : memref<1x128x128xf32, #tpu.memory_space<vmem>> -> memref<128x128xf32, #tpu.memory_space<vmem>>
      %dma_start3A_209 = arith.constant 0 : i32
      %dma_start3A_210 = tpu.memref_slice %arg6[%dma_start3A_204, %dma_start3A_209] : memref<40x128xi32, #tpu.memory_space<vmem>> -> memref<1x128xi32, #tpu.memory_space<vmem>>
      %dma_start3A_211 = tpu.memref_squeeze %dma_start3A_210 : memref<1x128xi32, #tpu.memory_space<vmem>> -> memref<128xi32, #tpu.memory_space<vmem>>
      %dma_start3A_212 = arith.constant 0 : i32
      %dma_start3A_213 = arith.constant 0 : i32
      %dma_start3A_214 = tpu.memref_slice %arg8[%dma_start3A_212, %dma_start3A_213] : memref<10240x128xf32, #tpu.memory_space<vmem_shared>> -> memref<10240x128xf32, #tpu.memory_space<vmem_shared>>
      tpu.enqueue_indirect_dma source(%dma_start3A_208 : memref<128x128xf32, #tpu.memory_space<vmem>>) target(%dma_start3A_214 : memref<10240x128xf32, #tpu.memory_space<vmem_shared>>) offsets(%dma_start3A_211 : memref<128xi32, #tpu.memory_space<vmem>>) semaphore(%arg12 : memref<!tpu.dma_semaphore, #tpu.memory_space<semaphore_mem>>) {add = true}
      %dma_wait3A_215 = arith.constant 0 : i32
      %dma_wait3A_216 = arith.constant 38 : i32
      %dma_wait3A_217 = arith.constant 0 : i32
      %dma_wait3A_218 = arith.constant 0 : i32
      %dma_wait3A_219 = tpu.memref_slice %arg7[%dma_wait3A_215, %dma_wait3A_217, %dma_wait3A_218] : memref<2x128x128xf32, #tpu.memory_space<vmem>> -> memref<1x128x128xf32, #tpu.memory_space<vmem>>
      %dma_wait3A_220 = tpu.memref_squeeze %dma_wait3A_219 : memref<1x128x128xf32, #tpu.memory_space<vmem>> -> memref<128x128xf32, #tpu.memory_space<vmem>>
      %dma_wait3A_221 = arith.constant 0 : i32
      %dma_wait3A_222 = tpu.memref_slice %arg6[%dma_wait3A_216, %dma_wait3A_221] : memref<40x128xi32, #tpu.memory_space<vmem>> -> memref<1x128xi32, #tpu.memory_space<vmem>>
      %dma_wait3A_223 = tpu.memref_squeeze %dma_wait3A_222 : memref<1x128xi32, #tpu.memory_space<vmem>> -> memref<128xi32, #tpu.memory_space<vmem>>
      %dma_wait3A_224 = arith.constant 0 : i32
      %dma_wait3A_225 = arith.constant 0 : i32
      %dma_wait3A_226 = tpu.memref_slice %arg8[%dma_wait3A_224, %dma_wait3A_225] : memref<10240x128xf32, #tpu.memory_space<vmem_shared>> -> memref<10240x128xf32, #tpu.memory_space<vmem_shared>>
      tpu.wait_indirect_dma semaphore(%arg11 : memref<!tpu.dma_semaphore, #tpu.memory_space<semaphore_mem>>) src(%dma_wait3A_220 : memref<128x128xf32, #tpu.memory_space<vmem>>) dst(%dma_wait3A_226 : memref<10240x128xf32, #tpu.memory_space<vmem_shared>>)
      %dma_wait3A_227 = arith.constant 1 : i32
      %dma_wait3A_228 = arith.constant 39 : i32
      %dma_wait3A_229 = arith.constant 0 : i32
      %dma_wait3A_230 = arith.constant 0 : i32
      %dma_wait3A_231 = tpu.memref_slice %arg7[%dma_wait3A_227, %dma_wait3A_229, %dma_wait3A_230] : memref<2x128x128xf32, #tpu.memory_space<vmem>> -> memref<1x128x128xf32, #tpu.memory_space<vmem>>
      %dma_wait3A_232 = tpu.memref_squeeze %dma_wait3A_231 : memref<1x128x128xf32, #tpu.memory_space<vmem>> -> memref<128x128xf32, #tpu.memory_space<vmem>>
      %dma_wait3A_233 = arith.constant 0 : i32
      %dma_wait3A_234 = tpu.memref_slice %arg6[%dma_wait3A_228, %dma_wait3A_233] : memref<40x128xi32, #tpu.memory_space<vmem>> -> memref<1x128xi32, #tpu.memory_space<vmem>>
      %dma_wait3A_235 = tpu.memref_squeeze %dma_wait3A_234 : memref<1x128xi32, #tpu.memory_space<vmem>> -> memref<128xi32, #tpu.memory_space<vmem>>
      %dma_wait3A_236 = arith.constant 0 : i32
      %dma_wait3A_237 = arith.constant 0 : i32
      %dma_wait3A_238 = tpu.memref_slice %arg8[%dma_wait3A_236, %dma_wait3A_237] : memref<10240x128xf32, #tpu.memory_space<vmem_shared>> -> memref<10240x128xf32, #tpu.memory_space<vmem_shared>>
      tpu.wait_indirect_dma semaphore(%arg12 : memref<!tpu.dma_semaphore, #tpu.memory_space<semaphore_mem>>) src(%dma_wait3A_232 : memref<128x128xf32, #tpu.memory_space<vmem>>) dst(%dma_wait3A_238 : memref<10240x128xf32, #tpu.memory_space<vmem_shared>>)
    } else {
    }
    %barrier3A_124 = arith.constant 0 : index
    tpu.barrier barrier_id(%barrier3A_124)
    %mul3A_125 = arith.constant 640 : i32
    %mul3A_126 = arith.muli %arg1, %mul3A_125 : i32
    %mul3A_127 = arith.constant 640 : i32
    %mul3A_128 = arith.muli %arg1, %mul3A_127 : i32
    "tpu.region"() ({
      %run_scoped3A_129 = tpu.sem_alloc : memref<!tpu.dma_semaphore, #tpu.memory_space<semaphore_mem>>
      %dma_start3A_130 = arith.constant 0 : i32
      %dma_start3A_131 = tpu.memref_slice %arg4[%arg0, %mul3A_128, %dma_start3A_130] : memref<2x10240x128xf32, #tpu.memory_space<hbm>> -> memref<1x640x128xf32, #tpu.memory_space<hbm>>
      %dma_start3A_132 = tpu.memref_squeeze %dma_start3A_131 : memref<1x640x128xf32, #tpu.memory_space<hbm>> -> memref<640x128xf32, #tpu.memory_space<hbm>>
      %dma_start3A_133 = arith.constant 0 : i32
      %dma_start3A_134 = tpu.memref_slice %arg8[%mul3A_126, %dma_start3A_133] : memref<10240x128xf32, #tpu.memory_space<vmem_shared>> -> memref<640x128xf32, #tpu.memory_space<vmem_shared>>
      tpu.enqueue_dma source(%dma_start3A_134 : memref<640x128xf32, #tpu.memory_space<vmem_shared>>) target(%dma_start3A_132 : memref<640x128xf32, #tpu.memory_space<hbm>>) target_semaphore(%run_scoped3A_129 : memref<!tpu.dma_semaphore, #tpu.memory_space<semaphore_mem>>)
      %dma_wait3A_135 = arith.constant 0 : i32
      %dma_wait3A_136 = tpu.memref_slice %arg4[%arg0, %mul3A_128, %dma_wait3A_135] : memref<2x10240x128xf32, #tpu.memory_space<hbm>> -> memref<1x640x128xf32, #tpu.memory_space<hbm>>
      %dma_wait3A_137 = tpu.memref_squeeze %dma_wait3A_136 : memref<1x640x128xf32, #tpu.memory_space<hbm>> -> memref<640x128xf32, #tpu.memory_space<hbm>>
      %dma_wait3A_138 = arith.constant 0 : i32
      %dma_wait3A_139 = tpu.memref_slice %arg8[%mul3A_126, %dma_wait3A_138] : memref<10240x128xf32, #tpu.memory_space<vmem_shared>> -> memref<640x128xf32, #tpu.memory_space<vmem_shared>>
      tpu.wait_dma2 semaphore(%run_scoped3A_129 : memref<!tpu.dma_semaphore, #tpu.memory_space<semaphore_mem>>) src(%dma_wait3A_139 : memref<640x128xf32, #tpu.memory_space<vmem_shared>>) dst(%dma_wait3A_137 : memref<640x128xf32, #tpu.memory_space<hbm>>)
      tpu.yield
    }) : () -> ()
    return
  }
}

#map = affine_map<(d0, d1) -> (0, 0, 0)>
#map1 = affine_map<(d0, d1) -> (0, 0)>
module attributes {stable_mosaic.version = 14 : i64} {
  func.func @_sc_degree(%arg0: i32, %arg1: i32, %arg2: memref<2x2520x128xi32, #tpu.memory_space<hbm>>, %arg3: memref<2x10240xf32, #tpu.memory_space<hbm>>, %arg4: memref<80x128xi32, #tpu.memory_space<vmem>>, %arg5: memref<640xf32, #tpu.memory_space<vmem>>, %arg6: memref<128xf32, #tpu.memory_space<vmem>>, %arg7: memref<10240xf32, #tpu.memory_space<vmem_shared>>, %arg8: memref<!tpu.dma_semaphore, #tpu.memory_space<semaphore_mem>>) attributes {dimension_semantics = [#tpu.dimension_semantics<core_parallel>, #tpu.dimension_semantics<subcore_parallel>], iteration_bounds = array<i64: 2, 16>, scalar_prefetch = 0 : i64, scratch_operands = 5 : i64, tpu.core_type = #tpu.core_type<sc_vector_subcore>, window_params = [{transform_indices = #map}, {transform_indices = #map1}]} {
    %mul3A = arith.constant 16 : i32
    %mul3A_0 = arith.muli %arg0, %mul3A : i32
    %add3A = arith.addi %mul3A_0, %arg1 : i32
    %mul3A_1 = arith.constant 80 : i32
    %mul3A_2 = arith.muli %add3A, %mul3A_1 : i32
    %multiple_of3A = tpu.assume_multiple %mul3A_2, 8 : i32
    %scan3A = arith.constant 0 : i32
    %scan3A_3 = arith.constant 0 : i32
    %scan3A_4 = arith.constant 40 : i32
    %scan3A_5 = arith.addi %scan3A_3, %scan3A_4 : i32
    %scan3A_6 = arith.constant 1 : i32
    %scan3A_7 = scf.for %scan3A_50 = %scan3A_3 to %scan3A_5 step %scan3A_6 iter_args(%scan3A_51 = %scan3A) -> (i32)  : i32 {
      %broadcast_in_dim3A = arith.constant 0.000000e+00 : f32
      %broadcast_in_dim3A_52 = vector.broadcast %broadcast_in_dim3A : f32 to vector<16xf32>
      %mul3A_53 = arith.constant 16 : i32
      %mul3A_54 = arith.muli %scan3A_50, %mul3A_53 : i32
      %swap3A = arith.index_cast %mul3A_54 : i32 to index
      %swap3A_55 = tpu.vector_load %arg5[%swap3A] {strides = array<i32>} : memref<640xf32, #tpu.memory_space<vmem>>, vector<16xf32>,
      %swap3A_56 = vector.shape_cast %swap3A_55 : vector<16xf32> to vector<16xf32>
      %swap3A_57 = vector.shape_cast %broadcast_in_dim3A_52 : vector<16xf32> to vector<16xf32>
      tpu.vector_store %arg5[%swap3A], %swap3A_57 {strides = array<i32>} : memref<640xf32, #tpu.memory_space<vmem>>, vector<16xf32>,
      %scan3A_58 = arith.constant 0 : i32
      scf.yield %scan3A_58 : i32
    }
    %scan3A_8 = arith.constant 40 : i32
    %scan3A_9 = arith.constant 0 : i32
    %scan3A_10 = arith.constant 0 : i32
    %scan3A_11 = arith.constant 8 : i32
    %scan3A_12 = arith.addi %scan3A_10, %scan3A_11 : i32
    %scan3A_13 = arith.constant 1 : i32
    %scan3A_14 = scf.for %scan3A_50 = %scan3A_10 to %scan3A_12 step %scan3A_13 iter_args(%scan3A_51 = %scan3A_9) -> (i32)  : i32 {
      %broadcast_in_dim3A = arith.constant 1.000000e+00 : f32
      %broadcast_in_dim3A_52 = vector.broadcast %broadcast_in_dim3A : f32 to vector<16xf32>
      %mul3A_53 = arith.constant 16 : i32
      %mul3A_54 = arith.muli %scan3A_50, %mul3A_53 : i32
      %swap3A = arith.index_cast %mul3A_54 : i32 to index
      %swap3A_55 = tpu.vector_load %arg6[%swap3A] {strides = array<i32>} : memref<128xf32, #tpu.memory_space<vmem>>, vector<16xf32>,
      %swap3A_56 = vector.shape_cast %swap3A_55 : vector<16xf32> to vector<16xf32>
      %swap3A_57 = vector.shape_cast %broadcast_in_dim3A_52 : vector<16xf32> to vector<16xf32>
      tpu.vector_store %arg6[%swap3A], %swap3A_57 {strides = array<i32>} : memref<128xf32, #tpu.memory_space<vmem>>, vector<16xf32>,
      %scan3A_58 = arith.constant 0 : i32
      scf.yield %scan3A_58 : i32
    }
    %scan3A_15 = arith.constant 8 : i32
    %eq3A = arith.constant 31 : i32
    %eq3A_16 = arith.cmpi eq, %add3A, %eq3A : i32
    %jit3A = arith.constant 40 : i32
    %jit3A_17 = arith.constant 80 : i32
    %select_n3A = arith.select %eq3A_16, %jit3A, %jit3A_17 : i32
    %run_scoped3A = arith.constant 1 : i32
    "tpu.region"() ({
      %run_scoped3A_50 = tpu.sem_alloc : memref<!tpu.dma_semaphore, #tpu.memory_space<semaphore_mem>>
      %dma_start3A = arith.constant 0 : i32
      %dma_start3A_51 = arith.constant 0 : i32
      %dma_start3A_52 = tpu.memref_slice %arg4[%dma_start3A, %dma_start3A_51] : memref<80x128xi32, #tpu.memory_space<vmem>> -> memref<40x128xi32, #tpu.memory_space<vmem>>
      %dma_start3A_53 = arith.constant 0 : i32
      %dma_start3A_54 = tpu.memref_slice %arg2[%run_scoped3A, %multiple_of3A, %dma_start3A_53] : memref<2x2520x128xi32, #tpu.memory_space<hbm>> -> memref<1x40x128xi32, #tpu.memory_space<hbm>>
      %dma_start3A_55 = tpu.memref_squeeze %dma_start3A_54 : memref<1x40x128xi32, #tpu.memory_space<hbm>> -> memref<40x128xi32, #tpu.memory_space<hbm>>
      %dma_start3A_56 = arith.constant 0 : i32
      %dma_start3A_57 = arith.constant 0 : i32
      %dma_start3A_58 = tpu.memref_slice %arg4[%dma_start3A_56, %dma_start3A_57] : memref<80x128xi32, #tpu.memory_space<vmem>> -> memref<40x128xi32, #tpu.memory_space<vmem>>
      %dma_start3A_59 = arith.constant 0 : i32
      %dma_start3A_60 = tpu.memref_slice %arg2[%run_scoped3A, %multiple_of3A, %dma_start3A_59] : memref<2x2520x128xi32, #tpu.memory_space<hbm>> -> memref<1x40x128xi32, #tpu.memory_space<hbm>>
      %dma_start3A_61 = tpu.memref_squeeze %dma_start3A_60 : memref<1x40x128xi32, #tpu.memory_space<hbm>> -> memref<40x128xi32, #tpu.memory_space<hbm>>
      tpu.enqueue_dma source(%dma_start3A_61 : memref<40x128xi32, #tpu.memory_space<hbm>>) target(%dma_start3A_58 : memref<40x128xi32, #tpu.memory_space<vmem>>) target_semaphore(%run_scoped3A_50 : memref<!tpu.dma_semaphore, #tpu.memory_space<semaphore_mem>>)
      %dma_wait3A = arith.constant 0 : i32
      %dma_wait3A_62 = arith.constant 0 : i32
      %dma_wait3A_63 = tpu.memref_slice %arg4[%dma_wait3A, %dma_wait3A_62] : memref<80x128xi32, #tpu.memory_space<vmem>> -> memref<40x128xi32, #tpu.memory_space<vmem>>
      %dma_wait3A_64 = arith.constant 0 : i32
      %dma_wait3A_65 = tpu.memref_slice %arg2[%run_scoped3A, %multiple_of3A, %dma_wait3A_64] : memref<2x2520x128xi32, #tpu.memory_space<hbm>> -> memref<1x40x128xi32, #tpu.memory_space<hbm>>
      %dma_wait3A_66 = tpu.memref_squeeze %dma_wait3A_65 : memref<1x40x128xi32, #tpu.memory_space<hbm>> -> memref<40x128xi32, #tpu.memory_space<hbm>>
      %dma_wait3A_67 = arith.constant 0 : i32
      %dma_wait3A_68 = arith.constant 0 : i32
      %dma_wait3A_69 = tpu.memref_slice %arg4[%dma_wait3A_67, %dma_wait3A_68] : memref<80x128xi32, #tpu.memory_space<vmem>> -> memref<40x128xi32, #tpu.memory_space<vmem>>
      %dma_wait3A_70 = arith.constant 0 : i32
      %dma_wait3A_71 = tpu.memref_slice %arg2[%run_scoped3A, %multiple_of3A, %dma_wait3A_70] : memref<2x2520x128xi32, #tpu.memory_space<hbm>> -> memref<1x40x128xi32, #tpu.memory_space<hbm>>
      %dma_wait3A_72 = tpu.memref_squeeze %dma_wait3A_71 : memref<1x40x128xi32, #tpu.memory_space<hbm>> -> memref<40x128xi32, #tpu.memory_space<hbm>>
      tpu.wait_dma2 semaphore(%run_scoped3A_50 : memref<!tpu.dma_semaphore, #tpu.memory_space<semaphore_mem>>) src(%dma_wait3A_72 : memref<40x128xi32, #tpu.memory_space<hbm>>) dst(%dma_wait3A_69 : memref<40x128xi32, #tpu.memory_space<vmem>>)
      tpu.yield
    }) : () -> ()
    %ne3A = arith.constant 31 : i32
    %ne3A_18 = arith.cmpi ne, %add3A, %ne3A : i32
    %convert_element_type3A = arith.extui %ne3A_18 : i1 to i32
    %cond3A = arith.constant 0 : i32
    %cond3A_19 = arith.cmpi ne, %convert_element_type3A, %cond3A : i32
    scf.if %cond3A_19 {
      %add3A_50 = arith.constant 40 : i32
      %add3A_51 = arith.addi %multiple_of3A, %add3A_50 : i32
      %run_scoped3A_52 = arith.constant 1 : i32
      "tpu.region"() ({
        %run_scoped3A_53 = tpu.sem_alloc : memref<!tpu.dma_semaphore, #tpu.memory_space<semaphore_mem>>
        %dma_start3A = arith.constant 40 : i32
        %dma_start3A_54 = arith.constant 0 : i32
        %dma_start3A_55 = tpu.memref_slice %arg4[%dma_start3A, %dma_start3A_54] : memref<80x128xi32, #tpu.memory_space<vmem>> -> memref<40x128xi32, #tpu.memory_space<vmem>>
        %dma_start3A_56 = arith.constant 0 : i32
        %dma_start3A_57 = tpu.memref_slice %arg2[%run_scoped3A_52, %add3A_51, %dma_start3A_56] : memref<2x2520x128xi32, #tpu.memory_space<hbm>> -> memref<1x40x128xi32, #tpu.memory_space<hbm>>
        %dma_start3A_58 = tpu.memref_squeeze %dma_start3A_57 : memref<1x40x128xi32, #tpu.memory_space<hbm>> -> memref<40x128xi32, #tpu.memory_space<hbm>>
        %dma_start3A_59 = arith.constant 40 : i32
        %dma_start3A_60 = arith.constant 0 : i32
        %dma_start3A_61 = tpu.memref_slice %arg4[%dma_start3A_59, %dma_start3A_60] : memref<80x128xi32, #tpu.memory_space<vmem>> -> memref<40x128xi32, #tpu.memory_space<vmem>>
        %dma_start3A_62 = arith.constant 0 : i32
        %dma_start3A_63 = tpu.memref_slice %arg2[%run_scoped3A_52, %add3A_51, %dma_start3A_62] : memref<2x2520x128xi32, #tpu.memory_space<hbm>> -> memref<1x40x128xi32, #tpu.memory_space<hbm>>
        %dma_start3A_64 = tpu.memref_squeeze %dma_start3A_63 : memref<1x40x128xi32, #tpu.memory_space<hbm>> -> memref<40x128xi32, #tpu.memory_space<hbm>>
        tpu.enqueue_dma source(%dma_start3A_64 : memref<40x128xi32, #tpu.memory_space<hbm>>) target(%dma_start3A_61 : memref<40x128xi32, #tpu.memory_space<vmem>>) target_semaphore(%run_scoped3A_53 : memref<!tpu.dma_semaphore, #tpu.memory_space<semaphore_mem>>)
        %dma_wait3A = arith.constant 40 : i32
        %dma_wait3A_65 = arith.constant 0 : i32
        %dma_wait3A_66 = tpu.memref_slice %arg4[%dma_wait3A, %dma_wait3A_65] : memref<80x128xi32, #tpu.memory_space<vmem>> -> memref<40x128xi32, #tpu.memory_space<vmem>>
        %dma_wait3A_67 = arith.constant 0 : i32
        %dma_wait3A_68 = tpu.memref_slice %arg2[%run_scoped3A_52, %add3A_51, %dma_wait3A_67] : memref<2x2520x128xi32, #tpu.memory_space<hbm>> -> memref<1x40x128xi32, #tpu.memory_space<hbm>>
        %dma_wait3A_69 = tpu.memref_squeeze %dma_wait3A_68 : memref<1x40x128xi32, #tpu.memory_space<hbm>> -> memref<40x128xi32, #tpu.memory_space<hbm>>
        %dma_wait3A_70 = arith.constant 40 : i32
        %dma_wait3A_71 = arith.constant 0 : i32
        %dma_wait3A_72 = tpu.memref_slice %arg4[%dma_wait3A_70, %dma_wait3A_71] : memref<80x128xi32, #tpu.memory_space<vmem>> -> memref<40x128xi32, #tpu.memory_space<vmem>>
        %dma_wait3A_73 = arith.constant 0 : i32
        %dma_wait3A_74 = tpu.memref_slice %arg2[%run_scoped3A_52, %add3A_51, %dma_wait3A_73] : memref<2x2520x128xi32, #tpu.memory_space<hbm>> -> memref<1x40x128xi32, #tpu.memory_space<hbm>>
        %dma_wait3A_75 = tpu.memref_squeeze %dma_wait3A_74 : memref<1x40x128xi32, #tpu.memory_space<hbm>> -> memref<40x128xi32, #tpu.memory_space<hbm>>
        tpu.wait_dma2 semaphore(%run_scoped3A_53 : memref<!tpu.dma_semaphore, #tpu.memory_space<semaphore_mem>>) src(%dma_wait3A_75 : memref<40x128xi32, #tpu.memory_space<hbm>>) dst(%dma_wait3A_72 : memref<40x128xi32, #tpu.memory_space<vmem>>)
        tpu.yield
      }) : () -> ()
    } else {
    }
    %mul3A_20 = arith.constant 640 : i32
    %mul3A_21 = arith.muli %arg1, %mul3A_20 : i32
    "tpu.region"() ({
      %run_scoped3A_50 = tpu.sem_alloc : memref<!tpu.dma_semaphore, #tpu.memory_space<semaphore_mem>>
      %dma_start3A = tpu.memref_slice %arg7[%mul3A_21] : memref<10240xf32, #tpu.memory_space<vmem_shared>> -> memref<640xf32, #tpu.memory_space<vmem_shared>>
      %dma_start3A_51 = tpu.memref_slice %arg7[%mul3A_21] : memref<10240xf32, #tpu.memory_space<vmem_shared>> -> memref<640xf32, #tpu.memory_space<vmem_shared>>
      tpu.enqueue_dma source(%arg5 : memref<640xf32, #tpu.memory_space<vmem>>) target(%dma_start3A_51 : memref<640xf32, #tpu.memory_space<vmem_shared>>) target_semaphore(%run_scoped3A_50 : memref<!tpu.dma_semaphore, #tpu.memory_space<semaphore_mem>>)
      %dma_wait3A = tpu.memref_slice %arg7[%mul3A_21] : memref<10240xf32, #tpu.memory_space<vmem_shared>> -> memref<640xf32, #tpu.memory_space<vmem_shared>>
      %dma_wait3A_52 = tpu.memref_slice %arg7[%mul3A_21] : memref<10240xf32, #tpu.memory_space<vmem_shared>> -> memref<640xf32, #tpu.memory_space<vmem_shared>>
      tpu.wait_dma2 semaphore(%run_scoped3A_50 : memref<!tpu.dma_semaphore, #tpu.memory_space<semaphore_mem>>) src(%arg5 : memref<640xf32, #tpu.memory_space<vmem>>) dst(%dma_wait3A_52 : memref<640xf32, #tpu.memory_space<vmem_shared>>)
      tpu.yield
    }) : () -> ()
    %barrier3A = arith.constant 0 : index
    tpu.barrier barrier_id(%barrier3A)
    %while3A = arith.constant 0 : i32
    %while3A_22 = arith.constant 0 : i32
    %while3A_23 = arith.subi %select_n3A, %while3A : i32
    %while3A_24 = arith.addi %while3A, %while3A_23 : i32
    %while3A_25 = arith.constant 1 : i32
    %while3A_26 = arith.divsi %while3A_23, %while3A_25 : i32
    %while3A_27 = arith.muli %while3A_26, %while3A_25 : i32
    %while3A_28 = arith.addi %while3A, %while3A_27 : i32
    %while3A_29 = arith.constant 1 : i32
    %while3A_30 = scf.for %while3A_50 = %while3A to %while3A_28 step %while3A_29 iter_args(%while3A_51 = %while3A_22) -> (i32)  : i32 {
      %dma_start3A = arith.constant 0 : i32
      %dma_start3A_52 = tpu.memref_slice %arg4[%while3A_50, %dma_start3A] : memref<80x128xi32, #tpu.memory_space<vmem>> -> memref<1x128xi32, #tpu.memory_space<vmem>>
      %dma_start3A_53 = tpu.memref_squeeze %dma_start3A_52 : memref<1x128xi32, #tpu.memory_space<vmem>> -> memref<128xi32, #tpu.memory_space<vmem>>
      %dma_start3A_54 = arith.constant 0 : i32
      %dma_start3A_55 = tpu.memref_slice %arg7[%dma_start3A_54] : memref<10240xf32, #tpu.memory_space<vmem_shared>> -> memref<10240xf32, #tpu.memory_space<vmem_shared>>
      tpu.enqueue_indirect_dma source(%arg6 : memref<128xf32, #tpu.memory_space<vmem>>) target(%dma_start3A_55 : memref<10240xf32, #tpu.memory_space<vmem_shared>>) offsets(%dma_start3A_53 : memref<128xi32, #tpu.memory_space<vmem>>) semaphore(%arg8 : memref<!tpu.dma_semaphore, #tpu.memory_space<semaphore_mem>>) {add = true}
      %while3A_56 = arith.constant 0 : i32
      scf.yield %while3A_56 : i32
    }
    %while3A_31 = arith.constant 1 : i32
    %while3A_32 = scf.for %while3A_50 = %while3A_28 to %while3A_24 step %while3A_31 iter_args(%while3A_51 = %while3A_30) -> (i32)  : i32 {
      %dma_start3A = arith.constant 0 : i32
      %dma_start3A_52 = tpu.memref_slice %arg4[%while3A_50, %dma_start3A] : memref<80x128xi32, #tpu.memory_space<vmem>> -> memref<1x128xi32, #tpu.memory_space<vmem>>
      %dma_start3A_53 = tpu.memref_squeeze %dma_start3A_52 : memref<1x128xi32, #tpu.memory_space<vmem>> -> memref<128xi32, #tpu.memory_space<vmem>>
      %dma_start3A_54 = arith.constant 0 : i32
      %dma_start3A_55 = tpu.memref_slice %arg7[%dma_start3A_54] : memref<10240xf32, #tpu.memory_space<vmem_shared>> -> memref<10240xf32, #tpu.memory_space<vmem_shared>>
      tpu.enqueue_indirect_dma source(%arg6 : memref<128xf32, #tpu.memory_space<vmem>>) target(%dma_start3A_55 : memref<10240xf32, #tpu.memory_space<vmem_shared>>) offsets(%dma_start3A_53 : memref<128xi32, #tpu.memory_space<vmem>>) semaphore(%arg8 : memref<!tpu.dma_semaphore, #tpu.memory_space<semaphore_mem>>) {add = true}
      %while3A_56 = arith.constant 0 : i32
      scf.yield %while3A_56 : i32
    }
    %while3A_33 = arith.constant 0 : i32
    %while3A_34 = arith.constant 0 : i32
    %while3A_35 = arith.subi %select_n3A, %while3A_33 : i32
    %while3A_36 = arith.addi %while3A_33, %while3A_35 : i32
    %while3A_37 = arith.constant 1 : i32
    %while3A_38 = arith.divsi %while3A_35, %while3A_37 : i32
    %while3A_39 = arith.muli %while3A_38, %while3A_37 : i32
    %while3A_40 = arith.addi %while3A_33, %while3A_39 : i32
    %while3A_41 = arith.constant 1 : i32
    %while3A_42 = scf.for %while3A_50 = %while3A_33 to %while3A_40 step %while3A_41 iter_args(%while3A_51 = %while3A_34) -> (i32)  : i32 {
      %dma_wait3A = arith.constant 0 : i32
      %dma_wait3A_52 = tpu.memref_slice %arg4[%while3A_50, %dma_wait3A] : memref<80x128xi32, #tpu.memory_space<vmem>> -> memref<1x128xi32, #tpu.memory_space<vmem>>
      %dma_wait3A_53 = tpu.memref_squeeze %dma_wait3A_52 : memref<1x128xi32, #tpu.memory_space<vmem>> -> memref<128xi32, #tpu.memory_space<vmem>>
      %dma_wait3A_54 = arith.constant 0 : i32
      %dma_wait3A_55 = tpu.memref_slice %arg7[%dma_wait3A_54] : memref<10240xf32, #tpu.memory_space<vmem_shared>> -> memref<10240xf32, #tpu.memory_space<vmem_shared>>
      tpu.wait_indirect_dma semaphore(%arg8 : memref<!tpu.dma_semaphore, #tpu.memory_space<semaphore_mem>>) src(%arg6 : memref<128xf32, #tpu.memory_space<vmem>>) dst(%dma_wait3A_55 : memref<10240xf32, #tpu.memory_space<vmem_shared>>)
      %while3A_56 = arith.constant 0 : i32
      scf.yield %while3A_56 : i32
    }
    %while3A_43 = arith.constant 1 : i32
    %while3A_44 = scf.for %while3A_50 = %while3A_40 to %while3A_36 step %while3A_43 iter_args(%while3A_51 = %while3A_42) -> (i32)  : i32 {
      %dma_wait3A = arith.constant 0 : i32
      %dma_wait3A_52 = tpu.memref_slice %arg4[%while3A_50, %dma_wait3A] : memref<80x128xi32, #tpu.memory_space<vmem>> -> memref<1x128xi32, #tpu.memory_space<vmem>>
      %dma_wait3A_53 = tpu.memref_squeeze %dma_wait3A_52 : memref<1x128xi32, #tpu.memory_space<vmem>> -> memref<128xi32, #tpu.memory_space<vmem>>
      %dma_wait3A_54 = arith.constant 0 : i32
      %dma_wait3A_55 = tpu.memref_slice %arg7[%dma_wait3A_54] : memref<10240xf32, #tpu.memory_space<vmem_shared>> -> memref<10240xf32, #tpu.memory_space<vmem_shared>>
      tpu.wait_indirect_dma semaphore(%arg8 : memref<!tpu.dma_semaphore, #tpu.memory_space<semaphore_mem>>) src(%arg6 : memref<128xf32, #tpu.memory_space<vmem>>) dst(%dma_wait3A_55 : memref<10240xf32, #tpu.memory_space<vmem_shared>>)
      %while3A_56 = arith.constant 0 : i32
      scf.yield %while3A_56 : i32
    }
    %barrier3A_45 = arith.constant 0 : index
    tpu.barrier barrier_id(%barrier3A_45)
    %mul3A_46 = arith.constant 640 : i32
    %mul3A_47 = arith.muli %arg1, %mul3A_46 : i32
    %mul3A_48 = arith.constant 640 : i32
    %mul3A_49 = arith.muli %arg1, %mul3A_48 : i32
    "tpu.region"() ({
      %run_scoped3A_50 = tpu.sem_alloc : memref<!tpu.dma_semaphore, #tpu.memory_space<semaphore_mem>>
      %dma_start3A = tpu.memref_slice %arg3[%arg0, %mul3A_49] : memref<2x10240xf32, #tpu.memory_space<hbm>> -> memref<1x640xf32, #tpu.memory_space<hbm>>
      %dma_start3A_51 = tpu.memref_squeeze %dma_start3A : memref<1x640xf32, #tpu.memory_space<hbm>> -> memref<640xf32, #tpu.memory_space<hbm>>
      %dma_start3A_52 = tpu.memref_slice %arg7[%mul3A_47] : memref<10240xf32, #tpu.memory_space<vmem_shared>> -> memref<640xf32, #tpu.memory_space<vmem_shared>>
      tpu.enqueue_dma source(%dma_start3A_52 : memref<640xf32, #tpu.memory_space<vmem_shared>>) target(%dma_start3A_51 : memref<640xf32, #tpu.memory_space<hbm>>) target_semaphore(%run_scoped3A_50 : memref<!tpu.dma_semaphore, #tpu.memory_space<semaphore_mem>>)
      %dma_wait3A = tpu.memref_slice %arg3[%arg0, %mul3A_49] : memref<2x10240xf32, #tpu.memory_space<hbm>> -> memref<1x640xf32, #tpu.memory_space<hbm>>
      %dma_wait3A_53 = tpu.memref_squeeze %dma_wait3A : memref<1x640xf32, #tpu.memory_space<hbm>> -> memref<640xf32, #tpu.memory_space<hbm>>
      %dma_wait3A_54 = tpu.memref_slice %arg7[%mul3A_47] : memref<10240xf32, #tpu.memory_space<vmem_shared>> -> memref<640xf32, #tpu.memory_space<vmem_shared>>
      tpu.wait_dma2 semaphore(%run_scoped3A_50 : memref<!tpu.dma_semaphore, #tpu.memory_space<semaphore_mem>>) src(%dma_wait3A_54 : memref<640xf32, #tpu.memory_space<vmem_shared>>) dst(%dma_wait3A_53 : memref<640xf32, #tpu.memory_space<hbm>>)
      tpu.yield
    }) : () -> ()
    return
  }
}

#map = affine_map<(d0, d1) -> (0, 0)>
#map1 = affine_map<(d0, d1) -> (0, 0, 0)>
module attributes {stable_mosaic.version = 14 : i64} {
  func.func @_sc_prop(%arg0: i32, %arg1: i32, %arg2: memref<10240x128xf32, #tpu.memory_space<hbm>>, %arg3: memref<2x2520x128xi32, #tpu.memory_space<hbm>>, %arg4: memref<2x10240x128xf32, #tpu.memory_space<hbm>>, %arg5: memref<40x128xi32, #tpu.memory_space<vmem>>, %arg6: memref<40x128xi32, #tpu.memory_space<vmem>>, %arg7: memref<2x128x128xf32, #tpu.memory_space<vmem>>, %arg8: memref<10240x128xf32, #tpu.memory_space<vmem_shared>>, %arg9: memref<!tpu.dma_semaphore, #tpu.memory_space<semaphore_mem>>, %arg10: memref<!tpu.dma_semaphore, #tpu.memory_space<semaphore_mem>>, %arg11: memref<!tpu.dma_semaphore, #tpu.memory_space<semaphore_mem>>, %arg12: memref<!tpu.dma_semaphore, #tpu.memory_space<semaphore_mem>>, %arg13: memref<!tpu.dma_semaphore, #tpu.memory_space<semaphore_mem>>) attributes {dimension_semantics = [#tpu.dimension_semantics<core_parallel>, #tpu.dimension_semantics<subcore_parallel>], iteration_bounds = array<i64: 2, 16>, scalar_prefetch = 0 : i64, scratch_operands = 9 : i64, tpu.core_type = #tpu.core_type<sc_vector_subcore>, window_params = [{transform_indices = #map}, {transform_indices = #map1}, {transform_indices = #map1}]} {
    %mul3A = arith.constant 16 : i32
    %mul3A_0 = arith.muli %arg0, %mul3A : i32
    %add3A = arith.addi %mul3A_0, %arg1 : i32
    %mul3A_1 = arith.constant 640 : i32
    %mul3A_2 = arith.muli %arg1, %mul3A_1 : i32
    %mul3A_3 = arith.constant 640 : i32
    %mul3A_4 = arith.muli %arg1, %mul3A_3 : i32
    %dma_start3A = arith.constant 0 : i32
    %dma_start3A_5 = tpu.memref_slice %arg8[%mul3A_4, %dma_start3A] : memref<10240x128xf32, #tpu.memory_space<vmem_shared>> -> memref<640x128xf32, #tpu.memory_space<vmem_shared>>
    %dma_start3A_6 = arith.constant 0 : i32
    %dma_start3A_7 = tpu.memref_slice %arg2[%mul3A_2, %dma_start3A_6] : memref<10240x128xf32, #tpu.memory_space<hbm>> -> memref<640x128xf32, #tpu.memory_space<hbm>>
    tpu.enqueue_dma source(%dma_start3A_7 : memref<640x128xf32, #tpu.memory_space<hbm>>) target(%dma_start3A_5 : memref<640x128xf32, #tpu.memory_space<vmem_shared>>) target_semaphore(%arg13 : memref<!tpu.dma_semaphore, #tpu.memory_space<semaphore_mem>>)
    %mul3A_8 = arith.constant 80 : i32
    %mul3A_9 = arith.muli %add3A, %mul3A_8 : i32
    %multiple_of3A = tpu.assume_multiple %mul3A_9, 8 : i32
    %run_scoped3A = arith.constant 0 : i32
    "tpu.region"() ({
      %run_scoped3A_129 = tpu.sem_alloc : memref<!tpu.dma_semaphore, #tpu.memory_space<semaphore_mem>>
      %dma_start3A_130 = arith.constant 0 : i32
      %dma_start3A_131 = tpu.memref_slice %arg3[%run_scoped3A, %multiple_of3A, %dma_start3A_130] : memref<2x2520x128xi32, #tpu.memory_space<hbm>> -> memref<1x40x128xi32, #tpu.memory_space<hbm>>
      %dma_start3A_132 = tpu.memref_squeeze %dma_start3A_131 : memref<1x40x128xi32, #tpu.memory_space<hbm>> -> memref<40x128xi32, #tpu.memory_space<hbm>>
      %dma_start3A_133 = arith.constant 0 : i32
      %dma_start3A_134 = tpu.memref_slice %arg3[%run_scoped3A, %multiple_of3A, %dma_start3A_133] : memref<2x2520x128xi32, #tpu.memory_space<hbm>> -> memref<1x40x128xi32, #tpu.memory_space<hbm>>
      %dma_start3A_135 = tpu.memref_squeeze %dma_start3A_134 : memref<1x40x128xi32, #tpu.memory_space<hbm>> -> memref<40x128xi32, #tpu.memory_space<hbm>>
      tpu.enqueue_dma source(%dma_start3A_135 : memref<40x128xi32, #tpu.memory_space<hbm>>) target(%arg5 : memref<40x128xi32, #tpu.memory_space<vmem>>) target_semaphore(%run_scoped3A_129 : memref<!tpu.dma_semaphore, #tpu.memory_space<semaphore_mem>>)
      %dma_wait3A_136 = arith.constant 0 : i32
      %dma_wait3A_137 = tpu.memref_slice %arg3[%run_scoped3A, %multiple_of3A, %dma_wait3A_136] : memref<2x2520x128xi32, #tpu.memory_space<hbm>> -> memref<1x40x128xi32, #tpu.memory_space<hbm>>
      %dma_wait3A_138 = tpu.memref_squeeze %dma_wait3A_137 : memref<1x40x128xi32, #tpu.memory_space<hbm>> -> memref<40x128xi32, #tpu.memory_space<hbm>>
      %dma_wait3A_139 = arith.constant 0 : i32
      %dma_wait3A_140 = tpu.memref_slice %arg3[%run_scoped3A, %multiple_of3A, %dma_wait3A_139] : memref<2x2520x128xi32, #tpu.memory_space<hbm>> -> memref<1x40x128xi32, #tpu.memory_space<hbm>>
      %dma_wait3A_141 = tpu.memref_squeeze %dma_wait3A_140 : memref<1x40x128xi32, #tpu.memory_space<hbm>> -> memref<40x128xi32, #tpu.memory_space<hbm>>
      tpu.wait_dma2 semaphore(%run_scoped3A_129 : memref<!tpu.dma_semaphore, #tpu.memory_space<semaphore_mem>>) src(%dma_wait3A_141 : memref<40x128xi32, #tpu.memory_space<hbm>>) dst(%arg5 : memref<40x128xi32, #tpu.memory_space<vmem>>)
      tpu.yield
    }) : () -> ()
    %run_scoped3A_10 = arith.constant 1 : i32
    "tpu.region"() ({
      %run_scoped3A_129 = tpu.sem_alloc : memref<!tpu.dma_semaphore, #tpu.memory_space<semaphore_mem>>
      %dma_start3A_130 = arith.constant 0 : i32
      %dma_start3A_131 = tpu.memref_slice %arg3[%run_scoped3A_10, %multiple_of3A, %dma_start3A_130] : memref<2x2520x128xi32, #tpu.memory_space<hbm>> -> memref<1x40x128xi32, #tpu.memory_space<hbm>>
      %dma_start3A_132 = tpu.memref_squeeze %dma_start3A_131 : memref<1x40x128xi32, #tpu.memory_space<hbm>> -> memref<40x128xi32, #tpu.memory_space<hbm>>
      %dma_start3A_133 = arith.constant 0 : i32
      %dma_start3A_134 = tpu.memref_slice %arg3[%run_scoped3A_10, %multiple_of3A, %dma_start3A_133] : memref<2x2520x128xi32, #tpu.memory_space<hbm>> -> memref<1x40x128xi32, #tpu.memory_space<hbm>>
      %dma_start3A_135 = tpu.memref_squeeze %dma_start3A_134 : memref<1x40x128xi32, #tpu.memory_space<hbm>> -> memref<40x128xi32, #tpu.memory_space<hbm>>
      tpu.enqueue_dma source(%dma_start3A_135 : memref<40x128xi32, #tpu.memory_space<hbm>>) target(%arg6 : memref<40x128xi32, #tpu.memory_space<vmem>>) target_semaphore(%run_scoped3A_129 : memref<!tpu.dma_semaphore, #tpu.memory_space<semaphore_mem>>)
      %dma_wait3A_136 = arith.constant 0 : i32
      %dma_wait3A_137 = tpu.memref_slice %arg3[%run_scoped3A_10, %multiple_of3A, %dma_wait3A_136] : memref<2x2520x128xi32, #tpu.memory_space<hbm>> -> memref<1x40x128xi32, #tpu.memory_space<hbm>>
      %dma_wait3A_138 = tpu.memref_squeeze %dma_wait3A_137 : memref<1x40x128xi32, #tpu.memory_space<hbm>> -> memref<40x128xi32, #tpu.memory_space<hbm>>
      %dma_wait3A_139 = arith.constant 0 : i32
      %dma_wait3A_140 = tpu.memref_slice %arg3[%run_scoped3A_10, %multiple_of3A, %dma_wait3A_139] : memref<2x2520x128xi32, #tpu.memory_space<hbm>> -> memref<1x40x128xi32, #tpu.memory_space<hbm>>
      %dma_wait3A_141 = tpu.memref_squeeze %dma_wait3A_140 : memref<1x40x128xi32, #tpu.memory_space<hbm>> -> memref<40x128xi32, #tpu.memory_space<hbm>>
      tpu.wait_dma2 semaphore(%run_scoped3A_129 : memref<!tpu.dma_semaphore, #tpu.memory_space<semaphore_mem>>) src(%dma_wait3A_141 : memref<40x128xi32, #tpu.memory_space<hbm>>) dst(%arg6 : memref<40x128xi32, #tpu.memory_space<vmem>>)
      tpu.yield
    }) : () -> ()
    %mul3A_11 = arith.constant 640 : i32
    %mul3A_12 = arith.muli %arg1, %mul3A_11 : i32
    %mul3A_13 = arith.constant 640 : i32
    %mul3A_14 = arith.muli %arg1, %mul3A_13 : i32
    %dma_wait3A = arith.constant 0 : i32
    %dma_wait3A_15 = tpu.memref_slice %arg8[%mul3A_14, %dma_wait3A] : memref<10240x128xf32, #tpu.memory_space<vmem_shared>> -> memref<640x128xf32, #tpu.memory_space<vmem_shared>>
    %dma_wait3A_16 = arith.constant 0 : i32
    %dma_wait3A_17 = tpu.memref_slice %arg2[%mul3A_12, %dma_wait3A_16] : memref<10240x128xf32, #tpu.memory_space<hbm>> -> memref<640x128xf32, #tpu.memory_space<hbm>>
    tpu.wait_dma2 semaphore(%arg13 : memref<!tpu.dma_semaphore, #tpu.memory_space<semaphore_mem>>) src(%dma_wait3A_17 : memref<640x128xf32, #tpu.memory_space<hbm>>) dst(%dma_wait3A_15 : memref<640x128xf32, #tpu.memory_space<vmem_shared>>)
    %barrier3A = arith.constant 0 : index
    tpu.barrier barrier_id(%barrier3A)
    %mul3A_18 = arith.constant 80 : i32
    %mul3A_19 = arith.muli %add3A, %mul3A_18 : i32
    %dma_start3A_20 = arith.constant 0 : i32
    %dma_start3A_21 = arith.constant 0 : i32
    %dma_start3A_22 = arith.constant 0 : i32
    %dma_start3A_23 = arith.constant 0 : i32
    %dma_start3A_24 = tpu.memref_slice %arg7[%dma_start3A_21, %dma_start3A_22, %dma_start3A_23] : memref<2x128x128xf32, #tpu.memory_space<vmem>> -> memref<1x128x128xf32, #tpu.memory_space<vmem>>
    %dma_start3A_25 = tpu.memref_squeeze %dma_start3A_24 : memref<1x128x128xf32, #tpu.memory_space<vmem>> -> memref<128x128xf32, #tpu.memory_space<vmem>>
    %dma_start3A_26 = arith.constant 0 : i32
    %dma_start3A_27 = tpu.memref_slice %arg5[%dma_start3A_20, %dma_start3A_26] : memref<40x128xi32, #tpu.memory_space<vmem>> -> memref<1x128xi32, #tpu.memory_space<vmem>>
    %dma_start3A_28 = tpu.memref_squeeze %dma_start3A_27 : memref<1x128xi32, #tpu.memory_space<vmem>> -> memref<128xi32, #tpu.memory_space<vmem>>
    %dma_start3A_29 = arith.constant 0 : i32
    %dma_start3A_30 = arith.constant 0 : i32
    %dma_start3A_31 = tpu.memref_slice %arg2[%dma_start3A_29, %dma_start3A_30] : memref<10240x128xf32, #tpu.memory_space<hbm>> -> memref<10240x128xf32, #tpu.memory_space<hbm>>
    tpu.enqueue_indirect_dma source(%dma_start3A_31 : memref<10240x128xf32, #tpu.memory_space<hbm>>) target(%dma_start3A_25 : memref<128x128xf32, #tpu.memory_space<vmem>>) offsets(%dma_start3A_28 : memref<128xi32, #tpu.memory_space<vmem>>) semaphore(%arg9 : memref<!tpu.dma_semaphore, #tpu.memory_space<semaphore_mem>>)
    %dma_start3A_32 = arith.constant 1 : i32
    %dma_start3A_33 = arith.constant 1 : i32
    %dma_start3A_34 = arith.constant 0 : i32
    %dma_start3A_35 = arith.constant 0 : i32
    %dma_start3A_36 = tpu.memref_slice %arg7[%dma_start3A_33, %dma_start3A_34, %dma_start3A_35] : memref<2x128x128xf32, #tpu.memory_space<vmem>> -> memref<1x128x128xf32, #tpu.memory_space<vmem>>
    %dma_start3A_37 = tpu.memref_squeeze %dma_start3A_36 : memref<1x128x128xf32, #tpu.memory_space<vmem>> -> memref<128x128xf32, #tpu.memory_space<vmem>>
    %dma_start3A_38 = arith.constant 0 : i32
    %dma_start3A_39 = tpu.memref_slice %arg5[%dma_start3A_32, %dma_start3A_38] : memref<40x128xi32, #tpu.memory_space<vmem>> -> memref<1x128xi32, #tpu.memory_space<vmem>>
    %dma_start3A_40 = tpu.memref_squeeze %dma_start3A_39 : memref<1x128xi32, #tpu.memory_space<vmem>> -> memref<128xi32, #tpu.memory_space<vmem>>
    %dma_start3A_41 = arith.constant 0 : i32
    %dma_start3A_42 = arith.constant 0 : i32
    %dma_start3A_43 = tpu.memref_slice %arg2[%dma_start3A_41, %dma_start3A_42] : memref<10240x128xf32, #tpu.memory_space<hbm>> -> memref<10240x128xf32, #tpu.memory_space<hbm>>
    tpu.enqueue_indirect_dma source(%dma_start3A_43 : memref<10240x128xf32, #tpu.memory_space<hbm>>) target(%dma_start3A_37 : memref<128x128xf32, #tpu.memory_space<vmem>>) offsets(%dma_start3A_40 : memref<128xi32, #tpu.memory_space<vmem>>) semaphore(%arg10 : memref<!tpu.dma_semaphore, #tpu.memory_space<semaphore_mem>>)
    %dma_wait3A_44 = arith.constant 0 : i32
    %dma_wait3A_45 = arith.constant 0 : i32
    %dma_wait3A_46 = arith.constant 0 : i32
    %dma_wait3A_47 = arith.constant 0 : i32
    %dma_wait3A_48 = tpu.memref_slice %arg7[%dma_wait3A_45, %dma_wait3A_46, %dma_wait3A_47] : memref<2x128x128xf32, #tpu.memory_space<vmem>> -> memref<1x128x128xf32, #tpu.memory_space<vmem>>
    %dma_wait3A_49 = tpu.memref_squeeze %dma_wait3A_48 : memref<1x128x128xf32, #tpu.memory_space<vmem>> -> memref<128x128xf32, #tpu.memory_space<vmem>>
    %dma_wait3A_50 = arith.constant 0 : i32
    %dma_wait3A_51 = tpu.memref_slice %arg5[%dma_wait3A_44, %dma_wait3A_50] : memref<40x128xi32, #tpu.memory_space<vmem>> -> memref<1x128xi32, #tpu.memory_space<vmem>>
    %dma_wait3A_52 = tpu.memref_squeeze %dma_wait3A_51 : memref<1x128xi32, #tpu.memory_space<vmem>> -> memref<128xi32, #tpu.memory_space<vmem>>
    %dma_wait3A_53 = arith.constant 0 : i32
    %dma_wait3A_54 = arith.constant 0 : i32
    %dma_wait3A_55 = tpu.memref_slice %arg2[%dma_wait3A_53, %dma_wait3A_54] : memref<10240x128xf32, #tpu.memory_space<hbm>> -> memref<10240x128xf32, #tpu.memory_space<hbm>>
    tpu.wait_indirect_dma semaphore(%arg9 : memref<!tpu.dma_semaphore, #tpu.memory_space<semaphore_mem>>) src(%dma_wait3A_55 : memref<10240x128xf32, #tpu.memory_space<hbm>>) dst(%dma_wait3A_49 : memref<128x128xf32, #tpu.memory_space<vmem>>)
    %dma_start3A_56 = arith.constant 0 : i32
    %dma_start3A_57 = arith.constant 0 : i32
    %dma_start3A_58 = arith.constant 0 : i32
    %dma_start3A_59 = arith.constant 0 : i32
    %dma_start3A_60 = tpu.memref_slice %arg7[%dma_start3A_56, %dma_start3A_58, %dma_start3A_59] : memref<2x128x128xf32, #tpu.memory_space<vmem>> -> memref<1x128x128xf32, #tpu.memory_space<vmem>>
    %dma_start3A_61 = tpu.memref_squeeze %dma_start3A_60 : memref<1x128x128xf32, #tpu.memory_space<vmem>> -> memref<128x128xf32, #tpu.memory_space<vmem>>
    %dma_start3A_62 = arith.constant 0 : i32
    %dma_start3A_63 = tpu.memref_slice %arg6[%dma_start3A_57, %dma_start3A_62] : memref<40x128xi32, #tpu.memory_space<vmem>> -> memref<1x128xi32, #tpu.memory_space<vmem>>
    %dma_start3A_64 = tpu.memref_squeeze %dma_start3A_63 : memref<1x128xi32, #tpu.memory_space<vmem>> -> memref<128xi32, #tpu.memory_space<vmem>>
    %dma_start3A_65 = arith.constant 0 : i32
    %dma_start3A_66 = arith.constant 0 : i32
    %dma_start3A_67 = tpu.memref_slice %arg8[%dma_start3A_65, %dma_start3A_66] : memref<10240x128xf32, #tpu.memory_space<vmem_shared>> -> memref<10240x128xf32, #tpu.memory_space<vmem_shared>>
    tpu.enqueue_indirect_dma source(%dma_start3A_61 : memref<128x128xf32, #tpu.memory_space<vmem>>) target(%dma_start3A_67 : memref<10240x128xf32, #tpu.memory_space<vmem_shared>>) offsets(%dma_start3A_64 : memref<128xi32, #tpu.memory_space<vmem>>) semaphore(%arg11 : memref<!tpu.dma_semaphore, #tpu.memory_space<semaphore_mem>>) {add = true}
    %scan3A = arith.constant 0 : i32
    %scan3A_68 = arith.constant 0 : i32
    %scan3A_69 = arith.constant 19 : i32
    %scan3A_70 = arith.addi %scan3A_68, %scan3A_69 : i32
    %scan3A_71 = arith.constant 1 : i32
    %scan3A_72 = scf.for %scan3A_129 = %scan3A_68 to %scan3A_70 step %scan3A_71 iter_args(%scan3A_130 = %scan3A) -> (i32)  : i32 {
      %mul3A_131 = arith.constant 2 : i32
      %mul3A_132 = arith.muli %mul3A_131, %scan3A_129 : i32
      %add3A_133 = arith.constant 1 : i32
      %add3A_134 = arith.addi %add3A_133, %mul3A_132 : i32
      %add3A_135 = arith.constant 0 : i32
      %add3A_136 = arith.addi %add3A_134, %add3A_135 : i32
      %sub3A = arith.constant 1 : i32
      %sub3A_137 = arith.subi %add3A_136, %sub3A : i32
      %dma_wait3A_138 = arith.constant 0 : i32
      %dma_wait3A_139 = arith.constant 0 : i32
      %dma_wait3A_140 = arith.constant 0 : i32
      %dma_wait3A_141 = tpu.memref_slice %arg7[%dma_wait3A_138, %dma_wait3A_139, %dma_wait3A_140] : memref<2x128x128xf32, #tpu.memory_space<vmem>> -> memref<1x128x128xf32, #tpu.memory_space<vmem>>
      %dma_wait3A_142 = tpu.memref_squeeze %dma_wait3A_141 : memref<1x128x128xf32, #tpu.memory_space<vmem>> -> memref<128x128xf32, #tpu.memory_space<vmem>>
      %dma_wait3A_143 = arith.constant 0 : i32
      %dma_wait3A_144 = tpu.memref_slice %arg6[%sub3A_137, %dma_wait3A_143] : memref<40x128xi32, #tpu.memory_space<vmem>> -> memref<1x128xi32, #tpu.memory_space<vmem>>
      %dma_wait3A_145 = tpu.memref_squeeze %dma_wait3A_144 : memref<1x128xi32, #tpu.memory_space<vmem>> -> memref<128xi32, #tpu.memory_space<vmem>>
      %dma_wait3A_146 = arith.constant 0 : i32
      %dma_wait3A_147 = arith.constant 0 : i32
      %dma_wait3A_148 = tpu.memref_slice %arg8[%dma_wait3A_146, %dma_wait3A_147] : memref<10240x128xf32, #tpu.memory_space<vmem_shared>> -> memref<10240x128xf32, #tpu.memory_space<vmem_shared>>
      tpu.wait_indirect_dma semaphore(%arg11 : memref<!tpu.dma_semaphore, #tpu.memory_space<semaphore_mem>>) src(%dma_wait3A_142 : memref<128x128xf32, #tpu.memory_space<vmem>>) dst(%dma_wait3A_148 : memref<10240x128xf32, #tpu.memory_space<vmem_shared>>)
      %add3A_149 = arith.constant 1 : i32
      %add3A_150 = arith.addi %add3A_136, %add3A_149 : i32
      %dma_start3A_151 = arith.constant 0 : i32
      %dma_start3A_152 = arith.constant 0 : i32
      %dma_start3A_153 = arith.constant 0 : i32
      %dma_start3A_154 = tpu.memref_slice %arg7[%dma_start3A_151, %dma_start3A_152, %dma_start3A_153] : memref<2x128x128xf32, #tpu.memory_space<vmem>> -> memref<1x128x128xf32, #tpu.memory_space<vmem>>
      %dma_start3A_155 = tpu.memref_squeeze %dma_start3A_154 : memref<1x128x128xf32, #tpu.memory_space<vmem>> -> memref<128x128xf32, #tpu.memory_space<vmem>>
      %dma_start3A_156 = arith.constant 0 : i32
      %dma_start3A_157 = tpu.memref_slice %arg5[%add3A_150, %dma_start3A_156] : memref<40x128xi32, #tpu.memory_space<vmem>> -> memref<1x128xi32, #tpu.memory_space<vmem>>
      %dma_start3A_158 = tpu.memref_squeeze %dma_start3A_157 : memref<1x128xi32, #tpu.memory_space<vmem>> -> memref<128xi32, #tpu.memory_space<vmem>>
      %dma_start3A_159 = arith.constant 0 : i32
      %dma_start3A_160 = arith.constant 0 : i32
      %dma_start3A_161 = tpu.memref_slice %arg2[%dma_start3A_159, %dma_start3A_160] : memref<10240x128xf32, #tpu.memory_space<hbm>> -> memref<10240x128xf32, #tpu.memory_space<hbm>>
      tpu.enqueue_indirect_dma source(%dma_start3A_161 : memref<10240x128xf32, #tpu.memory_space<hbm>>) target(%dma_start3A_155 : memref<128x128xf32, #tpu.memory_space<vmem>>) offsets(%dma_start3A_158 : memref<128xi32, #tpu.memory_space<vmem>>) semaphore(%arg9 : memref<!tpu.dma_semaphore, #tpu.memory_space<semaphore_mem>>)
      %dma_wait3A_162 = arith.constant 1 : i32
      %dma_wait3A_163 = arith.constant 0 : i32
      %dma_wait3A_164 = arith.constant 0 : i32
      %dma_wait3A_165 = tpu.memref_slice %arg7[%dma_wait3A_162, %dma_wait3A_163, %dma_wait3A_164] : memref<2x128x128xf32, #tpu.memory_space<vmem>> -> memref<1x128x128xf32, #tpu.memory_space<vmem>>
      %dma_wait3A_166 = tpu.memref_squeeze %dma_wait3A_165 : memref<1x128x128xf32, #tpu.memory_space<vmem>> -> memref<128x128xf32, #tpu.memory_space<vmem>>
      %dma_wait3A_167 = arith.constant 0 : i32
      %dma_wait3A_168 = tpu.memref_slice %arg5[%add3A_136, %dma_wait3A_167] : memref<40x128xi32, #tpu.memory_space<vmem>> -> memref<1x128xi32, #tpu.memory_space<vmem>>
      %dma_wait3A_169 = tpu.memref_squeeze %dma_wait3A_168 : memref<1x128xi32, #tpu.memory_space<vmem>> -> memref<128xi32, #tpu.memory_space<vmem>>
      %dma_wait3A_170 = arith.constant 0 : i32
      %dma_wait3A_171 = arith.constant 0 : i32
      %dma_wait3A_172 = tpu.memref_slice %arg2[%dma_wait3A_170, %dma_wait3A_171] : memref<10240x128xf32, #tpu.memory_space<hbm>> -> memref<10240x128xf32, #tpu.memory_space<hbm>>
      tpu.wait_indirect_dma semaphore(%arg10 : memref<!tpu.dma_semaphore, #tpu.memory_space<semaphore_mem>>) src(%dma_wait3A_172 : memref<10240x128xf32, #tpu.memory_space<hbm>>) dst(%dma_wait3A_166 : memref<128x128xf32, #tpu.memory_space<vmem>>)
      %dma_start3A_173 = arith.constant 1 : i32
      %dma_start3A_174 = arith.constant 0 : i32
      %dma_start3A_175 = arith.constant 0 : i32
      %dma_start3A_176 = tpu.memref_slice %arg7[%dma_start3A_173, %dma_start3A_174, %dma_start3A_175] : memref<2x128x128xf32, #tpu.memory_space<vmem>> -> memref<1x128x128xf32, #tpu.memory_space<vmem>>
      %dma_start3A_177 = tpu.memref_squeeze %dma_start3A_176 : memref<1x128x128xf32, #tpu.memory_space<vmem>> -> memref<128x128xf32, #tpu.memory_space<vmem>>
      %dma_start3A_178 = arith.constant 0 : i32
      %dma_start3A_179 = tpu.memref_slice %arg6[%add3A_136, %dma_start3A_178] : memref<40x128xi32, #tpu.memory_space<vmem>> -> memref<1x128xi32, #tpu.memory_space<vmem>>
      %dma_start3A_180 = tpu.memref_squeeze %dma_start3A_179 : memref<1x128xi32, #tpu.memory_space<vmem>> -> memref<128xi32, #tpu.memory_space<vmem>>
      %dma_start3A_181 = arith.constant 0 : i32
      %dma_start3A_182 = arith.constant 0 : i32
      %dma_start3A_183 = tpu.memref_slice %arg8[%dma_start3A_181, %dma_start3A_182] : memref<10240x128xf32, #tpu.memory_space<vmem_shared>> -> memref<10240x128xf32, #tpu.memory_space<vmem_shared>>
      tpu.enqueue_indirect_dma source(%dma_start3A_177 : memref<128x128xf32, #tpu.memory_space<vmem>>) target(%dma_start3A_183 : memref<10240x128xf32, #tpu.memory_space<vmem_shared>>) offsets(%dma_start3A_180 : memref<128xi32, #tpu.memory_space<vmem>>) semaphore(%arg12 : memref<!tpu.dma_semaphore, #tpu.memory_space<semaphore_mem>>) {add = true}
      %mul3A_184 = arith.constant 2 : i32
      %mul3A_185 = arith.muli %mul3A_184, %scan3A_129 : i32
      %add3A_186 = arith.constant 1 : i32
      %add3A_187 = arith.addi %add3A_186, %mul3A_185 : i32
      %add3A_188 = arith.constant 1 : i32
      %add3A_189 = arith.addi %add3A_187, %add3A_188 : i32
      %sub3A_190 = arith.constant 1 : i32
      %sub3A_191 = arith.subi %add3A_189, %sub3A_190 : i32
      %dma_wait3A_192 = arith.constant 1 : i32
      %dma_wait3A_193 = arith.constant 0 : i32
      %dma_wait3A_194 = arith.constant 0 : i32
      %dma_wait3A_195 = tpu.memref_slice %arg7[%dma_wait3A_192, %dma_wait3A_193, %dma_wait3A_194] : memref<2x128x128xf32, #tpu.memory_space<vmem>> -> memref<1x128x128xf32, #tpu.memory_space<vmem>>
      %dma_wait3A_196 = tpu.memref_squeeze %dma_wait3A_195 : memref<1x128x128xf32, #tpu.memory_space<vmem>> -> memref<128x128xf32, #tpu.memory_space<vmem>>
      %dma_wait3A_197 = arith.constant 0 : i32
      %dma_wait3A_198 = tpu.memref_slice %arg6[%sub3A_191, %dma_wait3A_197] : memref<40x128xi32, #tpu.memory_space<vmem>> -> memref<1x128xi32, #tpu.memory_space<vmem>>
      %dma_wait3A_199 = tpu.memref_squeeze %dma_wait3A_198 : memref<1x128xi32, #tpu.memory_space<vmem>> -> memref<128xi32, #tpu.memory_space<vmem>>
      %dma_wait3A_200 = arith.constant 0 : i32
      %dma_wait3A_201 = arith.constant 0 : i32
      %dma_wait3A_202 = tpu.memref_slice %arg8[%dma_wait3A_200, %dma_wait3A_201] : memref<10240x128xf32, #tpu.memory_space<vmem_shared>> -> memref<10240x128xf32, #tpu.memory_space<vmem_shared>>
      tpu.wait_indirect_dma semaphore(%arg12 : memref<!tpu.dma_semaphore, #tpu.memory_space<semaphore_mem>>) src(%dma_wait3A_196 : memref<128x128xf32, #tpu.memory_space<vmem>>) dst(%dma_wait3A_202 : memref<10240x128xf32, #tpu.memory_space<vmem_shared>>)
      %add3A_203 = arith.constant 1 : i32
      %add3A_204 = arith.addi %add3A_189, %add3A_203 : i32
      %dma_start3A_205 = arith.constant 1 : i32
      %dma_start3A_206 = arith.constant 0 : i32
      %dma_start3A_207 = arith.constant 0 : i32
      %dma_start3A_208 = tpu.memref_slice %arg7[%dma_start3A_205, %dma_start3A_206, %dma_start3A_207] : memref<2x128x128xf32, #tpu.memory_space<vmem>> -> memref<1x128x128xf32, #tpu.memory_space<vmem>>
      %dma_start3A_209 = tpu.memref_squeeze %dma_start3A_208 : memref<1x128x128xf32, #tpu.memory_space<vmem>> -> memref<128x128xf32, #tpu.memory_space<vmem>>
      %dma_start3A_210 = arith.constant 0 : i32
      %dma_start3A_211 = tpu.memref_slice %arg5[%add3A_204, %dma_start3A_210] : memref<40x128xi32, #tpu.memory_space<vmem>> -> memref<1x128xi32, #tpu.memory_space<vmem>>
      %dma_start3A_212 = tpu.memref_squeeze %dma_start3A_211 : memref<1x128xi32, #tpu.memory_space<vmem>> -> memref<128xi32, #tpu.memory_space<vmem>>
      %dma_start3A_213 = arith.constant 0 : i32
      %dma_start3A_214 = arith.constant 0 : i32
      %dma_start3A_215 = tpu.memref_slice %arg2[%dma_start3A_213, %dma_start3A_214] : memref<10240x128xf32, #tpu.memory_space<hbm>> -> memref<10240x128xf32, #tpu.memory_space<hbm>>
      tpu.enqueue_indirect_dma source(%dma_start3A_215 : memref<10240x128xf32, #tpu.memory_space<hbm>>) target(%dma_start3A_209 : memref<128x128xf32, #tpu.memory_space<vmem>>) offsets(%dma_start3A_212 : memref<128xi32, #tpu.memory_space<vmem>>) semaphore(%arg10 : memref<!tpu.dma_semaphore, #tpu.memory_space<semaphore_mem>>)
      %dma_wait3A_216 = arith.constant 0 : i32
      %dma_wait3A_217 = arith.constant 0 : i32
      %dma_wait3A_218 = arith.constant 0 : i32
      %dma_wait3A_219 = tpu.memref_slice %arg7[%dma_wait3A_216, %dma_wait3A_217, %dma_wait3A_218] : memref<2x128x128xf32, #tpu.memory_space<vmem>> -> memref<1x128x128xf32, #tpu.memory_space<vmem>>
      %dma_wait3A_220 = tpu.memref_squeeze %dma_wait3A_219 : memref<1x128x128xf32, #tpu.memory_space<vmem>> -> memref<128x128xf32, #tpu.memory_space<vmem>>
      %dma_wait3A_221 = arith.constant 0 : i32
      %dma_wait3A_222 = tpu.memref_slice %arg5[%add3A_189, %dma_wait3A_221] : memref<40x128xi32, #tpu.memory_space<vmem>> -> memref<1x128xi32, #tpu.memory_space<vmem>>
      %dma_wait3A_223 = tpu.memref_squeeze %dma_wait3A_222 : memref<1x128xi32, #tpu.memory_space<vmem>> -> memref<128xi32, #tpu.memory_space<vmem>>
      %dma_wait3A_224 = arith.constant 0 : i32
      %dma_wait3A_225 = arith.constant 0 : i32
      %dma_wait3A_226 = tpu.memref_slice %arg2[%dma_wait3A_224, %dma_wait3A_225] : memref<10240x128xf32, #tpu.memory_space<hbm>> -> memref<10240x128xf32, #tpu.memory_space<hbm>>
      tpu.wait_indirect_dma semaphore(%arg9 : memref<!tpu.dma_semaphore, #tpu.memory_space<semaphore_mem>>) src(%dma_wait3A_226 : memref<10240x128xf32, #tpu.memory_space<hbm>>) dst(%dma_wait3A_220 : memref<128x128xf32, #tpu.memory_space<vmem>>)
      %dma_start3A_227 = arith.constant 0 : i32
      %dma_start3A_228 = arith.constant 0 : i32
      %dma_start3A_229 = arith.constant 0 : i32
      %dma_start3A_230 = tpu.memref_slice %arg7[%dma_start3A_227, %dma_start3A_228, %dma_start3A_229] : memref<2x128x128xf32, #tpu.memory_space<vmem>> -> memref<1x128x128xf32, #tpu.memory_space<vmem>>
      %dma_start3A_231 = tpu.memref_squeeze %dma_start3A_230 : memref<1x128x128xf32, #tpu.memory_space<vmem>> -> memref<128x128xf32, #tpu.memory_space<vmem>>
      %dma_start3A_232 = arith.constant 0 : i32
      %dma_start3A_233 = tpu.memref_slice %arg6[%add3A_189, %dma_start3A_232] : memref<40x128xi32, #tpu.memory_space<vmem>> -> memref<1x128xi32, #tpu.memory_space<vmem>>
      %dma_start3A_234 = tpu.memref_squeeze %dma_start3A_233 : memref<1x128xi32, #tpu.memory_space<vmem>> -> memref<128xi32, #tpu.memory_space<vmem>>
      %dma_start3A_235 = arith.constant 0 : i32
      %dma_start3A_236 = arith.constant 0 : i32
      %dma_start3A_237 = tpu.memref_slice %arg8[%dma_start3A_235, %dma_start3A_236] : memref<10240x128xf32, #tpu.memory_space<vmem_shared>> -> memref<10240x128xf32, #tpu.memory_space<vmem_shared>>
      tpu.enqueue_indirect_dma source(%dma_start3A_231 : memref<128x128xf32, #tpu.memory_space<vmem>>) target(%dma_start3A_237 : memref<10240x128xf32, #tpu.memory_space<vmem_shared>>) offsets(%dma_start3A_234 : memref<128xi32, #tpu.memory_space<vmem>>) semaphore(%arg11 : memref<!tpu.dma_semaphore, #tpu.memory_space<semaphore_mem>>) {add = true}
      %scan3A_238 = arith.constant 0 : i32
      scf.yield %scan3A_238 : i32
    }
    %scan3A_73 = arith.constant 19 : i32
    %dma_wait3A_74 = arith.constant 39 : i32
    %dma_wait3A_75 = arith.constant 1 : i32
    %dma_wait3A_76 = arith.constant 0 : i32
    %dma_wait3A_77 = arith.constant 0 : i32
    %dma_wait3A_78 = tpu.memref_slice %arg7[%dma_wait3A_75, %dma_wait3A_76, %dma_wait3A_77] : memref<2x128x128xf32, #tpu.memory_space<vmem>> -> memref<1x128x128xf32, #tpu.memory_space<vmem>>
    %dma_wait3A_79 = tpu.memref_squeeze %dma_wait3A_78 : memref<1x128x128xf32, #tpu.memory_space<vmem>> -> memref<128x128xf32, #tpu.memory_space<vmem>>
    %dma_wait3A_80 = arith.constant 0 : i32
    %dma_wait3A_81 = tpu.memref_slice %arg5[%dma_wait3A_74, %dma_wait3A_80] : memref<40x128xi32, #tpu.memory_space<vmem>> -> memref<1x128xi32, #tpu.memory_space<vmem>>
    %dma_wait3A_82 = tpu.memref_squeeze %dma_wait3A_81 : memref<1x128xi32, #tpu.memory_space<vmem>> -> memref<128xi32, #tpu.memory_space<vmem>>
    %dma_wait3A_83 = arith.constant 0 : i32
    %dma_wait3A_84 = arith.constant 0 : i32
    %dma_wait3A_85 = tpu.memref_slice %arg2[%dma_wait3A_83, %dma_wait3A_84] : memref<10240x128xf32, #tpu.memory_space<hbm>> -> memref<10240x128xf32, #tpu.memory_space<hbm>>
    tpu.wait_indirect_dma semaphore(%arg10 : memref<!tpu.dma_semaphore, #tpu.memory_space<semaphore_mem>>) src(%dma_wait3A_85 : memref<10240x128xf32, #tpu.memory_space<hbm>>) dst(%dma_wait3A_79 : memref<128x128xf32, #tpu.memory_space<vmem>>)
    %dma_start3A_86 = arith.constant 1 : i32
    %dma_start3A_87 = arith.constant 39 : i32
    %dma_start3A_88 = arith.constant 0 : i32
    %dma_start3A_89 = arith.constant 0 : i32
    %dma_start3A_90 = tpu.memref_slice %arg7[%dma_start3A_86, %dma_start3A_88, %dma_start3A_89] : memref<2x128x128xf32, #tpu.memory_space<vmem>> -> memref<1x128x128xf32, #tpu.memory_space<vmem>>
    %dma_start3A_91 = tpu.memref_squeeze %dma_start3A_90 : memref<1x128x128xf32, #tpu.memory_space<vmem>> -> memref<128x128xf32, #tpu.memory_space<vmem>>
    %dma_start3A_92 = arith.constant 0 : i32
    %dma_start3A_93 = tpu.memref_slice %arg6[%dma_start3A_87, %dma_start3A_92] : memref<40x128xi32, #tpu.memory_space<vmem>> -> memref<1x128xi32, #tpu.memory_space<vmem>>
    %dma_start3A_94 = tpu.memref_squeeze %dma_start3A_93 : memref<1x128xi32, #tpu.memory_space<vmem>> -> memref<128xi32, #tpu.memory_space<vmem>>
    %dma_start3A_95 = arith.constant 0 : i32
    %dma_start3A_96 = arith.constant 0 : i32
    %dma_start3A_97 = tpu.memref_slice %arg8[%dma_start3A_95, %dma_start3A_96] : memref<10240x128xf32, #tpu.memory_space<vmem_shared>> -> memref<10240x128xf32, #tpu.memory_space<vmem_shared>>
    tpu.enqueue_indirect_dma source(%dma_start3A_91 : memref<128x128xf32, #tpu.memory_space<vmem>>) target(%dma_start3A_97 : memref<10240x128xf32, #tpu.memory_space<vmem_shared>>) offsets(%dma_start3A_94 : memref<128xi32, #tpu.memory_space<vmem>>) semaphore(%arg12 : memref<!tpu.dma_semaphore, #tpu.memory_space<semaphore_mem>>) {add = true}
    %dma_wait3A_98 = arith.constant 0 : i32
    %dma_wait3A_99 = arith.constant 38 : i32
    %dma_wait3A_100 = arith.constant 0 : i32
    %dma_wait3A_101 = arith.constant 0 : i32
    %dma_wait3A_102 = tpu.memref_slice %arg7[%dma_wait3A_98, %dma_wait3A_100, %dma_wait3A_101] : memref<2x128x128xf32, #tpu.memory_space<vmem>> -> memref<1x128x128xf32, #tpu.memory_space<vmem>>
    %dma_wait3A_103 = tpu.memref_squeeze %dma_wait3A_102 : memref<1x128x128xf32, #tpu.memory_space<vmem>> -> memref<128x128xf32, #tpu.memory_space<vmem>>
    %dma_wait3A_104 = arith.constant 0 : i32
    %dma_wait3A_105 = tpu.memref_slice %arg6[%dma_wait3A_99, %dma_wait3A_104] : memref<40x128xi32, #tpu.memory_space<vmem>> -> memref<1x128xi32, #tpu.memory_space<vmem>>
    %dma_wait3A_106 = tpu.memref_squeeze %dma_wait3A_105 : memref<1x128xi32, #tpu.memory_space<vmem>> -> memref<128xi32, #tpu.memory_space<vmem>>
    %dma_wait3A_107 = arith.constant 0 : i32
    %dma_wait3A_108 = arith.constant 0 : i32
    %dma_wait3A_109 = tpu.memref_slice %arg8[%dma_wait3A_107, %dma_wait3A_108] : memref<10240x128xf32, #tpu.memory_space<vmem_shared>> -> memref<10240x128xf32, #tpu.memory_space<vmem_shared>>
    tpu.wait_indirect_dma semaphore(%arg11 : memref<!tpu.dma_semaphore, #tpu.memory_space<semaphore_mem>>) src(%dma_wait3A_103 : memref<128x128xf32, #tpu.memory_space<vmem>>) dst(%dma_wait3A_109 : memref<10240x128xf32, #tpu.memory_space<vmem_shared>>)
    %dma_wait3A_110 = arith.constant 1 : i32
    %dma_wait3A_111 = arith.constant 39 : i32
    %dma_wait3A_112 = arith.constant 0 : i32
    %dma_wait3A_113 = arith.constant 0 : i32
    %dma_wait3A_114 = tpu.memref_slice %arg7[%dma_wait3A_110, %dma_wait3A_112, %dma_wait3A_113] : memref<2x128x128xf32, #tpu.memory_space<vmem>> -> memref<1x128x128xf32, #tpu.memory_space<vmem>>
    %dma_wait3A_115 = tpu.memref_squeeze %dma_wait3A_114 : memref<1x128x128xf32, #tpu.memory_space<vmem>> -> memref<128x128xf32, #tpu.memory_space<vmem>>
    %dma_wait3A_116 = arith.constant 0 : i32
    %dma_wait3A_117 = tpu.memref_slice %arg6[%dma_wait3A_111, %dma_wait3A_116] : memref<40x128xi32, #tpu.memory_space<vmem>> -> memref<1x128xi32, #tpu.memory_space<vmem>>
    %dma_wait3A_118 = tpu.memref_squeeze %dma_wait3A_117 : memref<1x128xi32, #tpu.memory_space<vmem>> -> memref<128xi32, #tpu.memory_space<vmem>>
    %dma_wait3A_119 = arith.constant 0 : i32
    %dma_wait3A_120 = arith.constant 0 : i32
    %dma_wait3A_121 = tpu.memref_slice %arg8[%dma_wait3A_119, %dma_wait3A_120] : memref<10240x128xf32, #tpu.memory_space<vmem_shared>> -> memref<10240x128xf32, #tpu.memory_space<vmem_shared>>
    tpu.wait_indirect_dma semaphore(%arg12 : memref<!tpu.dma_semaphore, #tpu.memory_space<semaphore_mem>>) src(%dma_wait3A_115 : memref<128x128xf32, #tpu.memory_space<vmem>>) dst(%dma_wait3A_121 : memref<10240x128xf32, #tpu.memory_space<vmem_shared>>)
    %ne3A = arith.constant 31 : i32
    %ne3A_122 = arith.cmpi ne, %add3A, %ne3A : i32
    %convert_element_type3A = arith.extui %ne3A_122 : i1 to i32
    %cond3A = arith.constant 0 : i32
    %cond3A_123 = arith.cmpi ne, %convert_element_type3A, %cond3A : i32
    scf.if %cond3A_123 {
      %mul3A_129 = arith.constant 80 : i32
      %mul3A_130 = arith.muli %add3A, %mul3A_129 : i32
      %add3A_131 = arith.constant 40 : i32
      %add3A_132 = arith.addi %mul3A_130, %add3A_131 : i32
      %multiple_of3A_133 = tpu.assume_multiple %add3A_132, 8 : i32
      %run_scoped3A_134 = arith.constant 0 : i32
      "tpu.region"() ({
        %run_scoped3A_239 = tpu.sem_alloc : memref<!tpu.dma_semaphore, #tpu.memory_space<semaphore_mem>>
        %dma_start3A_240 = arith.constant 0 : i32
        %dma_start3A_241 = tpu.memref_slice %arg3[%run_scoped3A_134, %multiple_of3A_133, %dma_start3A_240] : memref<2x2520x128xi32, #tpu.memory_space<hbm>> -> memref<1x40x128xi32, #tpu.memory_space<hbm>>
        %dma_start3A_242 = tpu.memref_squeeze %dma_start3A_241 : memref<1x40x128xi32, #tpu.memory_space<hbm>> -> memref<40x128xi32, #tpu.memory_space<hbm>>
        %dma_start3A_243 = arith.constant 0 : i32
        %dma_start3A_244 = tpu.memref_slice %arg3[%run_scoped3A_134, %multiple_of3A_133, %dma_start3A_243] : memref<2x2520x128xi32, #tpu.memory_space<hbm>> -> memref<1x40x128xi32, #tpu.memory_space<hbm>>
        %dma_start3A_245 = tpu.memref_squeeze %dma_start3A_244 : memref<1x40x128xi32, #tpu.memory_space<hbm>> -> memref<40x128xi32, #tpu.memory_space<hbm>>
        tpu.enqueue_dma source(%dma_start3A_245 : memref<40x128xi32, #tpu.memory_space<hbm>>) target(%arg5 : memref<40x128xi32, #tpu.memory_space<vmem>>) target_semaphore(%run_scoped3A_239 : memref<!tpu.dma_semaphore, #tpu.memory_space<semaphore_mem>>)
        %dma_wait3A_246 = arith.constant 0 : i32
        %dma_wait3A_247 = tpu.memref_slice %arg3[%run_scoped3A_134, %multiple_of3A_133, %dma_wait3A_246] : memref<2x2520x128xi32, #tpu.memory_space<hbm>> -> memref<1x40x128xi32, #tpu.memory_space<hbm>>
        %dma_wait3A_248 = tpu.memref_squeeze %dma_wait3A_247 : memref<1x40x128xi32, #tpu.memory_space<hbm>> -> memref<40x128xi32, #tpu.memory_space<hbm>>
        %dma_wait3A_249 = arith.constant 0 : i32
        %dma_wait3A_250 = tpu.memref_slice %arg3[%run_scoped3A_134, %multiple_of3A_133, %dma_wait3A_249] : memref<2x2520x128xi32, #tpu.memory_space<hbm>> -> memref<1x40x128xi32, #tpu.memory_space<hbm>>
        %dma_wait3A_251 = tpu.memref_squeeze %dma_wait3A_250 : memref<1x40x128xi32, #tpu.memory_space<hbm>> -> memref<40x128xi32, #tpu.memory_space<hbm>>
        tpu.wait_dma2 semaphore(%run_scoped3A_239 : memref<!tpu.dma_semaphore, #tpu.memory_space<semaphore_mem>>) src(%dma_wait3A_251 : memref<40x128xi32, #tpu.memory_space<hbm>>) dst(%arg5 : memref<40x128xi32, #tpu.memory_space<vmem>>)
        tpu.yield
      }) : () -> ()
      %run_scoped3A_135 = arith.constant 1 : i32
      "tpu.region"() ({
        %run_scoped3A_239 = tpu.sem_alloc : memref<!tpu.dma_semaphore, #tpu.memory_space<semaphore_mem>>
        %dma_start3A_240 = arith.constant 0 : i32
        %dma_start3A_241 = tpu.memref_slice %arg3[%run_scoped3A_135, %multiple_of3A_133, %dma_start3A_240] : memref<2x2520x128xi32, #tpu.memory_space<hbm>> -> memref<1x40x128xi32, #tpu.memory_space<hbm>>
        %dma_start3A_242 = tpu.memref_squeeze %dma_start3A_241 : memref<1x40x128xi32, #tpu.memory_space<hbm>> -> memref<40x128xi32, #tpu.memory_space<hbm>>
        %dma_start3A_243 = arith.constant 0 : i32
        %dma_start3A_244 = tpu.memref_slice %arg3[%run_scoped3A_135, %multiple_of3A_133, %dma_start3A_243] : memref<2x2520x128xi32, #tpu.memory_space<hbm>> -> memref<1x40x128xi32, #tpu.memory_space<hbm>>
        %dma_start3A_245 = tpu.memref_squeeze %dma_start3A_244 : memref<1x40x128xi32, #tpu.memory_space<hbm>> -> memref<40x128xi32, #tpu.memory_space<hbm>>
        tpu.enqueue_dma source(%dma_start3A_245 : memref<40x128xi32, #tpu.memory_space<hbm>>) target(%arg6 : memref<40x128xi32, #tpu.memory_space<vmem>>) target_semaphore(%run_scoped3A_239 : memref<!tpu.dma_semaphore, #tpu.memory_space<semaphore_mem>>)
        %dma_wait3A_246 = arith.constant 0 : i32
        %dma_wait3A_247 = tpu.memref_slice %arg3[%run_scoped3A_135, %multiple_of3A_133, %dma_wait3A_246] : memref<2x2520x128xi32, #tpu.memory_space<hbm>> -> memref<1x40x128xi32, #tpu.memory_space<hbm>>
        %dma_wait3A_248 = tpu.memref_squeeze %dma_wait3A_247 : memref<1x40x128xi32, #tpu.memory_space<hbm>> -> memref<40x128xi32, #tpu.memory_space<hbm>>
        %dma_wait3A_249 = arith.constant 0 : i32
        %dma_wait3A_250 = tpu.memref_slice %arg3[%run_scoped3A_135, %multiple_of3A_133, %dma_wait3A_249] : memref<2x2520x128xi32, #tpu.memory_space<hbm>> -> memref<1x40x128xi32, #tpu.memory_space<hbm>>
        %dma_wait3A_251 = tpu.memref_squeeze %dma_wait3A_250 : memref<1x40x128xi32, #tpu.memory_space<hbm>> -> memref<40x128xi32, #tpu.memory_space<hbm>>
        tpu.wait_dma2 semaphore(%run_scoped3A_239 : memref<!tpu.dma_semaphore, #tpu.memory_space<semaphore_mem>>) src(%dma_wait3A_251 : memref<40x128xi32, #tpu.memory_space<hbm>>) dst(%arg6 : memref<40x128xi32, #tpu.memory_space<vmem>>)
        tpu.yield
      }) : () -> ()
      %dma_start3A_136 = arith.constant 0 : i32
      %dma_start3A_137 = arith.constant 0 : i32
      %dma_start3A_138 = arith.constant 0 : i32
      %dma_start3A_139 = arith.constant 0 : i32
      %dma_start3A_140 = tpu.memref_slice %arg7[%dma_start3A_137, %dma_start3A_138, %dma_start3A_139] : memref<2x128x128xf32, #tpu.memory_space<vmem>> -> memref<1x128x128xf32, #tpu.memory_space<vmem>>
      %dma_start3A_141 = tpu.memref_squeeze %dma_start3A_140 : memref<1x128x128xf32, #tpu.memory_space<vmem>> -> memref<128x128xf32, #tpu.memory_space<vmem>>
      %dma_start3A_142 = arith.constant 0 : i32
      %dma_start3A_143 = tpu.memref_slice %arg5[%dma_start3A_136, %dma_start3A_142] : memref<40x128xi32, #tpu.memory_space<vmem>> -> memref<1x128xi32, #tpu.memory_space<vmem>>
      %dma_start3A_144 = tpu.memref_squeeze %dma_start3A_143 : memref<1x128xi32, #tpu.memory_space<vmem>> -> memref<128xi32, #tpu.memory_space<vmem>>
      %dma_start3A_145 = arith.constant 0 : i32
      %dma_start3A_146 = arith.constant 0 : i32
      %dma_start3A_147 = tpu.memref_slice %arg2[%dma_start3A_145, %dma_start3A_146] : memref<10240x128xf32, #tpu.memory_space<hbm>> -> memref<10240x128xf32, #tpu.memory_space<hbm>>
      tpu.enqueue_indirect_dma source(%dma_start3A_147 : memref<10240x128xf32, #tpu.memory_space<hbm>>) target(%dma_start3A_141 : memref<128x128xf32, #tpu.memory_space<vmem>>) offsets(%dma_start3A_144 : memref<128xi32, #tpu.memory_space<vmem>>) semaphore(%arg9 : memref<!tpu.dma_semaphore, #tpu.memory_space<semaphore_mem>>)
      %dma_start3A_148 = arith.constant 1 : i32
      %dma_start3A_149 = arith.constant 1 : i32
      %dma_start3A_150 = arith.constant 0 : i32
      %dma_start3A_151 = arith.constant 0 : i32
      %dma_start3A_152 = tpu.memref_slice %arg7[%dma_start3A_149, %dma_start3A_150, %dma_start3A_151] : memref<2x128x128xf32, #tpu.memory_space<vmem>> -> memref<1x128x128xf32, #tpu.memory_space<vmem>>
      %dma_start3A_153 = tpu.memref_squeeze %dma_start3A_152 : memref<1x128x128xf32, #tpu.memory_space<vmem>> -> memref<128x128xf32, #tpu.memory_space<vmem>>
      %dma_start3A_154 = arith.constant 0 : i32
      %dma_start3A_155 = tpu.memref_slice %arg5[%dma_start3A_148, %dma_start3A_154] : memref<40x128xi32, #tpu.memory_space<vmem>> -> memref<1x128xi32, #tpu.memory_space<vmem>>
      %dma_start3A_156 = tpu.memref_squeeze %dma_start3A_155 : memref<1x128xi32, #tpu.memory_space<vmem>> -> memref<128xi32, #tpu.memory_space<vmem>>
      %dma_start3A_157 = arith.constant 0 : i32
      %dma_start3A_158 = arith.constant 0 : i32
      %dma_start3A_159 = tpu.memref_slice %arg2[%dma_start3A_157, %dma_start3A_158] : memref<10240x128xf32, #tpu.memory_space<hbm>> -> memref<10240x128xf32, #tpu.memory_space<hbm>>
      tpu.enqueue_indirect_dma source(%dma_start3A_159 : memref<10240x128xf32, #tpu.memory_space<hbm>>) target(%dma_start3A_153 : memref<128x128xf32, #tpu.memory_space<vmem>>) offsets(%dma_start3A_156 : memref<128xi32, #tpu.memory_space<vmem>>) semaphore(%arg10 : memref<!tpu.dma_semaphore, #tpu.memory_space<semaphore_mem>>)
      %dma_wait3A_160 = arith.constant 0 : i32
      %dma_wait3A_161 = arith.constant 0 : i32
      %dma_wait3A_162 = arith.constant 0 : i32
      %dma_wait3A_163 = arith.constant 0 : i32
      %dma_wait3A_164 = tpu.memref_slice %arg7[%dma_wait3A_161, %dma_wait3A_162, %dma_wait3A_163] : memref<2x128x128xf32, #tpu.memory_space<vmem>> -> memref<1x128x128xf32, #tpu.memory_space<vmem>>
      %dma_wait3A_165 = tpu.memref_squeeze %dma_wait3A_164 : memref<1x128x128xf32, #tpu.memory_space<vmem>> -> memref<128x128xf32, #tpu.memory_space<vmem>>
      %dma_wait3A_166 = arith.constant 0 : i32
      %dma_wait3A_167 = tpu.memref_slice %arg5[%dma_wait3A_160, %dma_wait3A_166] : memref<40x128xi32, #tpu.memory_space<vmem>> -> memref<1x128xi32, #tpu.memory_space<vmem>>
      %dma_wait3A_168 = tpu.memref_squeeze %dma_wait3A_167 : memref<1x128xi32, #tpu.memory_space<vmem>> -> memref<128xi32, #tpu.memory_space<vmem>>
      %dma_wait3A_169 = arith.constant 0 : i32
      %dma_wait3A_170 = arith.constant 0 : i32
      %dma_wait3A_171 = tpu.memref_slice %arg2[%dma_wait3A_169, %dma_wait3A_170] : memref<10240x128xf32, #tpu.memory_space<hbm>> -> memref<10240x128xf32, #tpu.memory_space<hbm>>
      tpu.wait_indirect_dma semaphore(%arg9 : memref<!tpu.dma_semaphore, #tpu.memory_space<semaphore_mem>>) src(%dma_wait3A_171 : memref<10240x128xf32, #tpu.memory_space<hbm>>) dst(%dma_wait3A_165 : memref<128x128xf32, #tpu.memory_space<vmem>>)
      %dma_start3A_172 = arith.constant 0 : i32
      %dma_start3A_173 = arith.constant 0 : i32
      %dma_start3A_174 = arith.constant 0 : i32
      %dma_start3A_175 = arith.constant 0 : i32
      %dma_start3A_176 = tpu.memref_slice %arg7[%dma_start3A_172, %dma_start3A_174, %dma_start3A_175] : memref<2x128x128xf32, #tpu.memory_space<vmem>> -> memref<1x128x128xf32, #tpu.memory_space<vmem>>
      %dma_start3A_177 = tpu.memref_squeeze %dma_start3A_176 : memref<1x128x128xf32, #tpu.memory_space<vmem>> -> memref<128x128xf32, #tpu.memory_space<vmem>>
      %dma_start3A_178 = arith.constant 0 : i32
      %dma_start3A_179 = tpu.memref_slice %arg6[%dma_start3A_173, %dma_start3A_178] : memref<40x128xi32, #tpu.memory_space<vmem>> -> memref<1x128xi32, #tpu.memory_space<vmem>>
      %dma_start3A_180 = tpu.memref_squeeze %dma_start3A_179 : memref<1x128xi32, #tpu.memory_space<vmem>> -> memref<128xi32, #tpu.memory_space<vmem>>
      %dma_start3A_181 = arith.constant 0 : i32
      %dma_start3A_182 = arith.constant 0 : i32
      %dma_start3A_183 = tpu.memref_slice %arg8[%dma_start3A_181, %dma_start3A_182] : memref<10240x128xf32, #tpu.memory_space<vmem_shared>> -> memref<10240x128xf32, #tpu.memory_space<vmem_shared>>
      tpu.enqueue_indirect_dma source(%dma_start3A_177 : memref<128x128xf32, #tpu.memory_space<vmem>>) target(%dma_start3A_183 : memref<10240x128xf32, #tpu.memory_space<vmem_shared>>) offsets(%dma_start3A_180 : memref<128xi32, #tpu.memory_space<vmem>>) semaphore(%arg11 : memref<!tpu.dma_semaphore, #tpu.memory_space<semaphore_mem>>) {add = true}
      %scan3A_184 = arith.constant 0 : i32
      %scan3A_185 = arith.constant 0 : i32
      %scan3A_186 = arith.constant 19 : i32
      %scan3A_187 = arith.addi %scan3A_185, %scan3A_186 : i32
      %scan3A_188 = arith.constant 1 : i32
      %scan3A_189 = scf.for %scan3A_239 = %scan3A_185 to %scan3A_187 step %scan3A_188 iter_args(%scan3A_240 = %scan3A_184) -> (i32)  : i32 {
        %mul3A_241 = arith.constant 2 : i32
        %mul3A_242 = arith.muli %mul3A_241, %scan3A_239 : i32
        %add3A_243 = arith.constant 1 : i32
        %add3A_244 = arith.addi %add3A_243, %mul3A_242 : i32
        %add3A_245 = arith.constant 0 : i32
        %add3A_246 = arith.addi %add3A_244, %add3A_245 : i32
        %sub3A = arith.constant 1 : i32
        %sub3A_247 = arith.subi %add3A_246, %sub3A : i32
        %dma_wait3A_248 = arith.constant 0 : i32
        %dma_wait3A_249 = arith.constant 0 : i32
        %dma_wait3A_250 = arith.constant 0 : i32
        %dma_wait3A_251 = tpu.memref_slice %arg7[%dma_wait3A_248, %dma_wait3A_249, %dma_wait3A_250] : memref<2x128x128xf32, #tpu.memory_space<vmem>> -> memref<1x128x128xf32, #tpu.memory_space<vmem>>
        %dma_wait3A_252 = tpu.memref_squeeze %dma_wait3A_251 : memref<1x128x128xf32, #tpu.memory_space<vmem>> -> memref<128x128xf32, #tpu.memory_space<vmem>>
        %dma_wait3A_253 = arith.constant 0 : i32
        %dma_wait3A_254 = tpu.memref_slice %arg6[%sub3A_247, %dma_wait3A_253] : memref<40x128xi32, #tpu.memory_space<vmem>> -> memref<1x128xi32, #tpu.memory_space<vmem>>
        %dma_wait3A_255 = tpu.memref_squeeze %dma_wait3A_254 : memref<1x128xi32, #tpu.memory_space<vmem>> -> memref<128xi32, #tpu.memory_space<vmem>>
        %dma_wait3A_256 = arith.constant 0 : i32
        %dma_wait3A_257 = arith.constant 0 : i32
        %dma_wait3A_258 = tpu.memref_slice %arg8[%dma_wait3A_256, %dma_wait3A_257] : memref<10240x128xf32, #tpu.memory_space<vmem_shared>> -> memref<10240x128xf32, #tpu.memory_space<vmem_shared>>
        tpu.wait_indirect_dma semaphore(%arg11 : memref<!tpu.dma_semaphore, #tpu.memory_space<semaphore_mem>>) src(%dma_wait3A_252 : memref<128x128xf32, #tpu.memory_space<vmem>>) dst(%dma_wait3A_258 : memref<10240x128xf32, #tpu.memory_space<vmem_shared>>)
        %add3A_259 = arith.constant 1 : i32
        %add3A_260 = arith.addi %add3A_246, %add3A_259 : i32
        %dma_start3A_261 = arith.constant 0 : i32
        %dma_start3A_262 = arith.constant 0 : i32
        %dma_start3A_263 = arith.constant 0 : i32
        %dma_start3A_264 = tpu.memref_slice %arg7[%dma_start3A_261, %dma_start3A_262, %dma_start3A_263] : memref<2x128x128xf32, #tpu.memory_space<vmem>> -> memref<1x128x128xf32, #tpu.memory_space<vmem>>
        %dma_start3A_265 = tpu.memref_squeeze %dma_start3A_264 : memref<1x128x128xf32, #tpu.memory_space<vmem>> -> memref<128x128xf32, #tpu.memory_space<vmem>>
        %dma_start3A_266 = arith.constant 0 : i32
        %dma_start3A_267 = tpu.memref_slice %arg5[%add3A_260, %dma_start3A_266] : memref<40x128xi32, #tpu.memory_space<vmem>> -> memref<1x128xi32, #tpu.memory_space<vmem>>
        %dma_start3A_268 = tpu.memref_squeeze %dma_start3A_267 : memref<1x128xi32, #tpu.memory_space<vmem>> -> memref<128xi32, #tpu.memory_space<vmem>>
        %dma_start3A_269 = arith.constant 0 : i32
        %dma_start3A_270 = arith.constant 0 : i32
        %dma_start3A_271 = tpu.memref_slice %arg2[%dma_start3A_269, %dma_start3A_270] : memref<10240x128xf32, #tpu.memory_space<hbm>> -> memref<10240x128xf32, #tpu.memory_space<hbm>>
        tpu.enqueue_indirect_dma source(%dma_start3A_271 : memref<10240x128xf32, #tpu.memory_space<hbm>>) target(%dma_start3A_265 : memref<128x128xf32, #tpu.memory_space<vmem>>) offsets(%dma_start3A_268 : memref<128xi32, #tpu.memory_space<vmem>>) semaphore(%arg9 : memref<!tpu.dma_semaphore, #tpu.memory_space<semaphore_mem>>)
        %dma_wait3A_272 = arith.constant 1 : i32
        %dma_wait3A_273 = arith.constant 0 : i32
        %dma_wait3A_274 = arith.constant 0 : i32
        %dma_wait3A_275 = tpu.memref_slice %arg7[%dma_wait3A_272, %dma_wait3A_273, %dma_wait3A_274] : memref<2x128x128xf32, #tpu.memory_space<vmem>> -> memref<1x128x128xf32, #tpu.memory_space<vmem>>
        %dma_wait3A_276 = tpu.memref_squeeze %dma_wait3A_275 : memref<1x128x128xf32, #tpu.memory_space<vmem>> -> memref<128x128xf32, #tpu.memory_space<vmem>>
        %dma_wait3A_277 = arith.constant 0 : i32
        %dma_wait3A_278 = tpu.memref_slice %arg5[%add3A_246, %dma_wait3A_277] : memref<40x128xi32, #tpu.memory_space<vmem>> -> memref<1x128xi32, #tpu.memory_space<vmem>>
        %dma_wait3A_279 = tpu.memref_squeeze %dma_wait3A_278 : memref<1x128xi32, #tpu.memory_space<vmem>> -> memref<128xi32, #tpu.memory_space<vmem>>
        %dma_wait3A_280 = arith.constant 0 : i32
        %dma_wait3A_281 = arith.constant 0 : i32
        %dma_wait3A_282 = tpu.memref_slice %arg2[%dma_wait3A_280, %dma_wait3A_281] : memref<10240x128xf32, #tpu.memory_space<hbm>> -> memref<10240x128xf32, #tpu.memory_space<hbm>>
        tpu.wait_indirect_dma semaphore(%arg10 : memref<!tpu.dma_semaphore, #tpu.memory_space<semaphore_mem>>) src(%dma_wait3A_282 : memref<10240x128xf32, #tpu.memory_space<hbm>>) dst(%dma_wait3A_276 : memref<128x128xf32, #tpu.memory_space<vmem>>)
        %dma_start3A_283 = arith.constant 1 : i32
        %dma_start3A_284 = arith.constant 0 : i32
        %dma_start3A_285 = arith.constant 0 : i32
        %dma_start3A_286 = tpu.memref_slice %arg7[%dma_start3A_283, %dma_start3A_284, %dma_start3A_285] : memref<2x128x128xf32, #tpu.memory_space<vmem>> -> memref<1x128x128xf32, #tpu.memory_space<vmem>>
        %dma_start3A_287 = tpu.memref_squeeze %dma_start3A_286 : memref<1x128x128xf32, #tpu.memory_space<vmem>> -> memref<128x128xf32, #tpu.memory_space<vmem>>
        %dma_start3A_288 = arith.constant 0 : i32
        %dma_start3A_289 = tpu.memref_slice %arg6[%add3A_246, %dma_start3A_288] : memref<40x128xi32, #tpu.memory_space<vmem>> -> memref<1x128xi32, #tpu.memory_space<vmem>>
        %dma_start3A_290 = tpu.memref_squeeze %dma_start3A_289 : memref<1x128xi32, #tpu.memory_space<vmem>> -> memref<128xi32, #tpu.memory_space<vmem>>
        %dma_start3A_291 = arith.constant 0 : i32
        %dma_start3A_292 = arith.constant 0 : i32
        %dma_start3A_293 = tpu.memref_slice %arg8[%dma_start3A_291, %dma_start3A_292] : memref<10240x128xf32, #tpu.memory_space<vmem_shared>> -> memref<10240x128xf32, #tpu.memory_space<vmem_shared>>
        tpu.enqueue_indirect_dma source(%dma_start3A_287 : memref<128x128xf32, #tpu.memory_space<vmem>>) target(%dma_start3A_293 : memref<10240x128xf32, #tpu.memory_space<vmem_shared>>) offsets(%dma_start3A_290 : memref<128xi32, #tpu.memory_space<vmem>>) semaphore(%arg12 : memref<!tpu.dma_semaphore, #tpu.memory_space<semaphore_mem>>) {add = true}
        %mul3A_294 = arith.constant 2 : i32
        %mul3A_295 = arith.muli %mul3A_294, %scan3A_239 : i32
        %add3A_296 = arith.constant 1 : i32
        %add3A_297 = arith.addi %add3A_296, %mul3A_295 : i32
        %add3A_298 = arith.constant 1 : i32
        %add3A_299 = arith.addi %add3A_297, %add3A_298 : i32
        %sub3A_300 = arith.constant 1 : i32
        %sub3A_301 = arith.subi %add3A_299, %sub3A_300 : i32
        %dma_wait3A_302 = arith.constant 1 : i32
        %dma_wait3A_303 = arith.constant 0 : i32
        %dma_wait3A_304 = arith.constant 0 : i32
        %dma_wait3A_305 = tpu.memref_slice %arg7[%dma_wait3A_302, %dma_wait3A_303, %dma_wait3A_304] : memref<2x128x128xf32, #tpu.memory_space<vmem>> -> memref<1x128x128xf32, #tpu.memory_space<vmem>>
        %dma_wait3A_306 = tpu.memref_squeeze %dma_wait3A_305 : memref<1x128x128xf32, #tpu.memory_space<vmem>> -> memref<128x128xf32, #tpu.memory_space<vmem>>
        %dma_wait3A_307 = arith.constant 0 : i32
        %dma_wait3A_308 = tpu.memref_slice %arg6[%sub3A_301, %dma_wait3A_307] : memref<40x128xi32, #tpu.memory_space<vmem>> -> memref<1x128xi32, #tpu.memory_space<vmem>>
        %dma_wait3A_309 = tpu.memref_squeeze %dma_wait3A_308 : memref<1x128xi32, #tpu.memory_space<vmem>> -> memref<128xi32, #tpu.memory_space<vmem>>
        %dma_wait3A_310 = arith.constant 0 : i32
        %dma_wait3A_311 = arith.constant 0 : i32
        %dma_wait3A_312 = tpu.memref_slice %arg8[%dma_wait3A_310, %dma_wait3A_311] : memref<10240x128xf32, #tpu.memory_space<vmem_shared>> -> memref<10240x128xf32, #tpu.memory_space<vmem_shared>>
        tpu.wait_indirect_dma semaphore(%arg12 : memref<!tpu.dma_semaphore, #tpu.memory_space<semaphore_mem>>) src(%dma_wait3A_306 : memref<128x128xf32, #tpu.memory_space<vmem>>) dst(%dma_wait3A_312 : memref<10240x128xf32, #tpu.memory_space<vmem_shared>>)
        %add3A_313 = arith.constant 1 : i32
        %add3A_314 = arith.addi %add3A_299, %add3A_313 : i32
        %dma_start3A_315 = arith.constant 1 : i32
        %dma_start3A_316 = arith.constant 0 : i32
        %dma_start3A_317 = arith.constant 0 : i32
        %dma_start3A_318 = tpu.memref_slice %arg7[%dma_start3A_315, %dma_start3A_316, %dma_start3A_317] : memref<2x128x128xf32, #tpu.memory_space<vmem>> -> memref<1x128x128xf32, #tpu.memory_space<vmem>>
        %dma_start3A_319 = tpu.memref_squeeze %dma_start3A_318 : memref<1x128x128xf32, #tpu.memory_space<vmem>> -> memref<128x128xf32, #tpu.memory_space<vmem>>
        %dma_start3A_320 = arith.constant 0 : i32
        %dma_start3A_321 = tpu.memref_slice %arg5[%add3A_314, %dma_start3A_320] : memref<40x128xi32, #tpu.memory_space<vmem>> -> memref<1x128xi32, #tpu.memory_space<vmem>>
        %dma_start3A_322 = tpu.memref_squeeze %dma_start3A_321 : memref<1x128xi32, #tpu.memory_space<vmem>> -> memref<128xi32, #tpu.memory_space<vmem>>
        %dma_start3A_323 = arith.constant 0 : i32
        %dma_start3A_324 = arith.constant 0 : i32
        %dma_start3A_325 = tpu.memref_slice %arg2[%dma_start3A_323, %dma_start3A_324] : memref<10240x128xf32, #tpu.memory_space<hbm>> -> memref<10240x128xf32, #tpu.memory_space<hbm>>
        tpu.enqueue_indirect_dma source(%dma_start3A_325 : memref<10240x128xf32, #tpu.memory_space<hbm>>) target(%dma_start3A_319 : memref<128x128xf32, #tpu.memory_space<vmem>>) offsets(%dma_start3A_322 : memref<128xi32, #tpu.memory_space<vmem>>) semaphore(%arg10 : memref<!tpu.dma_semaphore, #tpu.memory_space<semaphore_mem>>)
        %dma_wait3A_326 = arith.constant 0 : i32
        %dma_wait3A_327 = arith.constant 0 : i32
        %dma_wait3A_328 = arith.constant 0 : i32
        %dma_wait3A_329 = tpu.memref_slice %arg7[%dma_wait3A_326, %dma_wait3A_327, %dma_wait3A_328] : memref<2x128x128xf32, #tpu.memory_space<vmem>> -> memref<1x128x128xf32, #tpu.memory_space<vmem>>
        %dma_wait3A_330 = tpu.memref_squeeze %dma_wait3A_329 : memref<1x128x128xf32, #tpu.memory_space<vmem>> -> memref<128x128xf32, #tpu.memory_space<vmem>>
        %dma_wait3A_331 = arith.constant 0 : i32
        %dma_wait3A_332 = tpu.memref_slice %arg5[%add3A_299, %dma_wait3A_331] : memref<40x128xi32, #tpu.memory_space<vmem>> -> memref<1x128xi32, #tpu.memory_space<vmem>>
        %dma_wait3A_333 = tpu.memref_squeeze %dma_wait3A_332 : memref<1x128xi32, #tpu.memory_space<vmem>> -> memref<128xi32, #tpu.memory_space<vmem>>
        %dma_wait3A_334 = arith.constant 0 : i32
        %dma_wait3A_335 = arith.constant 0 : i32
        %dma_wait3A_336 = tpu.memref_slice %arg2[%dma_wait3A_334, %dma_wait3A_335] : memref<10240x128xf32, #tpu.memory_space<hbm>> -> memref<10240x128xf32, #tpu.memory_space<hbm>>
        tpu.wait_indirect_dma semaphore(%arg9 : memref<!tpu.dma_semaphore, #tpu.memory_space<semaphore_mem>>) src(%dma_wait3A_336 : memref<10240x128xf32, #tpu.memory_space<hbm>>) dst(%dma_wait3A_330 : memref<128x128xf32, #tpu.memory_space<vmem>>)
        %dma_start3A_337 = arith.constant 0 : i32
        %dma_start3A_338 = arith.constant 0 : i32
        %dma_start3A_339 = arith.constant 0 : i32
        %dma_start3A_340 = tpu.memref_slice %arg7[%dma_start3A_337, %dma_start3A_338, %dma_start3A_339] : memref<2x128x128xf32, #tpu.memory_space<vmem>> -> memref<1x128x128xf32, #tpu.memory_space<vmem>>
        %dma_start3A_341 = tpu.memref_squeeze %dma_start3A_340 : memref<1x128x128xf32, #tpu.memory_space<vmem>> -> memref<128x128xf32, #tpu.memory_space<vmem>>
        %dma_start3A_342 = arith.constant 0 : i32
        %dma_start3A_343 = tpu.memref_slice %arg6[%add3A_299, %dma_start3A_342] : memref<40x128xi32, #tpu.memory_space<vmem>> -> memref<1x128xi32, #tpu.memory_space<vmem>>
        %dma_start3A_344 = tpu.memref_squeeze %dma_start3A_343 : memref<1x128xi32, #tpu.memory_space<vmem>> -> memref<128xi32, #tpu.memory_space<vmem>>
        %dma_start3A_345 = arith.constant 0 : i32
        %dma_start3A_346 = arith.constant 0 : i32
        %dma_start3A_347 = tpu.memref_slice %arg8[%dma_start3A_345, %dma_start3A_346] : memref<10240x128xf32, #tpu.memory_space<vmem_shared>> -> memref<10240x128xf32, #tpu.memory_space<vmem_shared>>
        tpu.enqueue_indirect_dma source(%dma_start3A_341 : memref<128x128xf32, #tpu.memory_space<vmem>>) target(%dma_start3A_347 : memref<10240x128xf32, #tpu.memory_space<vmem_shared>>) offsets(%dma_start3A_344 : memref<128xi32, #tpu.memory_space<vmem>>) semaphore(%arg11 : memref<!tpu.dma_semaphore, #tpu.memory_space<semaphore_mem>>) {add = true}
        %scan3A_348 = arith.constant 0 : i32
        scf.yield %scan3A_348 : i32
      }
      %scan3A_190 = arith.constant 19 : i32
      %dma_wait3A_191 = arith.constant 39 : i32
      %dma_wait3A_192 = arith.constant 1 : i32
      %dma_wait3A_193 = arith.constant 0 : i32
      %dma_wait3A_194 = arith.constant 0 : i32
      %dma_wait3A_195 = tpu.memref_slice %arg7[%dma_wait3A_192, %dma_wait3A_193, %dma_wait3A_194] : memref<2x128x128xf32, #tpu.memory_space<vmem>> -> memref<1x128x128xf32, #tpu.memory_space<vmem>>
      %dma_wait3A_196 = tpu.memref_squeeze %dma_wait3A_195 : memref<1x128x128xf32, #tpu.memory_space<vmem>> -> memref<128x128xf32, #tpu.memory_space<vmem>>
      %dma_wait3A_197 = arith.constant 0 : i32
      %dma_wait3A_198 = tpu.memref_slice %arg5[%dma_wait3A_191, %dma_wait3A_197] : memref<40x128xi32, #tpu.memory_space<vmem>> -> memref<1x128xi32, #tpu.memory_space<vmem>>
      %dma_wait3A_199 = tpu.memref_squeeze %dma_wait3A_198 : memref<1x128xi32, #tpu.memory_space<vmem>> -> memref<128xi32, #tpu.memory_space<vmem>>
      %dma_wait3A_200 = arith.constant 0 : i32
      %dma_wait3A_201 = arith.constant 0 : i32
      %dma_wait3A_202 = tpu.memref_slice %arg2[%dma_wait3A_200, %dma_wait3A_201] : memref<10240x128xf32, #tpu.memory_space<hbm>> -> memref<10240x128xf32, #tpu.memory_space<hbm>>
      tpu.wait_indirect_dma semaphore(%arg10 : memref<!tpu.dma_semaphore, #tpu.memory_space<semaphore_mem>>) src(%dma_wait3A_202 : memref<10240x128xf32, #tpu.memory_space<hbm>>) dst(%dma_wait3A_196 : memref<128x128xf32, #tpu.memory_space<vmem>>)
      %dma_start3A_203 = arith.constant 1 : i32
      %dma_start3A_204 = arith.constant 39 : i32
      %dma_start3A_205 = arith.constant 0 : i32
      %dma_start3A_206 = arith.constant 0 : i32
      %dma_start3A_207 = tpu.memref_slice %arg7[%dma_start3A_203, %dma_start3A_205, %dma_start3A_206] : memref<2x128x128xf32, #tpu.memory_space<vmem>> -> memref<1x128x128xf32, #tpu.memory_space<vmem>>
      %dma_start3A_208 = tpu.memref_squeeze %dma_start3A_207 : memref<1x128x128xf32, #tpu.memory_space<vmem>> -> memref<128x128xf32, #tpu.memory_space<vmem>>
      %dma_start3A_209 = arith.constant 0 : i32
      %dma_start3A_210 = tpu.memref_slice %arg6[%dma_start3A_204, %dma_start3A_209] : memref<40x128xi32, #tpu.memory_space<vmem>> -> memref<1x128xi32, #tpu.memory_space<vmem>>
      %dma_start3A_211 = tpu.memref_squeeze %dma_start3A_210 : memref<1x128xi32, #tpu.memory_space<vmem>> -> memref<128xi32, #tpu.memory_space<vmem>>
      %dma_start3A_212 = arith.constant 0 : i32
      %dma_start3A_213 = arith.constant 0 : i32
      %dma_start3A_214 = tpu.memref_slice %arg8[%dma_start3A_212, %dma_start3A_213] : memref<10240x128xf32, #tpu.memory_space<vmem_shared>> -> memref<10240x128xf32, #tpu.memory_space<vmem_shared>>
      tpu.enqueue_indirect_dma source(%dma_start3A_208 : memref<128x128xf32, #tpu.memory_space<vmem>>) target(%dma_start3A_214 : memref<10240x128xf32, #tpu.memory_space<vmem_shared>>) offsets(%dma_start3A_211 : memref<128xi32, #tpu.memory_space<vmem>>) semaphore(%arg12 : memref<!tpu.dma_semaphore, #tpu.memory_space<semaphore_mem>>) {add = true}
      %dma_wait3A_215 = arith.constant 0 : i32
      %dma_wait3A_216 = arith.constant 38 : i32
      %dma_wait3A_217 = arith.constant 0 : i32
      %dma_wait3A_218 = arith.constant 0 : i32
      %dma_wait3A_219 = tpu.memref_slice %arg7[%dma_wait3A_215, %dma_wait3A_217, %dma_wait3A_218] : memref<2x128x128xf32, #tpu.memory_space<vmem>> -> memref<1x128x128xf32, #tpu.memory_space<vmem>>
      %dma_wait3A_220 = tpu.memref_squeeze %dma_wait3A_219 : memref<1x128x128xf32, #tpu.memory_space<vmem>> -> memref<128x128xf32, #tpu.memory_space<vmem>>
      %dma_wait3A_221 = arith.constant 0 : i32
      %dma_wait3A_222 = tpu.memref_slice %arg6[%dma_wait3A_216, %dma_wait3A_221] : memref<40x128xi32, #tpu.memory_space<vmem>> -> memref<1x128xi32, #tpu.memory_space<vmem>>
      %dma_wait3A_223 = tpu.memref_squeeze %dma_wait3A_222 : memref<1x128xi32, #tpu.memory_space<vmem>> -> memref<128xi32, #tpu.memory_space<vmem>>
      %dma_wait3A_224 = arith.constant 0 : i32
      %dma_wait3A_225 = arith.constant 0 : i32
      %dma_wait3A_226 = tpu.memref_slice %arg8[%dma_wait3A_224, %dma_wait3A_225] : memref<10240x128xf32, #tpu.memory_space<vmem_shared>> -> memref<10240x128xf32, #tpu.memory_space<vmem_shared>>
      tpu.wait_indirect_dma semaphore(%arg11 : memref<!tpu.dma_semaphore, #tpu.memory_space<semaphore_mem>>) src(%dma_wait3A_220 : memref<128x128xf32, #tpu.memory_space<vmem>>) dst(%dma_wait3A_226 : memref<10240x128xf32, #tpu.memory_space<vmem_shared>>)
      %dma_wait3A_227 = arith.constant 1 : i32
      %dma_wait3A_228 = arith.constant 39 : i32
      %dma_wait3A_229 = arith.constant 0 : i32
      %dma_wait3A_230 = arith.constant 0 : i32
      %dma_wait3A_231 = tpu.memref_slice %arg7[%dma_wait3A_227, %dma_wait3A_229, %dma_wait3A_230] : memref<2x128x128xf32, #tpu.memory_space<vmem>> -> memref<1x128x128xf32, #tpu.memory_space<vmem>>
      %dma_wait3A_232 = tpu.memref_squeeze %dma_wait3A_231 : memref<1x128x128xf32, #tpu.memory_space<vmem>> -> memref<128x128xf32, #tpu.memory_space<vmem>>
      %dma_wait3A_233 = arith.constant 0 : i32
      %dma_wait3A_234 = tpu.memref_slice %arg6[%dma_wait3A_228, %dma_wait3A_233] : memref<40x128xi32, #tpu.memory_space<vmem>> -> memref<1x128xi32, #tpu.memory_space<vmem>>
      %dma_wait3A_235 = tpu.memref_squeeze %dma_wait3A_234 : memref<1x128xi32, #tpu.memory_space<vmem>> -> memref<128xi32, #tpu.memory_space<vmem>>
      %dma_wait3A_236 = arith.constant 0 : i32
      %dma_wait3A_237 = arith.constant 0 : i32
      %dma_wait3A_238 = tpu.memref_slice %arg8[%dma_wait3A_236, %dma_wait3A_237] : memref<10240x128xf32, #tpu.memory_space<vmem_shared>> -> memref<10240x128xf32, #tpu.memory_space<vmem_shared>>
      tpu.wait_indirect_dma semaphore(%arg12 : memref<!tpu.dma_semaphore, #tpu.memory_space<semaphore_mem>>) src(%dma_wait3A_232 : memref<128x128xf32, #tpu.memory_space<vmem>>) dst(%dma_wait3A_238 : memref<10240x128xf32, #tpu.memory_space<vmem_shared>>)
    } else {
    }
    %barrier3A_124 = arith.constant 0 : index
    tpu.barrier barrier_id(%barrier3A_124)
    %mul3A_125 = arith.constant 640 : i32
    %mul3A_126 = arith.muli %arg1, %mul3A_125 : i32
    %mul3A_127 = arith.constant 640 : i32
    %mul3A_128 = arith.muli %arg1, %mul3A_127 : i32
    "tpu.region"() ({
      %run_scoped3A_129 = tpu.sem_alloc : memref<!tpu.dma_semaphore, #tpu.memory_space<semaphore_mem>>
      %dma_start3A_130 = arith.constant 0 : i32
      %dma_start3A_131 = tpu.memref_slice %arg4[%arg0, %mul3A_128, %dma_start3A_130] : memref<2x10240x128xf32, #tpu.memory_space<hbm>> -> memref<1x640x128xf32, #tpu.memory_space<hbm>>
      %dma_start3A_132 = tpu.memref_squeeze %dma_start3A_131 : memref<1x640x128xf32, #tpu.memory_space<hbm>> -> memref<640x128xf32, #tpu.memory_space<hbm>>
      %dma_start3A_133 = arith.constant 0 : i32
      %dma_start3A_134 = tpu.memref_slice %arg8[%mul3A_126, %dma_start3A_133] : memref<10240x128xf32, #tpu.memory_space<vmem_shared>> -> memref<640x128xf32, #tpu.memory_space<vmem_shared>>
      tpu.enqueue_dma source(%dma_start3A_134 : memref<640x128xf32, #tpu.memory_space<vmem_shared>>) target(%dma_start3A_132 : memref<640x128xf32, #tpu.memory_space<hbm>>) target_semaphore(%run_scoped3A_129 : memref<!tpu.dma_semaphore, #tpu.memory_space<semaphore_mem>>)
      %dma_wait3A_135 = arith.constant 0 : i32
      %dma_wait3A_136 = tpu.memref_slice %arg4[%arg0, %mul3A_128, %dma_wait3A_135] : memref<2x10240x128xf32, #tpu.memory_space<hbm>> -> memref<1x640x128xf32, #tpu.memory_space<hbm>>
      %dma_wait3A_137 = tpu.memref_squeeze %dma_wait3A_136 : memref<1x640x128xf32, #tpu.memory_space<hbm>> -> memref<640x128xf32, #tpu.memory_space<hbm>>
      %dma_wait3A_138 = arith.constant 0 : i32
      %dma_wait3A_139 = tpu.memref_slice %arg8[%mul3A_126, %dma_wait3A_138] : memref<10240x128xf32, #tpu.memory_space<vmem_shared>> -> memref<640x128xf32, #tpu.memory_space<vmem_shared>>
      tpu.wait_dma2 semaphore(%run_scoped3A_129 : memref<!tpu.dma_semaphore, #tpu.memory_space<semaphore_mem>>) src(%dma_wait3A_139 : memref<640x128xf32, #tpu.memory_space<vmem_shared>>) dst(%dma_wait3A_137 : memref<640x128xf32, #tpu.memory_space<hbm>>)
      tpu.yield
    }) : () -> ()
    return
  }
}

module attributes {stable_mosaic.version = 14 : i64} {
  func.func @_tc_mm_body(%arg0: i32, %arg1: memref<2048x128xf32, #tpu.memory_space<vmem>>, %arg2: memref<128x128xf32, #tpu.memory_space<vmem>>, %arg3: memref<1x128xf32, #tpu.memory_space<vmem>>, %arg4: memref<128x128xf32, #tpu.memory_space<vmem>>, %arg5: memref<2048x128xf32, #tpu.memory_space<vmem>>) attributes {dimension_semantics = [#tpu.dimension_semantics<arbitrary>], iteration_bounds = array<i64: 5>, scalar_prefetch = 0 : i64, scratch_operands = 0 : i64, tpu.core_type = #tpu.core_type<tc>, window_params = [{transform_indices = @transform_0, window_bounds = array<i64: 2048, 128>}, {pipeline_mode = #tpu.pipeline_mode<synchronous>, transform_indices = @transform_1, window_bounds = array<i64: 128, 128>}, {pipeline_mode = #tpu.pipeline_mode<synchronous>, transform_indices = @transform_2, window_bounds = array<i64: 1, 128>}, {pipeline_mode = #tpu.pipeline_mode<synchronous>, transform_indices = @transform_3, window_bounds = array<i64: 128, 128>}, {transform_indices = @transform_4, window_bounds = array<i64: 2048, 128>}]} {
    %get3A = arith.constant 0 : index
    %get3A_0 = arith.constant 0 : index
    %get3A_1 = vector.load %arg1[%get3A, %get3A_0] : memref<2048x128xf32, #tpu.memory_space<vmem>>, vector<2048x128xf32>
    %get3A_2 = arith.constant 0 : index
    %get3A_3 = arith.constant 0 : index
    %get3A_4 = vector.load %arg2[%get3A_2, %get3A_3] : memref<128x128xf32, #tpu.memory_space<vmem>>, vector<128x128xf32>
    %dot_general3A = arith.constant dense<0.000000e+00> : vector<2048x128xf32>
    %dot_general3A_5 = tpu.matmul %get3A_1, %get3A_4, %dot_general3A {dimension_numbers = #tpu.dot_dimension_numbers<[1], [0], [0], [1], [0, 0, 1, 1], [], []>, transpose_lhs_hint = false} : vector<2048x128xf32>, vector<128x128xf32>, vector<2048x128xf32> -> vector<2048x128xf32>
    %get3A_6 = arith.constant 0 : index
    %get3A_7 = arith.constant 0 : index
    %get3A_8 = vector.load %arg3[%get3A_6, %get3A_7] : memref<1x128xf32, #tpu.memory_space<vmem>>, vector<1x128xf32>
    %add3A = vector.broadcast %get3A_8 : vector<1x128xf32> to vector<2048x128xf32>
    %add3A_9 = arith.addf %dot_general3A_5, %add3A : vector<2048x128xf32>
    %ge3A = arith.constant 0.000000e+00 : f32
    %ge3A_10 = vector.broadcast %ge3A : f32 to vector<2048x128xf32>
    %ge3A_11 = arith.cmpf oge, %add3A_9, %ge3A_10 : vector<2048x128xf32>
    %mul3A = arith.constant 4.000000e-01 : f32
    %mul3A_12 = vector.broadcast %mul3A : f32 to vector<2048x128xf32>
    %mul3A_13 = arith.mulf %mul3A_12, %add3A_9 : vector<2048x128xf32>
    %select_n3A = arith.select %ge3A_11, %add3A_9, %mul3A_13 : vector<2048x128xi1>, vector<2048x128xf32>
    %get3A_14 = arith.constant 0 : index
    %get3A_15 = arith.constant 0 : index
    %get3A_16 = vector.load %arg4[%get3A_14, %get3A_15] : memref<128x128xf32, #tpu.memory_space<vmem>>, vector<128x128xf32>
    %dot_general3A_17 = arith.constant dense<0.000000e+00> : vector<2048x128xf32>
    %dot_general3A_18 = tpu.matmul %select_n3A, %get3A_16, %dot_general3A_17 {dimension_numbers = #tpu.dot_dimension_numbers<[1], [0], [0], [1], [0, 0, 1, 1], [], []>, transpose_lhs_hint = false} : vector<2048x128xf32>, vector<128x128xf32>, vector<2048x128xf32> -> vector<2048x128xf32>
    %swap3A = arith.constant 0 : index
    %swap3A_19 = arith.constant 0 : index
    %swap3A_20 = vector.load %arg5[%swap3A, %swap3A_19] : memref<2048x128xf32, #tpu.memory_space<vmem>>, vector<2048x128xf32>
    tpu.vector_store %arg5[%swap3A, %swap3A_19], %dot_general3A_18 {strides = array<i32>} : memref<2048x128xf32, #tpu.memory_space<vmem>>, vector<2048x128xf32>,
    return
  }
  func.func @transform_0(%arg0: i32) -> (i32, i32) {
    %c0_i32 = arith.constant 0 : i32
    %c0_i32_0 = arith.constant 0 : i32
    return %arg0, %c0_i32 : i32, i32
  }
  func.func @transform_1(%arg0: i32) -> (i32, i32) {
    %c0_i32 = arith.constant 0 : i32
    %c0_i32_0 = arith.constant 0 : i32
    %c0_i32_1 = arith.constant 0 : i32
    return %c0_i32, %c0_i32_0 : i32, i32
  }
  func.func @transform_2(%arg0: i32) -> (i32, i32) {
    %c0_i32 = arith.constant 0 : i32
    %c0_i32_0 = arith.constant 0 : i32
    %c0_i32_1 = arith.constant 0 : i32
    return %c0_i32, %c0_i32_0 : i32, i32
  }
  func.func @transform_3(%arg0: i32) -> (i32, i32) {
    %c0_i32 = arith.constant 0 : i32
    %c0_i32_0 = arith.constant 0 : i32
    %c0_i32_1 = arith.constant 0 : i32
    return %c0_i32, %c0_i32_0 : i32, i32
  }
  func.func @transform_4(%arg0: i32) -> (i32, i32) {
    %c0_i32 = arith.constant 0 : i32
    %c0_i32_0 = arith.constant 0 : i32
    return %arg0, %c0_i32 : i32, i32
  }
}

module attributes {stable_mosaic.version = 14 : i64} {
  func.func @_tc_scale_body(%arg0: i32, %arg1: memref<2048x128xf32, #tpu.memory_space<vmem>>, %arg2: memref<2x2048xf32, #tpu.memory_space<vmem>>, %arg3: memref<2048x128xf32, #tpu.memory_space<vmem>>) attributes {dimension_semantics = [#tpu.dimension_semantics<arbitrary>], iteration_bounds = array<i64: 5>, scalar_prefetch = 0 : i64, scratch_operands = 0 : i64, tpu.core_type = #tpu.core_type<tc>, window_params = [{transform_indices = @transform_0, window_bounds = array<i64: 2048, 128>}, {transform_indices = @transform_1, window_bounds = array<i64: 2, 2048>}, {transform_indices = @transform_2, window_bounds = array<i64: 2048, 128>}]} {
    %mul3A = arith.constant 2048 : i32
    %mul3A_0 = arith.muli %arg0, %mul3A : i32
    %iota3A = tpu.iota {dimensions = array<i32: 0>} : vector<2048x1xi32>
    %add3A = vector.broadcast %mul3A_0 : i32 to vector<2048x1xi32>
    %add3A_1 = arith.addi %add3A, %iota3A : vector<2048x1xi32>
    %lt3A = arith.constant 10000 : i32
    %lt3A_2 = vector.broadcast %lt3A : i32 to vector<2048x1xi32>
    %lt3A_3 = arith.cmpi slt, %add3A_1, %lt3A_2 : vector<2048x1xi32>
    %get3A = arith.constant 0 : index
    %get3A_4 = arith.constant 0 : index
    %get3A_5 = vector.load %arg2[%get3A, %get3A_4] : memref<2x2048xf32, #tpu.memory_space<vmem>>, vector<1x2048xf32>
    %get3A_6 = vector.shape_cast %get3A_5 : vector<1x2048xf32> to vector<2048xf32>
    %get3A_7 = arith.constant 1 : index
    %get3A_8 = arith.constant 0 : index
    %get3A_9 = vector.load %arg2[%get3A_7, %get3A_8] : memref<2x2048xf32, #tpu.memory_space<vmem>>, vector<1x2048xf32>
    %get3A_10 = vector.shape_cast %get3A_9 : vector<1x2048xf32> to vector<2048xf32>
    %add3A_11 = arith.addf %get3A_6, %get3A_10 : vector<2048xf32>
    %add3A_12 = arith.constant 1.000000e+00 : f32
    %add3A_13 = vector.broadcast %add3A_12 : f32 to vector<2048xf32>
    %add3A_14 = arith.addf %add3A_11, %add3A_13 : vector<2048xf32>
    %reshape3A = vector.shape_cast %add3A_14 : vector<2048xf32> to vector<1x2048xf32>
    %transpose3A = tpu.transpose %reshape3A, [1, 0] : vector<1x2048xf32> -> vector<2048x1xf32>
    %mul3A_15 = arith.constant 2048 : i32
    %mul3A_16 = arith.muli %arg0, %mul3A_15 : i32
    %iota3A_17 = tpu.iota {dimensions = array<i32: 0>} : vector<2048x1xi32>
    %add3A_18 = vector.broadcast %mul3A_16 : i32 to vector<2048x1xi32>
    %add3A_19 = arith.addi %add3A_18, %iota3A_17 : vector<2048x1xi32>
    %lt3A_20 = arith.constant 10000 : i32
    %lt3A_21 = vector.broadcast %lt3A_20 : i32 to vector<2048x1xi32>
    %lt3A_22 = arith.cmpi slt, %add3A_19, %lt3A_21 : vector<2048x1xi32>
    %rsqrt3A = math.rsqrt %transpose3A : vector<2048x1xf32>
    %jit3A = arith.constant 0.000000e+00 : f32
    %broadcast_in_dim3A = vector.broadcast %jit3A : f32 to vector<2048x1xf32>
    %select_n3A = arith.select %lt3A_22, %rsqrt3A, %broadcast_in_dim3A : vector<2048x1xi1>, vector<2048x1xf32>
    %get3A_23 = arith.constant 0 : index
    %get3A_24 = arith.constant 0 : index
    %get3A_25 = vector.load %arg1[%get3A_23, %get3A_24] : memref<2048x128xf32, #tpu.memory_space<vmem>>, vector<2048x128xf32>
    %mul3A_26 = vector.broadcast %select_n3A : vector<2048x1xf32> to vector<2048x128xf32>
    %mul3A_27 = arith.mulf %mul3A_26, %get3A_25 : vector<2048x128xf32>
    %jit3A_28 = arith.constant 0.000000e+00 : f32
    %broadcast_in_dim3A_29 = vector.shape_cast %lt3A_3 : vector<2048x1xi1> to vector<2048x1xi1>
    %broadcast_in_dim3A_30 = vector.broadcast %broadcast_in_dim3A_29 : vector<2048x1xi1> to vector<2048x128xi1>
    %broadcast_in_dim3A_31 = vector.broadcast %jit3A_28 : f32 to vector<2048x128xf32>
    %select_n3A_32 = arith.select %broadcast_in_dim3A_30, %mul3A_27, %broadcast_in_dim3A_31 : vector<2048x128xi1>, vector<2048x128xf32>
    %swap3A = arith.constant 0 : index
    %swap3A_33 = arith.constant 0 : index
    %swap3A_34 = vector.load %arg3[%swap3A, %swap3A_33] : memref<2048x128xf32, #tpu.memory_space<vmem>>, vector<2048x128xf32>
    tpu.vector_store %arg3[%swap3A, %swap3A_33], %select_n3A_32 {strides = array<i32>} : memref<2048x128xf32, #tpu.memory_space<vmem>>, vector<2048x128xf32>,
    return
  }
  func.func @transform_0(%arg0: i32) -> (i32, i32) {
    %c0_i32 = arith.constant 0 : i32
    %c0_i32_0 = arith.constant 0 : i32
    return %arg0, %c0_i32 : i32, i32
  }
  func.func @transform_1(%arg0: i32) -> (i32, i32) {
    %c0_i32 = arith.constant 0 : i32
    %c0_i32_0 = arith.constant 0 : i32
    return %c0_i32, %arg0 : i32, i32
  }
  func.func @transform_2(%arg0: i32) -> (i32, i32) {
    %c0_i32 = arith.constant 0 : i32
    %c0_i32_0 = arith.constant 0 : i32
    return %arg0, %c0_i32 : i32, i32
  }
}

module attributes {stable_mosaic.version = 14 : i64} {
  func.func @_tc_mid_body(%arg0: i32, %arg1: memref<2x2048x128xf32, #tpu.memory_space<vmem>>, %arg2: memref<2048x128xf32, #tpu.memory_space<vmem>>, %arg3: memref<2x2048xf32, #tpu.memory_space<vmem>>, %arg4: memref<1x128xf32, #tpu.memory_space<vmem>>, %arg5: memref<128x128xf32, #tpu.memory_space<vmem>>, %arg6: memref<2048x128xf32, #tpu.memory_space<vmem>>) attributes {dimension_semantics = [#tpu.dimension_semantics<arbitrary>], iteration_bounds = array<i64: 5>, scalar_prefetch = 0 : i64, scratch_operands = 0 : i64, tpu.core_type = #tpu.core_type<tc>, window_params = [{transform_indices = @transform_0, window_bounds = array<i64: 2, 2048, 128>}, {transform_indices = @transform_1, window_bounds = array<i64: 2048, 128>}, {transform_indices = @transform_2, window_bounds = array<i64: 2, 2048>}, {pipeline_mode = #tpu.pipeline_mode<synchronous>, transform_indices = @transform_3, window_bounds = array<i64: 1, 128>}, {pipeline_mode = #tpu.pipeline_mode<synchronous>, transform_indices = @transform_4, window_bounds = array<i64: 128, 128>}, {transform_indices = @transform_5, window_bounds = array<i64: 2048, 128>}]} {
    %get3A = arith.constant 0 : index
    %get3A_0 = arith.constant 0 : index
    %get3A_1 = vector.load %arg3[%get3A, %get3A_0] : memref<2x2048xf32, #tpu.memory_space<vmem>>, vector<1x2048xf32>
    %get3A_2 = vector.shape_cast %get3A_1 : vector<1x2048xf32> to vector<2048xf32>
    %get3A_3 = arith.constant 1 : index
    %get3A_4 = arith.constant 0 : index
    %get3A_5 = vector.load %arg3[%get3A_3, %get3A_4] : memref<2x2048xf32, #tpu.memory_space<vmem>>, vector<1x2048xf32>
    %get3A_6 = vector.shape_cast %get3A_5 : vector<1x2048xf32> to vector<2048xf32>
    %add3A = arith.addf %get3A_2, %get3A_6 : vector<2048xf32>
    %add3A_7 = arith.constant 1.000000e+00 : f32
    %add3A_8 = vector.broadcast %add3A_7 : f32 to vector<2048xf32>
    %add3A_9 = arith.addf %add3A, %add3A_8 : vector<2048xf32>
    %reshape3A = vector.shape_cast %add3A_9 : vector<2048xf32> to vector<1x2048xf32>
    %transpose3A = tpu.transpose %reshape3A, [1, 0] : vector<1x2048xf32> -> vector<2048x1xf32>
    %mul3A = arith.constant 2048 : i32
    %mul3A_10 = arith.muli %arg0, %mul3A : i32
    %iota3A = tpu.iota {dimensions = array<i32: 0>} : vector<2048x1xi32>
    %add3A_11 = vector.broadcast %mul3A_10 : i32 to vector<2048x1xi32>
    %add3A_12 = arith.addi %add3A_11, %iota3A : vector<2048x1xi32>
    %lt3A = arith.constant 10000 : i32
    %lt3A_13 = vector.broadcast %lt3A : i32 to vector<2048x1xi32>
    %lt3A_14 = arith.cmpi slt, %add3A_12, %lt3A_13 : vector<2048x1xi32>
    %rsqrt3A = math.rsqrt %transpose3A : vector<2048x1xf32>
    %jit3A = arith.constant 0.000000e+00 : f32
    %broadcast_in_dim3A = vector.broadcast %jit3A : f32 to vector<2048x1xf32>
    %select_n3A = arith.select %lt3A_14, %rsqrt3A, %broadcast_in_dim3A : vector<2048x1xi1>, vector<2048x1xf32>
    %get3A_15 = arith.constant 0 : index
    %get3A_16 = arith.constant 0 : index
    %get3A_17 = arith.constant 0 : index
    %get3A_18 = vector.load %arg1[%get3A_15, %get3A_16, %get3A_17] : memref<2x2048x128xf32, #tpu.memory_space<vmem>>, vector<1x2048x128xf32>
    %get3A_19 = vector.shape_cast %get3A_18 : vector<1x2048x128xf32> to vector<2048x128xf32>
    %get3A_20 = arith.constant 1 : index
    %get3A_21 = arith.constant 0 : index
    %get3A_22 = arith.constant 0 : index
    %get3A_23 = vector.load %arg1[%get3A_20, %get3A_21, %get3A_22] : memref<2x2048x128xf32, #tpu.memory_space<vmem>>, vector<1x2048x128xf32>
    %get3A_24 = vector.shape_cast %get3A_23 : vector<1x2048x128xf32> to vector<2048x128xf32>
    %add3A_25 = arith.addf %get3A_19, %get3A_24 : vector<2048x128xf32>
    %get3A_26 = arith.constant 0 : index
    %get3A_27 = arith.constant 0 : index
    %get3A_28 = vector.load %arg2[%get3A_26, %get3A_27] : memref<2048x128xf32, #tpu.memory_space<vmem>>, vector<2048x128xf32>
    %sub3A = arith.subf %add3A_25, %get3A_28 : vector<2048x128xf32>
    %mul3A_29 = vector.broadcast %select_n3A : vector<2048x1xf32> to vector<2048x128xf32>
    %mul3A_30 = arith.mulf %mul3A_29, %sub3A : vector<2048x128xf32>
    %get3A_31 = arith.constant 0 : index
    %get3A_32 = arith.constant 0 : index
    %get3A_33 = vector.load %arg4[%get3A_31, %get3A_32] : memref<1x128xf32, #tpu.memory_space<vmem>>, vector<1x128xf32>
    %add3A_34 = vector.broadcast %get3A_33 : vector<1x128xf32> to vector<2048x128xf32>
    %add3A_35 = arith.addf %mul3A_30, %add3A_34 : vector<2048x128xf32>
    %ge3A = arith.constant 0.000000e+00 : f32
    %ge3A_36 = vector.broadcast %ge3A : f32 to vector<2048x128xf32>
    %ge3A_37 = arith.cmpf oge, %add3A_35, %ge3A_36 : vector<2048x128xf32>
    %mul3A_38 = arith.constant 4.000000e-01 : f32
    %mul3A_39 = vector.broadcast %mul3A_38 : f32 to vector<2048x128xf32>
    %mul3A_40 = arith.mulf %mul3A_39, %add3A_35 : vector<2048x128xf32>
    %select_n3A_41 = arith.select %ge3A_37, %add3A_35, %mul3A_40 : vector<2048x128xi1>, vector<2048x128xf32>
    %get3A_42 = arith.constant 0 : index
    %get3A_43 = arith.constant 0 : index
    %get3A_44 = vector.load %arg5[%get3A_42, %get3A_43] : memref<128x128xf32, #tpu.memory_space<vmem>>, vector<128x128xf32>
    %dot_general3A = arith.constant dense<0.000000e+00> : vector<2048x128xf32>
    %dot_general3A_45 = tpu.matmul %select_n3A_41, %get3A_44, %dot_general3A {dimension_numbers = #tpu.dot_dimension_numbers<[1], [0], [0], [1], [0, 0, 1, 1], [], []>, transpose_lhs_hint = false} : vector<2048x128xf32>, vector<128x128xf32>, vector<2048x128xf32> -> vector<2048x128xf32>
    %mul3A_46 = vector.broadcast %select_n3A : vector<2048x1xf32> to vector<2048x128xf32>
    %mul3A_47 = arith.mulf %mul3A_46, %dot_general3A_45 : vector<2048x128xf32>
    %swap3A = arith.constant 0 : index
    %swap3A_48 = arith.constant 0 : index
    %swap3A_49 = vector.load %arg6[%swap3A, %swap3A_48] : memref<2048x128xf32, #tpu.memory_space<vmem>>, vector<2048x128xf32>
    tpu.vector_store %arg6[%swap3A, %swap3A_48], %mul3A_47 {strides = array<i32>} : memref<2048x128xf32, #tpu.memory_space<vmem>>, vector<2048x128xf32>,
    return
  }
  func.func @transform_0(%arg0: i32) -> (i32, i32, i32) {
    %c0_i32 = arith.constant 0 : i32
    %c0_i32_0 = arith.constant 0 : i32
    %c0_i32_1 = arith.constant 0 : i32
    return %c0_i32, %arg0, %c0_i32_0 : i32, i32, i32
  }
  func.func @transform_1(%arg0: i32) -> (i32, i32) {
    %c0_i32 = arith.constant 0 : i32
    %c0_i32_0 = arith.constant 0 : i32
    return %arg0, %c0_i32 : i32, i32
  }
  func.func @transform_2(%arg0: i32) -> (i32, i32) {
    %c0_i32 = arith.constant 0 : i32
    %c0_i32_0 = arith.constant 0 : i32
    return %c0_i32, %arg0 : i32, i32
  }
  func.func @transform_3(%arg0: i32) -> (i32, i32) {
    %c0_i32 = arith.constant 0 : i32
    %c0_i32_0 = arith.constant 0 : i32
    %c0_i32_1 = arith.constant 0 : i32
    return %c0_i32, %c0_i32_0 : i32, i32
  }
  func.func @transform_4(%arg0: i32) -> (i32, i32) {
    %c0_i32 = arith.constant 0 : i32
    %c0_i32_0 = arith.constant 0 : i32
    %c0_i32_1 = arith.constant 0 : i32
    return %c0_i32, %c0_i32_0 : i32, i32
  }
  func.func @transform_5(%arg0: i32) -> (i32, i32) {
    %c0_i32 = arith.constant 0 : i32
    %c0_i32_0 = arith.constant 0 : i32
    return %arg0, %c0_i32 : i32, i32
  }
}

module attributes {stable_mosaic.version = 14 : i64} {
  func.func @_tc_out_body(%arg0: i32, %arg1: memref<2x2048x128xf32, #tpu.memory_space<vmem>>, %arg2: memref<2048x128xf32, #tpu.memory_space<vmem>>, %arg3: memref<2x2048xf32, #tpu.memory_space<vmem>>, %arg4: memref<1x128xf32, #tpu.memory_space<vmem>>, %arg5: memref<1x2048xi32, #tpu.memory_space<vmem>>, %arg6: memref<128x128xf32, #tpu.memory_space<vmem>>, %arg7: memref<1x128xf32, #tpu.memory_space<vmem>>, %arg8: memref<64x128xf32, #tpu.memory_space<vmem>>, %arg9: memref<64x128xf32, #tpu.memory_space<vmem>>, %arg10: memref<64x128xf32, #tpu.memory_space<vmem>>) attributes {dimension_semantics = [#tpu.dimension_semantics<arbitrary>], iteration_bounds = array<i64: 5>, scalar_prefetch = 0 : i64, scratch_operands = 2 : i64, tpu.core_type = #tpu.core_type<tc>, window_params = [{transform_indices = @transform_0, window_bounds = array<i64: 2, 2048, 128>}, {transform_indices = @transform_1, window_bounds = array<i64: 2048, 128>}, {transform_indices = @transform_2, window_bounds = array<i64: 2, 2048>}, {pipeline_mode = #tpu.pipeline_mode<synchronous>, transform_indices = @transform_3, window_bounds = array<i64: 1, 128>}, {transform_indices = @transform_4, window_bounds = array<i64: 1, 2048>}, {pipeline_mode = #tpu.pipeline_mode<synchronous>, transform_indices = @transform_5, window_bounds = array<i64: 128, 128>}, {pipeline_mode = #tpu.pipeline_mode<synchronous>, transform_indices = @transform_6, window_bounds = array<i64: 1, 128>}, {pipeline_mode = #tpu.pipeline_mode<synchronous>, transform_indices = @transform_7, window_bounds = array<i64: 64, 128>}]} {
    %eq3A = arith.constant 0 : i32
    %eq3A_0 = arith.cmpi eq, %arg0, %eq3A : i32
    %convert_element_type3A = arith.extui %eq3A_0 : i1 to i32
    %cond3A = arith.constant 0 : i32
    %cond3A_1 = arith.cmpi ne, %convert_element_type3A, %cond3A : i32
    scf.if %cond3A_1 {
      %broadcast_in_dim3A_83 = arith.constant 0.000000e+00 : f32
      %broadcast_in_dim3A_84 = vector.broadcast %broadcast_in_dim3A_83 : f32 to vector<64x128xf32>
      %swap3A_85 = arith.constant 0 : index
      %swap3A_86 = arith.constant 0 : index
      %swap3A_87 = vector.load %arg9[%swap3A_85, %swap3A_86] : memref<64x128xf32, #tpu.memory_space<vmem>>, vector<64x128xf32>
      tpu.vector_store %arg9[%swap3A_85, %swap3A_86], %broadcast_in_dim3A_84 {strides = array<i32>} : memref<64x128xf32, #tpu.memory_space<vmem>>, vector<64x128xf32>,
      %broadcast_in_dim3A_88 = arith.constant 0.000000e+00 : f32
      %broadcast_in_dim3A_89 = vector.broadcast %broadcast_in_dim3A_88 : f32 to vector<64x128xf32>
      %swap3A_90 = arith.constant 0 : index
      %swap3A_91 = arith.constant 0 : index
      %swap3A_92 = vector.load %arg10[%swap3A_90, %swap3A_91] : memref<64x128xf32, #tpu.memory_space<vmem>>, vector<64x128xf32>
      tpu.vector_store %arg10[%swap3A_90, %swap3A_91], %broadcast_in_dim3A_89 {strides = array<i32>} : memref<64x128xf32, #tpu.memory_space<vmem>>, vector<64x128xf32>,
    } else {
    }
    %get3A = arith.constant 0 : index
    %get3A_2 = arith.constant 0 : index
    %get3A_3 = arith.constant 0 : index
    %get3A_4 = vector.load %arg1[%get3A, %get3A_2, %get3A_3] : memref<2x2048x128xf32, #tpu.memory_space<vmem>>, vector<1x2048x128xf32>
    %get3A_5 = vector.shape_cast %get3A_4 : vector<1x2048x128xf32> to vector<2048x128xf32>
    %get3A_6 = arith.constant 1 : index
    %get3A_7 = arith.constant 0 : index
    %get3A_8 = arith.constant 0 : index
    %get3A_9 = vector.load %arg1[%get3A_6, %get3A_7, %get3A_8] : memref<2x2048x128xf32, #tpu.memory_space<vmem>>, vector<1x2048x128xf32>
    %get3A_10 = vector.shape_cast %get3A_9 : vector<1x2048x128xf32> to vector<2048x128xf32>
    %add3A = arith.addf %get3A_5, %get3A_10 : vector<2048x128xf32>
    %get3A_11 = arith.constant 0 : index
    %get3A_12 = arith.constant 0 : index
    %get3A_13 = vector.load %arg2[%get3A_11, %get3A_12] : memref<2048x128xf32, #tpu.memory_space<vmem>>, vector<2048x128xf32>
    %sub3A = arith.subf %add3A, %get3A_13 : vector<2048x128xf32>
    %get3A_14 = arith.constant 0 : index
    %get3A_15 = arith.constant 0 : index
    %get3A_16 = vector.load %arg3[%get3A_14, %get3A_15] : memref<2x2048xf32, #tpu.memory_space<vmem>>, vector<1x2048xf32>
    %get3A_17 = vector.shape_cast %get3A_16 : vector<1x2048xf32> to vector<2048xf32>
    %get3A_18 = arith.constant 1 : index
    %get3A_19 = arith.constant 0 : index
    %get3A_20 = vector.load %arg3[%get3A_18, %get3A_19] : memref<2x2048xf32, #tpu.memory_space<vmem>>, vector<1x2048xf32>
    %get3A_21 = vector.shape_cast %get3A_20 : vector<1x2048xf32> to vector<2048xf32>
    %add3A_22 = arith.addf %get3A_17, %get3A_21 : vector<2048xf32>
    %add3A_23 = arith.constant 1.000000e+00 : f32
    %add3A_24 = vector.broadcast %add3A_23 : f32 to vector<2048xf32>
    %add3A_25 = arith.addf %add3A_22, %add3A_24 : vector<2048xf32>
    %reshape3A = vector.shape_cast %add3A_25 : vector<2048xf32> to vector<1x2048xf32>
    %transpose3A = tpu.transpose %reshape3A, [1, 0] : vector<1x2048xf32> -> vector<2048x1xf32>
    %mul3A = arith.constant 2048 : i32
    %mul3A_26 = arith.muli %arg0, %mul3A : i32
    %iota3A = tpu.iota {dimensions = array<i32: 0>} : vector<2048x1xi32>
    %add3A_27 = vector.broadcast %mul3A_26 : i32 to vector<2048x1xi32>
    %add3A_28 = arith.addi %add3A_27, %iota3A : vector<2048x1xi32>
    %lt3A = arith.constant 10000 : i32
    %lt3A_29 = vector.broadcast %lt3A : i32 to vector<2048x1xi32>
    %lt3A_30 = arith.cmpi slt, %add3A_28, %lt3A_29 : vector<2048x1xi32>
    %rsqrt3A = math.rsqrt %transpose3A : vector<2048x1xf32>
    %jit3A = arith.constant 0.000000e+00 : f32
    %broadcast_in_dim3A = vector.broadcast %jit3A : f32 to vector<2048x1xf32>
    %select_n3A = arith.select %lt3A_30, %rsqrt3A, %broadcast_in_dim3A : vector<2048x1xi1>, vector<2048x1xf32>
    %mul3A_31 = vector.broadcast %select_n3A : vector<2048x1xf32> to vector<2048x128xf32>
    %mul3A_32 = arith.mulf %mul3A_31, %sub3A : vector<2048x128xf32>
    %get3A_33 = arith.constant 0 : index
    %get3A_34 = arith.constant 0 : index
    %get3A_35 = vector.load %arg4[%get3A_33, %get3A_34] : memref<1x128xf32, #tpu.memory_space<vmem>>, vector<1x128xf32>
    %add3A_36 = vector.broadcast %get3A_35 : vector<1x128xf32> to vector<2048x128xf32>
    %add3A_37 = arith.addf %mul3A_32, %add3A_36 : vector<2048x128xf32>
    %ge3A = arith.constant 0.000000e+00 : f32
    %ge3A_38 = vector.broadcast %ge3A : f32 to vector<2048x128xf32>
    %ge3A_39 = arith.cmpf oge, %add3A_37, %ge3A_38 : vector<2048x128xf32>
    %mul3A_40 = arith.constant 4.000000e-01 : f32
    %mul3A_41 = vector.broadcast %mul3A_40 : f32 to vector<2048x128xf32>
    %mul3A_42 = arith.mulf %mul3A_41, %add3A_37 : vector<2048x128xf32>
    %select_n3A_43 = arith.select %ge3A_39, %add3A_37, %mul3A_42 : vector<2048x128xi1>, vector<2048x128xf32>
    %mul3A_44 = arith.constant 2048 : i32
    %mul3A_45 = arith.muli %arg0, %mul3A_44 : i32
    %iota3A_46 = tpu.iota {dimensions = array<i32: 1>} : vector<64x2048xi32>
    %add3A_47 = vector.broadcast %mul3A_45 : i32 to vector<64x2048xi32>
    %add3A_48 = arith.addi %add3A_47, %iota3A_46 : vector<64x2048xi32>
    %get3A_49 = arith.constant 0 : index
    %get3A_50 = arith.constant 0 : index
    %get3A_51 = vector.load %arg5[%get3A_49, %get3A_50] : memref<1x2048xi32, #tpu.memory_space<vmem>>, vector<1x2048xi32>
    %iota3A_52 = tpu.iota {dimensions = array<i32: 0>} : vector<64x2048xi32>
    %eq3A_53 = vector.broadcast %get3A_51 : vector<1x2048xi32> to vector<64x2048xi32>
    %eq3A_54 = arith.cmpi eq, %eq3A_53, %iota3A_52 : vector<64x2048xi32>
    %lt3A_55 = arith.constant 10000 : i32
    %lt3A_56 = vector.broadcast %lt3A_55 : i32 to vector<64x2048xi32>
    %lt3A_57 = arith.cmpi slt, %add3A_48, %lt3A_56 : vector<64x2048xi32>
    %and3A = arith.andi %eq3A_54, %lt3A_57 : vector<64x2048xi1>
    %convert_element_type3A_58 = arith.extui %and3A : vector<64x2048xi1> to vector<64x2048xi32>
    %convert_element_type3A_59 = arith.sitofp %convert_element_type3A_58 : vector<64x2048xi32> to vector<64x2048xf32>
    %get3A_60 = arith.constant 0 : index
    %get3A_61 = arith.constant 0 : index
    %get3A_62 = vector.load %arg9[%get3A_60, %get3A_61] : memref<64x128xf32, #tpu.memory_space<vmem>>, vector<64x128xf32>
    %dot_general3A = arith.constant dense<0.000000e+00> : vector<64x128xf32>
    %dot_general3A_63 = tpu.matmul %convert_element_type3A_59, %select_n3A_43, %dot_general3A {dimension_numbers = #tpu.dot_dimension_numbers<[1], [0], [0], [1], [0, 0, 1, 1], [], []>, transpose_lhs_hint = false} : vector<64x2048xf32>, vector<2048x128xf32>, vector<64x128xf32> -> vector<64x128xf32>
    %add3A_64 = arith.addf %get3A_62, %dot_general3A_63 : vector<64x128xf32>
    %swap3A = arith.constant 0 : index
    %swap3A_65 = arith.constant 0 : index
    %swap3A_66 = vector.load %arg9[%swap3A, %swap3A_65] : memref<64x128xf32, #tpu.memory_space<vmem>>, vector<64x128xf32>
    tpu.vector_store %arg9[%swap3A, %swap3A_65], %add3A_64 {strides = array<i32>} : memref<64x128xf32, #tpu.memory_space<vmem>>, vector<64x128xf32>,
    %get3A_67 = arith.constant 0 : index
    %get3A_68 = arith.constant 0 : index
    %get3A_69 = vector.load %arg10[%get3A_67, %get3A_68] : memref<64x128xf32, #tpu.memory_space<vmem>>, vector<64x128xf32>
    %broadcast_in_dim3A_70 = arith.constant 1.000000e+00 : f32
    %broadcast_in_dim3A_71 = vector.broadcast %broadcast_in_dim3A_70 : f32 to vector<2048x128xf32>
    %dot_general3A_72 = arith.constant dense<0.000000e+00> : vector<64x128xf32>
    %dot_general3A_73 = tpu.matmul %convert_element_type3A_59, %broadcast_in_dim3A_71, %dot_general3A_72 {dimension_numbers = #tpu.dot_dimension_numbers<[1], [0], [0], [1], [0, 0, 1, 1], [], []>, transpose_lhs_hint = false} : vector<64x2048xf32>, vector<2048x128xf32>, vector<64x128xf32> -> vector<64x128xf32>
    %add3A_74 = arith.addf %get3A_69, %dot_general3A_73 : vector<64x128xf32>
    %swap3A_75 = arith.constant 0 : index
    %swap3A_76 = arith.constant 0 : index
    %swap3A_77 = vector.load %arg10[%swap3A_75, %swap3A_76] : memref<64x128xf32, #tpu.memory_space<vmem>>, vector<64x128xf32>
    tpu.vector_store %arg10[%swap3A_75, %swap3A_76], %add3A_74 {strides = array<i32>} : memref<64x128xf32, #tpu.memory_space<vmem>>, vector<64x128xf32>,
    %eq3A_78 = arith.constant 4 : i32
    %eq3A_79 = arith.cmpi eq, %arg0, %eq3A_78 : i32
    %convert_element_type3A_80 = arith.extui %eq3A_79 : i1 to i32
    %cond3A_81 = arith.constant 0 : i32
    %cond3A_82 = arith.cmpi ne, %convert_element_type3A_80, %cond3A_81 : i32
    scf.if %cond3A_82 {
      %get3A_83 = arith.constant 0 : index
      %get3A_84 = arith.constant 0 : index
      %get3A_85 = vector.load %arg9[%get3A_83, %get3A_84] : memref<64x128xf32, #tpu.memory_space<vmem>>, vector<64x128xf32>
      %get3A_86 = arith.constant 0 : index
      %get3A_87 = arith.constant 0 : index
      %get3A_88 = vector.load %arg10[%get3A_86, %get3A_87] : memref<64x128xf32, #tpu.memory_space<vmem>>, vector<64x128xf32>
      %max3A = arith.constant 1.000000e+00 : f32
      %max3A_89 = vector.broadcast %max3A : f32 to vector<64x128xf32>
      %max3A_90 = arith.maximumf %get3A_88, %max3A_89 : vector<64x128xf32>
      %div3A = arith.divf %get3A_85, %max3A_90 : vector<64x128xf32>
      %get3A_91 = arith.constant 0 : index
      %get3A_92 = arith.constant 0 : index
      %get3A_93 = vector.load %arg6[%get3A_91, %get3A_92] : memref<128x128xf32, #tpu.memory_space<vmem>>, vector<128x128xf32>
      %dot_general3A_94 = arith.constant dense<0.000000e+00> : vector<64x128xf32>
      %dot_general3A_95 = tpu.matmul %div3A, %get3A_93, %dot_general3A_94 {dimension_numbers = #tpu.dot_dimension_numbers<[1], [0], [0], [1], [0, 0, 1, 1], [], []>, transpose_lhs_hint = false} : vector<64x128xf32>, vector<128x128xf32>, vector<64x128xf32> -> vector<64x128xf32>
      %get3A_96 = arith.constant 0 : index
      %get3A_97 = arith.constant 0 : index
      %get3A_98 = vector.load %arg7[%get3A_96, %get3A_97] : memref<1x128xf32, #tpu.memory_space<vmem>>, vector<1x128xf32>
      %add3A_99 = vector.broadcast %get3A_98 : vector<1x128xf32> to vector<64x128xf32>
      %add3A_100 = arith.addf %dot_general3A_95, %add3A_99 : vector<64x128xf32>
      %swap3A_101 = arith.constant 0 : index
      %swap3A_102 = arith.constant 0 : index
      %swap3A_103 = vector.load %arg8[%swap3A_101, %swap3A_102] : memref<64x128xf32, #tpu.memory_space<vmem>>, vector<64x128xf32>
      tpu.vector_store %arg8[%swap3A_101, %swap3A_102], %add3A_100 {strides = array<i32>} : memref<64x128xf32, #tpu.memory_space<vmem>>, vector<64x128xf32>,
    } else {
    }
    return
  }
  func.func @transform_0(%arg0: i32) -> (i32, i32, i32) {
    %c0_i32 = arith.constant 0 : i32
    %c0_i32_0 = arith.constant 0 : i32
    %c0_i32_1 = arith.constant 0 : i32
    return %c0_i32, %arg0, %c0_i32_0 : i32, i32, i32
  }
  func.func @transform_1(%arg0: i32) -> (i32, i32) {
    %c0_i32 = arith.constant 0 : i32
    %c0_i32_0 = arith.constant 0 : i32
    return %arg0, %c0_i32 : i32, i32
  }
  func.func @transform_2(%arg0: i32) -> (i32, i32) {
    %c0_i32 = arith.constant 0 : i32
    %c0_i32_0 = arith.constant 0 : i32
    return %c0_i32, %arg0 : i32, i32
  }
  func.func @transform_3(%arg0: i32) -> (i32, i32) {
    %c0_i32 = arith.constant 0 : i32
    %c0_i32_0 = arith.constant 0 : i32
    %c0_i32_1 = arith.constant 0 : i32
    return %c0_i32, %c0_i32_0 : i32, i32
  }
  func.func @transform_4(%arg0: i32) -> (i32, i32) {
    %c0_i32 = arith.constant 0 : i32
    %c0_i32_0 = arith.constant 0 : i32
    return %c0_i32, %arg0 : i32, i32
  }
  func.func @transform_5(%arg0: i32) -> (i32, i32) {
    %c0_i32 = arith.constant 0 : i32
    %c0_i32_0 = arith.constant 0 : i32
    %c0_i32_1 = arith.constant 0 : i32
    return %c0_i32, %c0_i32_0 : i32, i32
  }
  func.func @transform_6(%arg0: i32) -> (i32, i32) {
    %c0_i32 = arith.constant 0 : i32
    %c0_i32_0 = arith.constant 0 : i32
    %c0_i32_1 = arith.constant 0 : i32
    return %c0_i32, %c0_i32_0 : i32, i32
  }
  func.func @transform_7(%arg0: i32) -> (i32, i32) {
    %c0_i32 = arith.constant 0 : i32
    %c0_i32_0 = arith.constant 0 : i32
    %c0_i32_1 = arith.constant 0 : i32
    return %c0_i32, %c0_i32_0 : i32, i32
  }
}

</mosaic_0001>

<sc_bundles>
// kernel: kernel.12.cloned.1.call-start
scs
__scs_entry_jumppad:
0x0: {  	(pc) =	sbr.rel $0x88, $3  }
0x1: {  	(tag) =	ssettag $0x0;
	lr =	simm.s32 $0x1  }
0x2: {  	[smem:$0x3F96] =	sst lr;
	_ =	strace $0xD0000000  }
0x3: {  	_ = 	snop  }
0x4: {  	_ = 	snop  }
0x5: {  	_ = 	snop  }
0x6: {  	_ = 	snop  }
0x7: {  	_ = 	snop  }
__scs_overlays_trampoline_lowered:
0x8: {  	[smem:$0x3FA5] =	sst s0  }
0x9: {  	[smem:$0x3FA6] =	sst s1  }
0xa: {  	[smem:$0x3FA7] =	sst s2  }
0xb: {  	[smem:$0x3FA8] =	sst s3  }
0xc: {  	[smem:$0x3FA9] =	sst s4  }
0xd: {  	[smem:$0x3FAA] =	sst s5  }
0xe: {  	[smem:$0x3FAB] =	sst s6  }
0xf: {  	[smem:$0x3FAC] =	sst s7  }
0x10: {  	[smem:$0x3FAD] =	sst s8  }
0x11: {  	[smem:$0x3FAE] =	sst s9;
	s0 =	simm.s32 @!p0 $0x0  }
0x12: {  	s1 =	sld [smem:$0x3F94];
	s0 =	simm.s32 @p0 $0x1  }
0x13: {  	[smem:$0x3FAF] =	sst s0;
	s0 =	simm.s32 @!p1 $0x0  }
0x14: {  	s2 =	sld [smem:$0x3F93];
	s0 =	simm.s32 @p1 $0x1  }
0x15: {  	[smem:$0x3FB0] =	sst s0;
	s0 =	simm.s32 @!p2 $0x0  }
0x16: {  	s3 =	sld [smem:$0x3FDB];
	s0 =	simm.s32 @p2 $0x1  }
0x17: {  	s4 =	simm.s32 $0x1BF5;
	[smem:$0x3FB2] =	sst s0  }
0x18: {  	s0 =	sld [smem:$0x3F95];
	_ =	swait.ge [sflag:s4], $0x0  }
0x19: {  	s7 =	sld [smem:$0x3F96]  }
0x1a: {  	s8 =	sadd.s32 $0xFFFFE003, lr  }
0x1b: {  	s9 =	sadd.s32 $0xFFFFFEF7, lr;
	s5 =	simm.s32 $0xFFFFFFFF;
	p2 =	slt.u32 s8, $0xFFFFF086  }
0x1c: {  	p1 =	slt.u32 s9, $0xF7A;
	s5 =	simm.s32 @!p2 $0x0  }
0x1d: {  	s5 =	simm.s32 @p1 $0x1;
	p0 =	seq.s32 s7, s2  }
0x1e: {  	s7 =	smul.u32 @!p0 $0xF7A, s2;
	p2 =	seq.s32 @!p0 s5, $0x0  }
0x1f: {  	s9 =	smul.u32 $0xF7A, s1;
	s8 =	simm.s32 @!p0 $0x1BF5;
	p2 =	por !p2, p0  }
0x20: {  	[sflag:s8] =	ssyncset.s32 @!p0 $0xFFFFF086;
	s6 =	sadd.s32 @!p0 s3, s7;
	s7 =	simm.s32 @!p0 $0x108  }
0x21: {  	s3 =	sadd.s32 s3, s9;
	s6 =	sadd.s32 @!p0 $0x88, s6;
	s7 =	simm.s32 @p2 $0x1082  }
0x22: {  	[simem:s7], [sflag:s8] =	dma.local @!p0 [hbm:s6], $0xF7A  }
0x23: {  	s9 =	sor.u32 $0xD0000000, s2;
	s6 =	simm.s32 $0x108;
	_ =	swait.ge @!p0 [sflag:s8], $0x0  }
0x24: {  	s3 =	sadd.s32 $0x88, s3;
	s6 =	simm.s32 @!p1 $0x1082;
	[sflag:s4] =	ssyncset.s32 $0xFFFFF086  }
0x25: {  	[simem:s6], [sflag:s4] =	dma.local [hbm:s3], $0xF7A  }
0x26: {  	[smem:$0x3F96] =	sst s1;
	(tag) =	ssettag s2;
	_ =	strace s9  }
0x27: {  	s1 =	sld [smem:$0x3FA6]  }
0x28: {  	s2 =	sld [smem:$0x3FA7]  }
0x29: {  	s4 =	sld [smem:$0x3FA9]  }
0x2a: {  	p0 =	seq.s32 s5, $0x0;
	s5 =	sld [smem:$0x3FAA]  }
0x2b: {  	s6 =	sld [smem:$0x3FAB]  }
0x2c: {  	s7 =	sld [smem:$0x3FAC]  }
0x2d: {  	s3 =	simm.s32 $0x108;
	s8 =	sld [smem:$0x3FAD]  }
0x2e: {  	s3 =	simm.s32 @!p0 $0x1082;
	s9 =	sld [smem:$0x3FAE]  }
0x2f: {  	lr =	sadd.s32 s0, s3;
	s0 =	sld [smem:$0x3FA5]  }
0x30: {  	s3 =	sld [smem:$0x3FA8]  }
0x31: {  	[smem:$0x3FB1] =	sst s10  }
0x32: {  	s10 =	sld [smem:$0x3FAF];
	_ =	sdelay $0x3  }
0x33: {  	p0 =	seq.s32 s10, $0x1;
	s10 =	sld [smem:$0x3FB1];
	_ =	sdelay $0x3  }
0x34: {  	[smem:$0x3FB1] =	sst s10  }
0x35: {  	s10 =	sld [smem:$0x3FB0];
	_ =	sdelay $0x3  }
0x36: {  	p1 =	seq.s32 s10, $0x1;
	s10 =	sld [smem:$0x3FB1];
	_ =	sdelay $0x3  }
0x37: {  	[smem:$0x3FB1] =	sst s10  }
0x38: {  	s10 =	sld [smem:$0x3FB2]  }
0x39: {  	_ = 	snop;
	(pc) =	sbr.ind lr, $3  }
0x3a: {  	_ = 	snop  }
0x3b: {  	_ = 	snop  }
0x3c: {  	p2 =	seq.s32 s10, $0x1;
	s10 =	sld [smem:$0x3FB1]  }
0x3d: {  	_ =	shalt  }
0x3e: {  	_ =	shalt  }
0x3f: {  	_ =	shalt  }
0x40: {  	_ =	shalt  }
0x41: {  	_ =	shalt  }
0x42: {  	_ =	shalt  }
0x43: {  	_ =	shalt  }
0x44: {  	_ =	shalt  }
0x45: {  	_ =	shalt  }
0x46: {  	_ =	shalt  }
0x47: {  	_ =	shalt  }
0x48: {  	_ =	shalt  }
0x49: {  	_ =	shalt  }
0x4a: {  	_ =	shalt  }
0x4b: {  	_ =	shalt  }
0x4c: {  	_ =	shalt  }
0x4d: {  	_ =	shalt  }
0x4e: {  	_ =	shalt  }
0x4f: {  	_ =	shalt  }
0x50: {  	_ =	shalt  }
0x51: {  	_ =	shalt  }
0x52: {  	_ =	shalt  }
0x53: {  	_ =	shalt  }
0x54: {  	_ =	shalt  }
0x55: {  	_ =	shalt  }
0x56: {  	_ =	shalt  }
0x57: {  	_ =	shalt  }
0x58: {  	_ =	shalt  }
0x59: {  	_ =	shalt  }
0x5a: {  	_ =	shalt  }
0x5b: {  	_ =	shalt  }
0x5c: {  	_ =	shalt  }
0x5d: {  	_ =	shalt  }
0x5e: {  	_ =	shalt  }
0x5f: {  	_ =	shalt  }
0x60: {  	_ =	shalt  }
0x61: {  	_ =	shalt  }
0x62: {  	_ =	shalt  }
0x63: {  	_ =	shalt  }
0x64: {  	_ =	shalt  }
0x65: {  	_ =	shalt  }
0x66: {  	_ =	shalt  }
0x67: {  	_ =	shalt  }
0x68: {  	_ =	shalt  }
0x69: {  	_ =	shalt  }
0x6a: {  	_ =	shalt  }
0x6b: {  	_ =	shalt  }
0x6c: {  	_ =	shalt  }
0x6d: {  	_ =	shalt  }
0x6e: {  	_ =	shalt  }
0x6f: {  	_ =	shalt  }
0x70: {  	_ =	shalt  }
0x71: {  	_ =	shalt  }
0x72: {  	_ =	shalt  }
0x73: {  	_ =	shalt  }
0x74: {  	_ =	shalt  }
0x75: {  	_ =	shalt  }
0x76: {  	_ =	shalt  }
0x77: {  	_ =	shalt  }
0x78: {  	_ =	shalt  }
0x79: {  	_ =	shalt  }
0x7a: {  	_ =	shalt  }
0x7b: {  	_ =	shalt  }
0x7c: {  	_ =	shalt  }
0x7d: {  	_ =	shalt  }
0x7e: {  	_ =	shalt  }
0x7f: {  	_ =	shalt  }
0x80: {  	_ =	shalt  }
0x81: {  	_ =	shalt  }
0x82: {  	_ =	shalt  }
0x83: {  	_ =	shalt  }
0x84: {  	_ =	shalt  }
0x85: {  	_ =	shalt  }
0x86: {  	_ =	shalt  }
0x87: {  	_ =	shalt  }
.Lfunc_end0:
.L_simem_size_0:
called_computation.1_lowered:
.L_overlay_start_0:
0x88: {  	s2 =	sld [smem:$0x3FD9]  }
0x89: {  	s3 =	sld [smem:$0x3FFE];
	_ =	sdelay $0x1  }
0x8a: {  	s1 =	srdreg.scid  }
0x8b: {  	s0 =	sand.u32 $0x1, s1  }
0x8c: {  	s16 =	sshll.u32 s0, $0xA;
	s2 =	sadd.s32 s3, s2  }
0x8d: {  	s2 =	sadd.s32 s2, s16  }
0x8e: {  	[smem:$0x3FBD] =	sst s2  }
0x8f: {  	_ = 	snop  }
0x90: {  	(tm) =	ssettm $0x1  }
0x91: {  	s17 =	sld [smem:$0x3FFB];
	_ =	sdelay $0x3  }
0x92: {  	_ =	strace s17  }
0x93: {  	s2 =	sld [smem:$0x3FFC];
	_ =	sdelay $0x3  }
0x94: {  	_ =	strace s2  }
0x95: {  	s2 =	sld [smem:$0x3FFD];
	_ =	sdelay $0x3  }
0x96: {  	_ =	strace s2  }
0x97: {  	_ =	strace $0x8FFFFFFF  }
0x98: {  	s18 =	sld [smem:$0x3FDB];
	_ =	sdelay $0x1  }
0x99: {  	s19 =	simm.s32 $_scs_section_size  }
0x9a: {  	s4 =	simm.s32 $_size__tile_overlayer_lowered;
	s5 =	simm.s32 $_tile_overlayer_lowered  }
0x9b: {  	s22 =	simm.s32 $0x1BFF;
	s21 =	sshll.u32 s5, $0x1;
	s2 =	sadd.s32 s19, s18  }
0x9c: {  	s6 =	simm.s32 $0x0;
	s20 =	sshll.u32 s4, $0x1;
	s4 =	sadd.s32 s21, s2  }
0x9d: {  	[timem:s6], [sflag:s22] =	dma.local [hbm:s4], s20  }
0x9e: {  	_ =	swait.ge [sflag:s22], s20  }
0x9f: {  	s3 =	ssub.s32 $0x0, s20;
	[sflag:s22] =	ssyncset.done $0x0  }
0xa0: {  	[sflag:s22] =	ssyncadd.s32 s3;
	_ =	sdelay $0x1  }
0xa1: {  	s23 =	simm.s32 $0x1B8B  }
0xa2: {  	_ =	swait.ge [sflag:s23], $0x1  }
0xa3: {  	[sflag:s23] =	ssyncset.done $0x0  }
0xa4: {  	s25 =	simm.s32 $0x1B8E;
	s24 =	sld [smem:$0x3FFE];
	[sflag:s23] =	ssyncadd.s32 $0xFFFFFFFF  }
0xa5: {  	s26 =	simm.s32 $execute0_lowered;
	[smem:$0x3FD2] =	sst s25  }
0xa6: {  	s4 =	sshll.u32 s26, $0x1;
	_ =	strace $0x80000049;
	[dreg:$0x1] =	wrdreg $0xFFFFFFFF  }
0xa7: {  	s28 =	simm.s32 $_size_execute0_lowered;
	s2 =	sadd.s32 s2, s4;
	[dreg:$0x0] =	wrdreg $0x0  }
0xa8: {  	s4 =	sshll.u32 s28, $0x1;
	[dreg:$0x2] =	wrdreg s2  }
0xa9: {  	[dreg:$0x3] =	wrdreg s4  }
0xaa: {  	[dreg:$0x4] =	wrdreg $0xC0  }
0xab: {  	_ =	task [dreg:s6], $0x5FFFF  }
0xac: {  	[dreg:$0x1] =	wrdreg $0xFFFFFFFF  }
0xad: {  	[dreg:$0x0] =	wrdreg $0x60  }
0xae: {  	[dreg:$0x2] =	wrdreg s24  }
0xaf: {  	[dreg:$0x3] =	wrdreg $0xA8000  }
0xb0: {  	[dreg:$0x4] =	wrdreg $0x9  }
0xb1: {  	_ =	task.clear_ibuf [dreg:s6], $0x5FFFF;
	_ =	strace $0x90000049  }
0xb2: {  	s29 =	simm.s32 $0x9;
	_ =	strace $0x8000004B  }
0xb3: {  	_ =	swait.ge [sflag:s29], $0x1  }
0xb4: {  	[sflag:s29] =	ssyncadd.s32 $0xFFFFFFFF  }
0xb5: {  	_ =	strace $0x9000004B  }
0xb6: {  	_ =	sfence  }
0xb7: {  	s30 =	sld [smem:$0x0];
	_ =	sdelay $0x2  }
0xb8: {  	s31 =	sshll.u32 s1, $0xD;
	s1 =	sshrl.u32 s1, $0x2  }
0xb9: {  	s3 =	sand.u32 $0x4000, s31;
	s1 =	sadd.s32 s1, s30  }
0xba: {  	s0 =	sor.u32 s3, s0;
	s1 =	sshll.u32 s1, $0x11  }
0xbb: {  	s0 =	sor.u32 s1, s0  }
0xbc: {  	s0 =	sadd.s32 $0x8F2B, s0  }
0xbd: {  	[sflag:s0] =	ssyncadd.remote.s32 $0x1  }
0xbe: {  	_ =	sfence.sel $0xFFFF  }
0xbf: {  	[dreg:$0x0] =	wrdreg $0xFFFFFFFF;
	(pc) =	sbr.abs _section_cstart, $3  }
0xc0: {  	[dreg:$0x1] =	wrdreg $0xFFFFFFFF  }
0xc1: {  	_ =	task.clear_ibuf [dreg:s6], $0x2FFFF;
	_ =	strace $0x9FFFFFFF  }
0xc2: {  	(tm) =	ssettm $0x7FFFFFFF  }
0xc3: {  	_ =	shalt  }
tec
execute0_lowered:
.L_overlay_start_1:
0x0: {  	(tag) =	ssettag $0x1  }
0x1: {  	s6 =	rddreg [dreg:$0x0]  }
0x2: {  	s0 =	srdreg.scid;
	s2 =	rddreg [dreg:$0x1]  }
0x3: {  	s3 =	simm.s32 $0x0;
	s15 =	simm.s32 $0x6;
	s16 =	simm.s32 $0x1400  }
0x4: {  	s17 =	simm.s32 $0x5;
	s18 =	simm.s32 $0x80;
	s19 =	simm.s32 $0x2800  }
0x5: {  	s20 =	simm.s32 $0x6800;
	s21 =	simm.s32 $0x1;
	s22 =	simm.s32 $0x3  }
0x6: {  	s23 =	simm.s32 $0x2;
	s5 =	sand.u32 $0x1, s0;
	s0 =	stileid.u32  }
0x7: {  	s24 =	simm.s32 $0x4;
	s26 =	simm.s32 $0x0;
	s8 =	smul.u32 $0x14000, s0  }
0x8: {  	[smem:$0x7FF] =	sst s3;
	s4 =	sadd.s32 $0x17000, s6;
	s9 =	smul.u32 $0x140000, s5  }
0x9: {  	s1 =	sshll.u32 s5, $0x4;
	s5 =	ssub.s32 $0x2, s5;
	s10 =	smul.u32 $0x50000, s0  }
0xa: {  	s25 =	sor.u32 s0, s1;
	s1 =	rddreg [dreg:$0x2];
	_ =	strace $0x8000004A  }
0xb: {  	s29 =	sshrl.u32 s5, $0x1;
	s7 =	smul.u32 $0x2800, s25;
	s9 =	sadd.s32 s8, s9  }
0xc: {  	s13 =	ssub.s32 s5, s29;
	s30 =	sshrl.u32 s10, $0x2;
	s31 =	sshrl.u32 s8, $0x3  }
0xd: {  	p0 =	seq.s32 s25, $0x1F;
	s25 =	simm.s32 $0x2780;
	s9 =	sshrl.u32 s9, $0x3  }
.Ltmp0:
0xe: {  	s14 =	sadd.s32 s30, s2;
	s5 =	sadd.s32 s4, s31;
	(pc) =	sbr.rel .LBB2_1-.Ltmp0, $4  }
0xf: {  	s13 =	smax.u32 s13, $0x1;
	s7 =	sshrl.u32 s7, $0x3;
	s12 =	sadd.s32 s9, s6  }
0x10: {  	s14 =	sshrl.u32 s14, $0x3;
	s11 =	sadd.s32 s7, s6;
	s6 =	sshll.u32 s0, $0x6  }
0x11: {  	s12 =	sadd.s32 $0x3F000, s12;
	s7 =	sor.u32 $0x1C05, s6;
	s8 =	sadd.s32 $0x3400, s11  }
0x12: {  	s9 =	sadd.s32 $0xD180, s11;
	s10 =	sadd.s32 $0x3680, s11;
	s11 =	sadd.s32 $0xD400, s11  }
.LBB2_6:
0x13: {  	[spmem:s2] =	stream.indirect.scatter.add.f32 [tilespmem:s19], [sflag:$0x3], $0x80, s29, s18, $0xb8;
	[tilespmem:$0x1E800] =	vst v63  }
0x14: {  	_ =	swait.ge [sflag:s23], $0x4000  }
0x15: {  	[sflag:s23] =	ssyncset.done $0x0  }
0x16: {  	[sflag:s23] =	ssyncadd.s32 $0xFFFFC000  }
0x17: {  	[spmem:s2] =	stream.indirect.scatter.add.f32 [tilespmem:s20], [sflag:$0x4], $0x80, s25, s18, $0xb8;
	[tilespmem:$0x1E800] =	vst v63  }
0x18: {  	_ =	swait.ge [sflag:s22], $0x4000  }
0x19: {  	[sflag:s22] =	ssyncset.done $0x0  }
0x1a: {  	[sflag:s22] =	ssyncadd.s32 $0xFFFFC000  }
0x1b: {  	_ =	swait.ge [sflag:s24], $0x4000  }
0x1c: {  	[sflag:s24] =	ssyncset.done $0x0  }
0x1d: {  	[sflag:s24] =	ssyncadd.s32 $0xFFFFC000  }
.LBB2_7:
0x1e: {  	s26 =	sadd.s32 $0x1, s26  }
0x1f: {  	p1 =	sne.s32 s26, s13  }
.Ltmp1:
0x20: {  	[bflag:$0x0] =	sbarrier.arrive $0xFFFF;
	s28 =	sor.u32 $0x1C06, s6;
	(pc) =	sbr.rel @!p1 .LBB2_8-.Ltmp1, $4  }
0x21: {  	[hbm:s12], [sflag:s28] =	dma.local [spmem:s14], $0x2800  }
0x22: {  	_ =	swait.ge [sflag:s15], $0x2800  }
0x23: {  	[sflag:s15] =	ssyncset.done $0x0  }
0x24: {  	[sflag:s15] =	ssyncadd.s32 $0xFFFFD800  }
.LBB2_1:
0x25: {  	[spmem:s14], [sflag:s7] =	dma.local [hbm:s5], $0x2800  }
0x26: {  	[tilespmem:s3], [sflag:$0x6] =	stream.linear.gather [hbm4b:s8+s3], $0x1400, $0x38;
	[tilespmem:$0x1E800] =	vst v63  }
0x27: {  	_ =	swait.ge [sflag:s15], $0x1400  }
0x28: {  	[sflag:s15] =	ssyncset.done $0x0  }
0x29: {  	[sflag:s15] =	ssyncadd.s32 $0xFFFFEC00  }
0x2a: {  	[tilespmem:s16], [sflag:$0x6] =	stream.linear.gather [hbm4b:s9+s3], $0x1400, $0x38;
	[tilespmem:$0x1E800] =	vst v63  }
0x2b: {  	_ =	swait.ge [sflag:s15], $0x1400  }
0x2c: {  	[sflag:s15] =	ssyncset.done $0x0  }
0x2d: {  	[sflag:s15] =	ssyncadd.s32 $0xFFFFEC00  }
0x2e: {  	_ =	swait.ge [sflag:s17], $0x2800  }
0x2f: {  	[sflag:s17] =	ssyncset.done $0x0  }
0x30: {  	[sflag:s17] =	ssyncadd.s32 $0xFFFFD800  }
0x31: {  	[bflag:$0x0] =	sbarrier.arrive $0xFFFF  }
0x32: {  	[tilespmem:s19], [sflag:$0x1] =	stream.indirect.gather [hbm4b:s4+s18], $0x80, s3, s18, $0xb8;
	[tilespmem:$0x1E800] =	vst v63  }
0x33: {  	_ = 	snop  }
0x34: {  	[tilespmem:s20], [sflag:$0x2] =	stream.indirect.gather [hbm4b:s4+s18], $0x80, s18, s18, $0xb8;
	[tilespmem:$0x1E800] =	vst v63  }
0x35: {  	_ =	swait.ge [sflag:s21], $0x4000  }
0x36: {  	[sflag:s21] =	ssyncset.done $0x0  }
0x37: {  	[sflag:s21] =	ssyncadd.s32 $0xFFFFC000  }
0x38: {  	[spmem:s2] =	stream.indirect.scatter.add.f32 [tilespmem:s19], [sflag:$0x3], $0x80, s16, s18, $0xb8;
	[tilespmem:$0x1E800] =	vst v63  }
0x39: {  	_ =	swait.ge [sflag:s22], $0x4000  }
0x3a: {  	[sflag:s22] =	ssyncset.done $0x0  }
0x3b: {  	s28 =	simm.s32 $0x100;
	[sflag:s22] =	ssyncadd.s32 $0xFFFFC000  }
0x3c: {  	[tilespmem:s19], [sflag:$0x1] =	stream.indirect.gather [hbm4b:s4+s18], $0x80, s28, s18, $0xb8;
	[tilespmem:$0x1E800] =	vst v63  }
0x3d: {  	_ =	swait.ge [sflag:s23], $0x4000  }
0x3e: {  	[sflag:s23] =	ssyncset.done $0x0  }
0x3f: {  	s28 =	simm.s32 $0x1480;
	[sflag:s23] =	ssyncadd.s32 $0xFFFFC000  }
0x40: {  	[spmem:s2] =	stream.indirect.scatter.add.f32 [tilespmem:s20], [sflag:$0x4], $0x80, s28, s18, $0xb8;
	[tilespmem:$0x1E800] =	vst v63  }
0x41: {  	_ =	swait.ge [sflag:s24], $0x4000  }
0x42: {  	[sflag:s24] =	ssyncset.done $0x0  }
0x43: {  	s28 =	simm.s32 $0x180;
	[sflag:s24] =	ssyncadd.s32 $0xFFFFC000  }
0x44: {  	[tilespmem:s20], [sflag:$0x2] =	stream.indirect.gather [hbm4b:s4+s18], $0x80, s28, s18, $0xb8;
	[tilespmem:$0x1E800] =	vst v63  }
0x45: {  	_ =	swait.ge [sflag:s21], $0x4000  }
0x46: {  	[sflag:s21] =	ssyncset.done $0x0  }
0x47: {  	s29 =	simm.s32 $0x1500;
	s28 =	simm.s32 $0xFFFFB800;
	[sflag:s21] =	ssyncadd.s32 $0xFFFFC000  }
.LBB2_2:
0x48: {  	[spmem:s2] =	stream.indirect.scatter.add.f32 [tilespmem:s19], [sflag:$0x3], $0x80, s29, s18, $0xb8;
	[tilespmem:$0x1E800] =	vst v63  }
0x49: {  	s29 =	smov.u32 s28  }
0x4a: {  	p1 =	sne.s32 s28, $0xFFFFFC00;
	s28 =	sadd.s32 $0x400, s28;
	_ =	swait.ge [sflag:s22], $0x4000  }
0x4b: {  	s29 =	sshra.s32 s29, $0x2;
	[sflag:s22] =	ssyncset.done $0x0  }
0x4c: {  	s30 =	sadd.s32 $0x1400, s29;
	[sflag:s22] =	ssyncadd.s32 $0xFFFFC000  }
0x4d: {  	[tilespmem:s19], [sflag:$0x1] =	stream.indirect.gather [hbm4b:s4+s18], $0x80, s30, s18, $0xb8;
	[tilespmem:$0x1E800] =	vst v63  }
0x4e: {  	_ =	swait.ge [sflag:s23], $0x4000  }
0x4f: {  	[sflag:s23] =	ssyncset.done $0x0  }
0x50: {  	s30 =	sadd.s32 $0x2780, s29;
	[sflag:s23] =	ssyncadd.s32 $0xFFFFC000  }
0x51: {  	[spmem:s2] =	stream.indirect.scatter.add.f32 [tilespmem:s20], [sflag:$0x4], $0x80, s30, s18, $0xb8;
	[tilespmem:$0x1E800] =	vst v63  }
0x52: {  	_ =	swait.ge [sflag:s24], $0x4000  }
0x53: {  	[sflag:s24] =	ssyncset.done $0x0  }
.Ltmp2:
0x54: {  	s30 =	sadd.s32 $0x1480, s29;
	[sflag:s24] =	ssyncadd.s32 $0xFFFFC000;
	(pc) =	sbr.rel @p1 .LBB2_2-.Ltmp2, $4  }
0x55: {  	[tilespmem:s20], [sflag:$0x2] =	stream.indirect.gather [hbm4b:s4+s18], $0x80, s30, s18, $0xb8;
	[tilespmem:$0x1E800] =	vst v63  }
0x56: {  	_ =	swait.ge [sflag:s21], $0x4000  }
0x57: {  	[sflag:s21] =	ssyncset.done $0x0  }
0x58: {  	s29 =	sadd.s32 $0x2800, s29;
	[sflag:s21] =	ssyncadd.s32 $0xFFFFC000  }
0x59: {  	[spmem:s2] =	stream.indirect.scatter.add.f32 [tilespmem:s19], [sflag:$0x3], $0x80, s29, s18, $0xb8;
	[tilespmem:$0x1E800] =	vst v63  }
0x5a: {  	_ =	swait.ge [sflag:s23], $0x4000  }
0x5b: {  	[sflag:s23] =	ssyncset.done $0x0  }
0x5c: {  	[sflag:s23] =	ssyncadd.s32 $0xFFFFC000  }
0x5d: {  	[spmem:s2] =	stream.indirect.scatter.add.f32 [tilespmem:s20], [sflag:$0x4], $0x80, s25, s18, $0xb8;
	[tilespmem:$0x1E800] =	vst v63  }
0x5e: {  	_ =	swait.ge [sflag:s22], $0x4000  }
.Ltmp3:
0x5f: {  	[sflag:s22] =	ssyncset.done $0x0;
	(pc) =	sbr.rel @p0 .LBB2_7-.Ltmp3, $4  }
0x60: {  	[sflag:s22] =	ssyncadd.s32 $0xFFFFC000  }
0x61: {  	_ =	swait.ge [sflag:s24], $0x4000  }
0x62: {  	[sflag:s24] =	ssyncset.done $0x0  }
0x63: {  	[sflag:s24] =	ssyncadd.s32 $0xFFFFC000  }
0x64: {  	[tilespmem:s3], [sflag:$0x6] =	stream.linear.gather [hbm4b:s10+s3], $0x1400, $0x38;
	[tilespmem:$0x1E800] =	vst v63  }
0x65: {  	_ =	swait.ge [sflag:s15], $0x1400  }
0x66: {  	[sflag:s15] =	ssyncset.done $0x0  }
0x67: {  	[sflag:s15] =	ssyncadd.s32 $0xFFFFEC00  }
0x68: {  	[tilespmem:s16], [sflag:$0x6] =	stream.linear.gather [hbm4b:s11+s3], $0x1400, $0x38;
	[tilespmem:$0x1E800] =	vst v63  }
0x69: {  	_ =	swait.ge [sflag:s15], $0x1400  }
0x6a: {  	[sflag:s15] =	ssyncset.done $0x0  }
0x6b: {  	[sflag:s15] =	ssyncadd.s32 $0xFFFFEC00  }
0x6c: {  	[tilespmem:s19], [sflag:$0x1] =	stream.indirect.gather [hbm4b:s4+s18], $0x80, s3, s18, $0xb8;
	[tilespmem:$0x1E800] =	vst v63  }
0x6d: {  	_ = 	snop  }
0x6e: {  	[tilespmem:s20], [sflag:$0x2] =	stream.indirect.gather [hbm4b:s4+s18], $0x80, s18, s18, $0xb8;
	[tilespmem:$0x1E800] =	vst v63  }
0x6f: {  	_ =	swait.ge [sflag:s21], $0x4000  }
0x70: {  	[sflag:s21] =	ssyncset.done $0x0  }
0x71: {  	[sflag:s21] =	ssyncadd.s32 $0xFFFFC000  }
0x72: {  	[spmem:s2] =	stream.indirect.scatter.add.f32 [tilespmem:s19], [sflag:$0x3], $0x80, s16, s18, $0xb8;
	[tilespmem:$0x1E800] =	vst v63  }
0x73: {  	_ =	swait.ge [sflag:s22], $0x4000  }
0x74: {  	[sflag:s22] =	ssyncset.done $0x0  }
0x75: {  	s28 =	simm.s32 $0x100;
	[sflag:s22] =	ssyncadd.s32 $0xFFFFC000  }
0x76: {  	[tilespmem:s19], [sflag:$0x1] =	stream.indirect.gather [hbm4b:s4+s18], $0x80, s28, s18, $0xb8;
	[tilespmem:$0x1E800] =	vst v63  }
0x77: {  	_ =	swait.ge [sflag:s23], $0x4000  }
0x78: {  	[sflag:s23] =	ssyncset.done $0x0  }
0x79: {  	s28 =	simm.s32 $0x1480;
	[sflag:s23] =	ssyncadd.s32 $0xFFFFC000  }
0x7a: {  	[spmem:s2] =	stream.indirect.scatter.add.f32 [tilespmem:s20], [sflag:$0x4], $0x80, s28, s18, $0xb8;
	[tilespmem:$0x1E800] =	vst v63  }
0x7b: {  	_ =	swait.ge [sflag:s24], $0x4000  }
0x7c: {  	[sflag:s24] =	ssyncset.done $0x0  }
0x7d: {  	s28 =	simm.s32 $0x180;
	[sflag:s24] =	ssyncadd.s32 $0xFFFFC000  }
0x7e: {  	[tilespmem:s20], [sflag:$0x2] =	stream.indirect.gather [hbm4b:s4+s18], $0x80, s28, s18, $0xb8;
	[tilespmem:$0x1E800] =	vst v63  }
0x7f: {  	_ =	swait.ge [sflag:s21], $0x4000  }
0x80: {  	[sflag:s21] =	ssyncset.done $0x0  }
0x81: {  	s29 =	simm.s32 $0x1500;
	s28 =	simm.s32 $0xFFFFB800;
	[sflag:s21] =	ssyncadd.s32 $0xFFFFC000  }
.LBB2_5:
0x82: {  	[spmem:s2] =	stream.indirect.scatter.add.f32 [tilespmem:s19], [sflag:$0x3], $0x80, s29, s18, $0xb8;
	[tilespmem:$0x1E800] =	vst v63  }
0x83: {  	s29 =	smov.u32 s28  }
0x84: {  	p1 =	sne.s32 s28, $0xFFFFFC00;
	s28 =	sadd.s32 $0x400, s28;
	_ =	swait.ge [sflag:s22], $0x4000  }
0x85: {  	s29 =	sshra.s32 s29, $0x2;
	[sflag:s22] =	ssyncset.done $0x0  }
0x86: {  	s30 =	sadd.s32 $0x1400, s29;
	[sflag:s22] =	ssyncadd.s32 $0xFFFFC000  }
0x87: {  	[tilespmem:s19], [sflag:$0x1] =	stream.indirect.gather [hbm4b:s4+s18], $0x80, s30, s18, $0xb8;
	[tilespmem:$0x1E800] =	vst v63  }
0x88: {  	_ =	swait.ge [sflag:s23], $0x4000  }
0x89: {  	[sflag:s23] =	ssyncset.done $0x0  }
0x8a: {  	s30 =	sadd.s32 $0x2780, s29;
	[sflag:s23] =	ssyncadd.s32 $0xFFFFC000  }
0x8b: {  	[spmem:s2] =	stream.indirect.scatter.add.f32 [tilespmem:s20], [sflag:$0x4], $0x80, s30, s18, $0xb8;
	[tilespmem:$0x1E800] =	vst v63  }
0x8c: {  	_ =	swait.ge [sflag:s24], $0x4000  }
0x8d: {  	[sflag:s24] =	ssyncset.done $0x0  }
.Ltmp4:
0x8e: {  	s30 =	sadd.s32 $0x1480, s29;
	[sflag:s24] =	ssyncadd.s32 $0xFFFFC000;
	(pc) =	sbr.rel @p1 .LBB2_5-.Ltmp4, $4  }
0x8f: {  	[tilespmem:s20], [sflag:$0x2] =	stream.indirect.gather [hbm4b:s4+s18], $0x80, s30, s18, $0xb8;
	[tilespmem:$0x1E800] =	vst v63  }
0x90: {  	_ =	swait.ge [sflag:s21], $0x4000  }
0x91: {  	[sflag:s21] =	ssyncset.done $0x0  }
0x92: {  	s29 =	sadd.s32 $0x2800, s29;
	[sflag:s21] =	ssyncadd.s32 $0xFFFFC000  }
.Ltmp5:
0x93: {  	_ = 	snop;
	(pc) =	sbr.rel .LBB2_6-.Ltmp5, $1  }
0x94: {  	_ =	sdelay $0x3  }
.LBB2_8:
0x95: {  	_ =	sfence.sel $0x180000  }
0x96: {  	[bflag:$0x0] =	sbarrier.arrive $0xFFFF  }
0x97: {  	p0 =	sne.s32 s0, $0x0;
	_ =	strace $0x9000004A  }
0x98: {  	s0 =	sadd.s32 @!p0 $0x100000, s1;
	[bflag:$0x2] =	sbarrier.arrive $0xFFFF  }
0x99: {  	[sflag:s0] =	ssyncadd.tile.s32 @!p0 $0x1;
	_ =	shalt  }
.Lfunc_end2:
_tile_overlayer_lowered:
.L_overlay_start_2:
0x9a: {  	(tag) =	ssettag $0x2  }
0x9b: {  	s0 =	rddreg [dreg:$0x0];
	s2 =	stileid.u32  }
0x9c: {  	s1 =	rddreg [dreg:$0x1];
	p0 =	sne.s32 s2, $0x0  }
0x9d: {  	s3 =	rddreg [dreg:$0x2];
	[bflag:$0x3] =	sbarrier.arrive $0xFFFF;
	s2 =	simm.s32 @!p0 $0x1C06  }
0x9e: {  	[timem:s3], [sflag:s2] =	dma.local @!p0 [hbm:s0], s1  }
0x9f: {  	s0 =	simm.s32 @!p0 $0x6  }
0xa0: {  	_ =	swait.ge @!p0 [sflag:s0], s1  }
0xa1: {  	s1 =	ssub.s32 @!p0 $0x0, s1;
	[sflag:s0] =	ssyncset.done @!p0 $0x0  }
0xa2: {  	[sflag:s0] =	ssyncadd.s32 @!p0 s1  }
0xa3: {  	[bflag:$0x3] =	sbarrier.arrive $0xFFFF  }
0xa4: {  	_ =	shalt  }

// kernel: kernel.15.cloned.1.call-start
scs
__scs_entry_jumppad:
0x0: {  	(pc) =	sbr.rel $0x88, $3  }
0x1: {  	(tag) =	ssettag $0x0;
	lr =	simm.s32 $0x1  }
0x2: {  	[smem:$0x3F96] =	sst lr;
	_ =	strace $0xD0000000  }
0x3: {  	_ = 	snop  }
0x4: {  	_ = 	snop  }
0x5: {  	_ = 	snop  }
0x6: {  	_ = 	snop  }
0x7: {  	_ = 	snop  }
__scs_overlays_trampoline_lowered:
0x8: {  	[smem:$0x3FA5] =	sst s0  }
0x9: {  	[smem:$0x3FA6] =	sst s1  }
0xa: {  	[smem:$0x3FA7] =	sst s2  }
0xb: {  	[smem:$0x3FA8] =	sst s3  }
0xc: {  	[smem:$0x3FA9] =	sst s4  }
0xd: {  	[smem:$0x3FAA] =	sst s5  }
0xe: {  	[smem:$0x3FAB] =	sst s6  }
0xf: {  	[smem:$0x3FAC] =	sst s7  }
0x10: {  	[smem:$0x3FAD] =	sst s8  }
0x11: {  	[smem:$0x3FAE] =	sst s9;
	s0 =	simm.s32 @!p0 $0x0  }
0x12: {  	s1 =	sld [smem:$0x3F94];
	s0 =	simm.s32 @p0 $0x1  }
0x13: {  	[smem:$0x3FAF] =	sst s0;
	s0 =	simm.s32 @!p1 $0x0  }
0x14: {  	s2 =	sld [smem:$0x3F93];
	s0 =	simm.s32 @p1 $0x1  }
0x15: {  	[smem:$0x3FB0] =	sst s0;
	s0 =	simm.s32 @!p2 $0x0  }
0x16: {  	s3 =	sld [smem:$0x3FDB];
	s0 =	simm.s32 @p2 $0x1  }
0x17: {  	s4 =	simm.s32 $0x1BF5;
	[smem:$0x3FB2] =	sst s0  }
0x18: {  	s0 =	sld [smem:$0x3F95];
	_ =	swait.ge [sflag:s4], $0x0  }
0x19: {  	s7 =	sld [smem:$0x3F96]  }
0x1a: {  	s8 =	sadd.s32 $0xFFFFE003, lr  }
0x1b: {  	s9 =	sadd.s32 $0xFFFFFEF7, lr;
	s5 =	simm.s32 $0xFFFFFFFF;
	p2 =	slt.u32 s8, $0xFFFFF086  }
0x1c: {  	p1 =	slt.u32 s9, $0xF7A;
	s5 =	simm.s32 @!p2 $0x0  }
0x1d: {  	s5 =	simm.s32 @p1 $0x1;
	p0 =	seq.s32 s7, s2  }
0x1e: {  	s7 =	smul.u32 @!p0 $0xF7A, s2;
	p2 =	seq.s32 @!p0 s5, $0x0  }
0x1f: {  	s9 =	smul.u32 $0xF7A, s1;
	s8 =	simm.s32 @!p0 $0x1BF5;
	p2 =	por !p2, p0  }
0x20: {  	[sflag:s8] =	ssyncset.s32 @!p0 $0xFFFFF086;
	s6 =	sadd.s32 @!p0 s3, s7;
	s7 =	simm.s32 @!p0 $0x108  }
0x21: {  	s3 =	sadd.s32 s3, s9;
	s6 =	sadd.s32 @!p0 $0x88, s6;
	s7 =	simm.s32 @p2 $0x1082  }
0x22: {  	[simem:s7], [sflag:s8] =	dma.local @!p0 [hbm:s6], $0xF7A  }
0x23: {  	s9 =	sor.u32 $0xD0000000, s2;
	s6 =	simm.s32 $0x108;
	_ =	swait.ge @!p0 [sflag:s8], $0x0  }
0x24: {  	s3 =	sadd.s32 $0x88, s3;
	s6 =	simm.s32 @!p1 $0x1082;
	[sflag:s4] =	ssyncset.s32 $0xFFFFF086  }
0x25: {  	[simem:s6], [sflag:s4] =	dma.local [hbm:s3], $0xF7A  }
0x26: {  	[smem:$0x3F96] =	sst s1;
	(tag) =	ssettag s2;
	_ =	strace s9  }
0x27: {  	s1 =	sld [smem:$0x3FA6]  }
0x28: {  	s2 =	sld [smem:$0x3FA7]  }
0x29: {  	s4 =	sld [smem:$0x3FA9]  }
0x2a: {  	p0 =	seq.s32 s5, $0x0;
	s5 =	sld [smem:$0x3FAA]  }
0x2b: {  	s6 =	sld [smem:$0x3FAB]  }
0x2c: {  	s7 =	sld [smem:$0x3FAC]  }
0x2d: {  	s3 =	simm.s32 $0x108;
	s8 =	sld [smem:$0x3FAD]  }
0x2e: {  	s3 =	simm.s32 @!p0 $0x1082;
	s9 =	sld [smem:$0x3FAE]  }
0x2f: {  	lr =	sadd.s32 s0, s3;
	s0 =	sld [smem:$0x3FA5]  }
0x30: {  	s3 =	sld [smem:$0x3FA8]  }
0x31: {  	[smem:$0x3FB1] =	sst s10  }
0x32: {  	s10 =	sld [smem:$0x3FAF];
	_ =	sdelay $0x3  }
0x33: {  	p0 =	seq.s32 s10, $0x1;
	s10 =	sld [smem:$0x3FB1];
	_ =	sdelay $0x3  }
0x34: {  	[smem:$0x3FB1] =	sst s10  }
0x35: {  	s10 =	sld [smem:$0x3FB0];
	_ =	sdelay $0x3  }
0x36: {  	p1 =	seq.s32 s10, $0x1;
	s10 =	sld [smem:$0x3FB1];
	_ =	sdelay $0x3  }
0x37: {  	[smem:$0x3FB1] =	sst s10  }
0x38: {  	s10 =	sld [smem:$0x3FB2]  }
0x39: {  	_ = 	snop;
	(pc) =	sbr.ind lr, $3  }
0x3a: {  	_ = 	snop  }
0x3b: {  	_ = 	snop  }
0x3c: {  	p2 =	seq.s32 s10, $0x1;
	s10 =	sld [smem:$0x3FB1]  }
0x3d: {  	_ =	shalt  }
0x3e: {  	_ =	shalt  }
0x3f: {  	_ =	shalt  }
0x40: {  	_ =	shalt  }
0x41: {  	_ =	shalt  }
0x42: {  	_ =	shalt  }
0x43: {  	_ =	shalt  }
0x44: {  	_ =	shalt  }
0x45: {  	_ =	shalt  }
0x46: {  	_ =	shalt  }
0x47: {  	_ =	shalt  }
0x48: {  	_ =	shalt  }
0x49: {  	_ =	shalt  }
0x4a: {  	_ =	shalt  }
0x4b: {  	_ =	shalt  }
0x4c: {  	_ =	shalt  }
0x4d: {  	_ =	shalt  }
0x4e: {  	_ =	shalt  }
0x4f: {  	_ =	shalt  }
0x50: {  	_ =	shalt  }
0x51: {  	_ =	shalt  }
0x52: {  	_ =	shalt  }
0x53: {  	_ =	shalt  }
0x54: {  	_ =	shalt  }
0x55: {  	_ =	shalt  }
0x56: {  	_ =	shalt  }
0x57: {  	_ =	shalt  }
0x58: {  	_ =	shalt  }
0x59: {  	_ =	shalt  }
0x5a: {  	_ =	shalt  }
0x5b: {  	_ =	shalt  }
0x5c: {  	_ =	shalt  }
0x5d: {  	_ =	shalt  }
0x5e: {  	_ =	shalt  }
0x5f: {  	_ =	shalt  }
0x60: {  	_ =	shalt  }
0x61: {  	_ =	shalt  }
0x62: {  	_ =	shalt  }
0x63: {  	_ =	shalt  }
0x64: {  	_ =	shalt  }
0x65: {  	_ =	shalt  }
0x66: {  	_ =	shalt  }
0x67: {  	_ =	shalt  }
0x68: {  	_ =	shalt  }
0x69: {  	_ =	shalt  }
0x6a: {  	_ =	shalt  }
0x6b: {  	_ =	shalt  }
0x6c: {  	_ =	shalt  }
0x6d: {  	_ =	shalt  }
0x6e: {  	_ =	shalt  }
0x6f: {  	_ =	shalt  }
0x70: {  	_ =	shalt  }
0x71: {  	_ =	shalt  }
0x72: {  	_ =	shalt  }
0x73: {  	_ =	shalt  }
0x74: {  	_ =	shalt  }
0x75: {  	_ =	shalt  }
0x76: {  	_ =	shalt  }
0x77: {  	_ =	shalt  }
0x78: {  	_ =	shalt  }
0x79: {  	_ =	shalt  }
0x7a: {  	_ =	shalt  }
0x7b: {  	_ =	shalt  }
0x7c: {  	_ =	shalt  }
0x7d: {  	_ =	shalt  }
0x7e: {  	_ =	shalt  }
0x7f: {  	_ =	shalt  }
0x80: {  	_ =	shalt  }
0x81: {  	_ =	shalt  }
0x82: {  	_ =	shalt  }
0x83: {  	_ =	shalt  }
0x84: {  	_ =	shalt  }
0x85: {  	_ =	shalt  }
0x86: {  	_ =	shalt  }
0x87: {  	_ =	shalt  }
.Lfunc_end0:
.L_simem_size_0:
called_computation.2_lowered:
.L_overlay_start_0:
0x88: {  	s2 =	sld [smem:$0x3FD9]  }
0x89: {  	s3 =	sld [smem:$0x3FFE];
	_ =	sdelay $0x1  }
0x8a: {  	s1 =	srdreg.scid  }
0x8b: {  	s0 =	sand.u32 $0x1, s1  }
0x8c: {  	s16 =	sshll.u32 s0, $0xA;
	s2 =	sadd.s32 s3, s2  }
0x8d: {  	s2 =	sadd.s32 s2, s16  }
0x8e: {  	[smem:$0x3FBD] =	sst s2  }
0x8f: {  	_ = 	snop  }
0x90: {  	(tm) =	ssettm $0x1  }
0x91: {  	s17 =	sld [smem:$0x3FFB];
	_ =	sdelay $0x3  }
0x92: {  	_ =	strace s17  }
0x93: {  	s2 =	sld [smem:$0x3FFC];
	_ =	sdelay $0x3  }
0x94: {  	_ =	strace s2  }
0x95: {  	s2 =	sld [smem:$0x3FFD];
	_ =	sdelay $0x3  }
0x96: {  	_ =	strace s2  }
0x97: {  	_ =	strace $0x8FFFFFFF  }
0x98: {  	s18 =	sld [smem:$0x3FDB];
	_ =	sdelay $0x1  }
0x99: {  	s19 =	simm.s32 $_scs_section_size  }
0x9a: {  	s4 =	simm.s32 $_size__tile_overlayer_lowered;
	s5 =	simm.s32 $_tile_overlayer_lowered  }
0x9b: {  	s22 =	simm.s32 $0x1BFF;
	s21 =	sshll.u32 s5, $0x1;
	s2 =	sadd.s32 s19, s18  }
0x9c: {  	s6 =	simm.s32 $0x0;
	s20 =	sshll.u32 s4, $0x1;
	s4 =	sadd.s32 s21, s2  }
0x9d: {  	[timem:s6], [sflag:s22] =	dma.local [hbm:s4], s20  }
0x9e: {  	_ =	swait.ge [sflag:s22], s20  }
0x9f: {  	s3 =	ssub.s32 $0x0, s20;
	[sflag:s22] =	ssyncset.done $0x0  }
0xa0: {  	[sflag:s22] =	ssyncadd.s32 s3;
	_ =	sdelay $0x1  }
0xa1: {  	s23 =	simm.s32 $0x1B8B  }
0xa2: {  	_ =	swait.ge [sflag:s23], $0x1  }
0xa3: {  	[sflag:s23] =	ssyncset.done $0x0  }
0xa4: {  	s25 =	simm.s32 $0x1B8E;
	s24 =	sld [smem:$0x3FFE];
	[sflag:s23] =	ssyncadd.s32 $0xFFFFFFFF  }
0xa5: {  	s26 =	simm.s32 $execute0_lowered;
	[smem:$0x3FD2] =	sst s25  }
0xa6: {  	s4 =	sshll.u32 s26, $0x1;
	_ =	strace $0x8000004C;
	[dreg:$0x1] =	wrdreg $0xFFFFFFFF  }
0xa7: {  	s28 =	simm.s32 $_size_execute0_lowered;
	s2 =	sadd.s32 s2, s4;
	[dreg:$0x0] =	wrdreg $0x0  }
0xa8: {  	s4 =	sshll.u32 s28, $0x1;
	[dreg:$0x2] =	wrdreg s2  }
0xa9: {  	[dreg:$0x3] =	wrdreg s4  }
0xaa: {  	[dreg:$0x4] =	wrdreg $0xC0  }
0xab: {  	_ =	task [dreg:s6], $0x5FFFF  }
0xac: {  	[dreg:$0x1] =	wrdreg $0xFFFFFFFF  }
0xad: {  	[dreg:$0x0] =	wrdreg $0x60  }
0xae: {  	[dreg:$0x2] =	wrdreg s24  }
0xaf: {  	[dreg:$0x3] =	wrdreg $0xA8000  }
0xb0: {  	[dreg:$0x4] =	wrdreg $0x9  }
0xb1: {  	_ =	task.clear_ibuf [dreg:s6], $0x5FFFF;
	_ =	strace $0x9000004C  }
0xb2: {  	s29 =	simm.s32 $0x9;
	_ =	strace $0x8000004E  }
0xb3: {  	_ =	swait.ge [sflag:s29], $0x1  }
0xb4: {  	[sflag:s29] =	ssyncadd.s32 $0xFFFFFFFF  }
0xb5: {  	_ =	strace $0x9000004E  }
0xb6: {  	_ =	sfence  }
0xb7: {  	s30 =	sld [smem:$0x0];
	_ =	sdelay $0x2  }
0xb8: {  	s31 =	sshll.u32 s1, $0xD;
	s1 =	sshrl.u32 s1, $0x2  }
0xb9: {  	s3 =	sand.u32 $0x4000, s31;
	s1 =	sadd.s32 s1, s30  }
0xba: {  	s0 =	sor.u32 s3, s0;
	s1 =	sshll.u32 s1, $0x11  }
0xbb: {  	s0 =	sor.u32 s1, s0  }
0xbc: {  	s0 =	sadd.s32 $0x8F2B, s0  }
0xbd: {  	[sflag:s0] =	ssyncadd.remote.s32 $0x1  }
0xbe: {  	_ =	sfence.sel $0xFFFF  }
0xbf: {  	[dreg:$0x0] =	wrdreg $0xFFFFFFFF;
	(pc) =	sbr.abs _section_cstart, $3  }
0xc0: {  	[dreg:$0x1] =	wrdreg $0xFFFFFFFF  }
0xc1: {  	_ =	task.clear_ibuf [dreg:s6], $0x2FFFF;
	_ =	strace $0x9FFFFFFF  }
0xc2: {  	(tm) =	ssettm $0x7FFFFFFF  }
0xc3: {  	_ =	shalt  }
tec
execute0_lowered:
.L_overlay_start_1:
0x0: {  	(tag) =	ssettag $0x1  }
0x1: {  	s6 =	rddreg [dreg:$0x0]  }
0x2: {  	s0 =	srdreg.scid;
	s2 =	rddreg [dreg:$0x1]  }
0x3: {  	s3 =	simm.s32 $0x0;
	s15 =	simm.s32 $0x6;
	s16 =	simm.s32 $0x1400  }
0x4: {  	s17 =	simm.s32 $0x5;
	s18 =	simm.s32 $0x80;
	s19 =	simm.s32 $0x2800  }
0x5: {  	s20 =	simm.s32 $0x6800;
	s21 =	simm.s32 $0x1;
	s22 =	simm.s32 $0x3  }
0x6: {  	s23 =	simm.s32 $0x2;
	s5 =	sand.u32 $0x1, s0;
	s0 =	stileid.u32  }
0x7: {  	s24 =	simm.s32 $0x4;
	s26 =	simm.s32 $0x0;
	s8 =	smul.u32 $0x14000, s0  }
0x8: {  	[smem:$0x7FF] =	sst s3;
	s4 =	sadd.s32 $0x17000, s6;
	s9 =	smul.u32 $0x140000, s5  }
0x9: {  	s1 =	sshll.u32 s5, $0x4;
	s5 =	ssub.s32 $0x2, s5;
	s10 =	smul.u32 $0x50000, s0  }
0xa: {  	s25 =	sor.u32 s0, s1;
	s1 =	rddreg [dreg:$0x2];
	_ =	strace $0x8000004D  }
0xb: {  	s29 =	sshrl.u32 s5, $0x1;
	s7 =	smul.u32 $0x2800, s25;
	s9 =	sadd.s32 s8, s9  }
0xc: {  	s13 =	ssub.s32 s5, s29;
	s30 =	sshrl.u32 s10, $0x2;
	s31 =	sshrl.u32 s8, $0x3  }
0xd: {  	p0 =	seq.s32 s25, $0x1F;
	s25 =	simm.s32 $0x2780;
	s9 =	sshrl.u32 s9, $0x3  }
.Ltmp0:
0xe: {  	s14 =	sadd.s32 s30, s2;
	s5 =	sadd.s32 s4, s31;
	(pc) =	sbr.rel .LBB2_1-.Ltmp0, $4  }
0xf: {  	s13 =	smax.u32 s13, $0x1;
	s7 =	sshrl.u32 s7, $0x3;
	s12 =	sadd.s32 s9, s6  }
0x10: {  	s14 =	sshrl.u32 s14, $0x3;
	s11 =	sadd.s32 s7, s6;
	s6 =	sshll.u32 s0, $0x6  }
0x11: {  	s12 =	sadd.s32 $0x3F000, s12;
	s7 =	sor.u32 $0x1C05, s6;
	s8 =	sadd.s32 $0x3400, s11  }
0x12: {  	s9 =	sadd.s32 $0xD180, s11;
	s10 =	sadd.s32 $0x3680, s11;
	s11 =	sadd.s32 $0xD400, s11  }
.LBB2_6:
0x13: {  	[spmem:s2] =	stream.indirect.scatter.add.f32 [tilespmem:s19], [sflag:$0x3], $0x80, s29, s18, $0xb8;
	[tilespmem:$0x1E800] =	vst v63  }
0x14: {  	_ =	swait.ge [sflag:s23], $0x4000  }
0x15: {  	[sflag:s23] =	ssyncset.done $0x0  }
0x16: {  	[sflag:s23] =	ssyncadd.s32 $0xFFFFC000  }
0x17: {  	[spmem:s2] =	stream.indirect.scatter.add.f32 [tilespmem:s20], [sflag:$0x4], $0x80, s25, s18, $0xb8;
	[tilespmem:$0x1E800] =	vst v63  }
0x18: {  	_ =	swait.ge [sflag:s22], $0x4000  }
0x19: {  	[sflag:s22] =	ssyncset.done $0x0  }
0x1a: {  	[sflag:s22] =	ssyncadd.s32 $0xFFFFC000  }
0x1b: {  	_ =	swait.ge [sflag:s24], $0x4000  }
0x1c: {  	[sflag:s24] =	ssyncset.done $0x0  }
0x1d: {  	[sflag:s24] =	ssyncadd.s32 $0xFFFFC000  }
.LBB2_7:
0x1e: {  	s26 =	sadd.s32 $0x1, s26  }
0x1f: {  	p1 =	sne.s32 s26, s13  }
.Ltmp1:
0x20: {  	[bflag:$0x0] =	sbarrier.arrive $0xFFFF;
	s28 =	sor.u32 $0x1C06, s6;
	(pc) =	sbr.rel @!p1 .LBB2_8-.Ltmp1, $4  }
0x21: {  	[hbm:s12], [sflag:s28] =	dma.local [spmem:s14], $0x2800  }
0x22: {  	_ =	swait.ge [sflag:s15], $0x2800  }
0x23: {  	[sflag:s15] =	ssyncset.done $0x0  }
0x24: {  	[sflag:s15] =	ssyncadd.s32 $0xFFFFD800  }
.LBB2_1:
0x25: {  	[spmem:s14], [sflag:s7] =	dma.local [hbm:s5], $0x2800  }
0x26: {  	[tilespmem:s3], [sflag:$0x6] =	stream.linear.gather [hbm4b:s8+s3], $0x1400, $0x38;
	[tilespmem:$0x1E800] =	vst v63  }
0x27: {  	_ =	swait.ge [sflag:s15], $0x1400  }
0x28: {  	[sflag:s15] =	ssyncset.done $0x0  }
0x29: {  	[sflag:s15] =	ssyncadd.s32 $0xFFFFEC00  }
0x2a: {  	[tilespmem:s16], [sflag:$0x6] =	stream.linear.gather [hbm4b:s9+s3], $0x1400, $0x38;
	[tilespmem:$0x1E800] =	vst v63  }
0x2b: {  	_ =	swait.ge [sflag:s15], $0x1400  }
0x2c: {  	[sflag:s15] =	ssyncset.done $0x0  }
0x2d: {  	[sflag:s15] =	ssyncadd.s32 $0xFFFFEC00  }
0x2e: {  	_ =	swait.ge [sflag:s17], $0x2800  }
0x2f: {  	[sflag:s17] =	ssyncset.done $0x0  }
0x30: {  	[sflag:s17] =	ssyncadd.s32 $0xFFFFD800  }
0x31: {  	[bflag:$0x0] =	sbarrier.arrive $0xFFFF  }
0x32: {  	[tilespmem:s19], [sflag:$0x1] =	stream.indirect.gather [hbm4b:s4+s18], $0x80, s3, s18, $0xb8;
	[tilespmem:$0x1E800] =	vst v63  }
0x33: {  	_ = 	snop  }
0x34: {  	[tilespmem:s20], [sflag:$0x2] =	stream.indirect.gather [hbm4b:s4+s18], $0x80, s18, s18, $0xb8;
	[tilespmem:$0x1E800] =	vst v63  }
0x35: {  	_ =	swait.ge [sflag:s21], $0x4000  }
0x36: {  	[sflag:s21] =	ssyncset.done $0x0  }
0x37: {  	[sflag:s21] =	ssyncadd.s32 $0xFFFFC000  }
0x38: {  	[spmem:s2] =	stream.indirect.scatter.add.f32 [tilespmem:s19], [sflag:$0x3], $0x80, s16, s18, $0xb8;
	[tilespmem:$0x1E800] =	vst v63  }
0x39: {  	_ =	swait.ge [sflag:s22], $0x4000  }
0x3a: {  	[sflag:s22] =	ssyncset.done $0x0  }
0x3b: {  	s28 =	simm.s32 $0x100;
	[sflag:s22] =	ssyncadd.s32 $0xFFFFC000  }
0x3c: {  	[tilespmem:s19], [sflag:$0x1] =	stream.indirect.gather [hbm4b:s4+s18], $0x80, s28, s18, $0xb8;
	[tilespmem:$0x1E800] =	vst v63  }
0x3d: {  	_ =	swait.ge [sflag:s23], $0x4000  }
0x3e: {  	[sflag:s23] =	ssyncset.done $0x0  }
0x3f: {  	s28 =	simm.s32 $0x1480;
	[sflag:s23] =	ssyncadd.s32 $0xFFFFC000  }
0x40: {  	[spmem:s2] =	stream.indirect.scatter.add.f32 [tilespmem:s20], [sflag:$0x4], $0x80, s28, s18, $0xb8;
	[tilespmem:$0x1E800] =	vst v63  }
0x41: {  	_ =	swait.ge [sflag:s24], $0x4000  }
0x42: {  	[sflag:s24] =	ssyncset.done $0x0  }
0x43: {  	s28 =	simm.s32 $0x180;
	[sflag:s24] =	ssyncadd.s32 $0xFFFFC000  }
0x44: {  	[tilespmem:s20], [sflag:$0x2] =	stream.indirect.gather [hbm4b:s4+s18], $0x80, s28, s18, $0xb8;
	[tilespmem:$0x1E800] =	vst v63  }
0x45: {  	_ =	swait.ge [sflag:s21], $0x4000  }
0x46: {  	[sflag:s21] =	ssyncset.done $0x0  }
0x47: {  	s29 =	simm.s32 $0x1500;
	s28 =	simm.s32 $0xFFFFB800;
	[sflag:s21] =	ssyncadd.s32 $0xFFFFC000  }
.LBB2_2:
0x48: {  	[spmem:s2] =	stream.indirect.scatter.add.f32 [tilespmem:s19], [sflag:$0x3], $0x80, s29, s18, $0xb8;
	[tilespmem:$0x1E800] =	vst v63  }
0x49: {  	s29 =	smov.u32 s28  }
0x4a: {  	p1 =	sne.s32 s28, $0xFFFFFC00;
	s28 =	sadd.s32 $0x400, s28;
	_ =	swait.ge [sflag:s22], $0x4000  }
0x4b: {  	s29 =	sshra.s32 s29, $0x2;
	[sflag:s22] =	ssyncset.done $0x0  }
0x4c: {  	s30 =	sadd.s32 $0x1400, s29;
	[sflag:s22] =	ssyncadd.s32 $0xFFFFC000  }
0x4d: {  	[tilespmem:s19], [sflag:$0x1] =	stream.indirect.gather [hbm4b:s4+s18], $0x80, s30, s18, $0xb8;
	[tilespmem:$0x1E800] =	vst v63  }
0x4e: {  	_ =	swait.ge [sflag:s23], $0x4000  }
0x4f: {  	[sflag:s23] =	ssyncset.done $0x0  }
0x50: {  	s30 =	sadd.s32 $0x2780, s29;
	[sflag:s23] =	ssyncadd.s32 $0xFFFFC000  }
0x51: {  	[spmem:s2] =	stream.indirect.scatter.add.f32 [tilespmem:s20], [sflag:$0x4], $0x80, s30, s18, $0xb8;
	[tilespmem:$0x1E800] =	vst v63  }
0x52: {  	_ =	swait.ge [sflag:s24], $0x4000  }
0x53: {  	[sflag:s24] =	ssyncset.done $0x0  }
.Ltmp2:
0x54: {  	s30 =	sadd.s32 $0x1480, s29;
	[sflag:s24] =	ssyncadd.s32 $0xFFFFC000;
	(pc) =	sbr.rel @p1 .LBB2_2-.Ltmp2, $4  }
0x55: {  	[tilespmem:s20], [sflag:$0x2] =	stream.indirect.gather [hbm4b:s4+s18], $0x80, s30, s18, $0xb8;
	[tilespmem:$0x1E800] =	vst v63  }
0x56: {  	_ =	swait.ge [sflag:s21], $0x4000  }
0x57: {  	[sflag:s21] =	ssyncset.done $0x0  }
0x58: {  	s29 =	sadd.s32 $0x2800, s29;
	[sflag:s21] =	ssyncadd.s32 $0xFFFFC000  }
0x59: {  	[spmem:s2] =	stream.indirect.scatter.add.f32 [tilespmem:s19], [sflag:$0x3], $0x80, s29, s18, $0xb8;
	[tilespmem:$0x1E800] =	vst v63  }
0x5a: {  	_ =	swait.ge [sflag:s23], $0x4000  }
0x5b: {  	[sflag:s23] =	ssyncset.done $0x0  }
0x5c: {  	[sflag:s23] =	ssyncadd.s32 $0xFFFFC000  }
0x5d: {  	[spmem:s2] =	stream.indirect.scatter.add.f32 [tilespmem:s20], [sflag:$0x4], $0x80, s25, s18, $0xb8;
	[tilespmem:$0x1E800] =	vst v63  }
0x5e: {  	_ =	swait.ge [sflag:s22], $0x4000  }
.Ltmp3:
0x5f: {  	[sflag:s22] =	ssyncset.done $0x0;
	(pc) =	sbr.rel @p0 .LBB2_7-.Ltmp3, $4  }
0x60: {  	[sflag:s22] =	ssyncadd.s32 $0xFFFFC000  }
0x61: {  	_ =	swait.ge [sflag:s24], $0x4000  }
0x62: {  	[sflag:s24] =	ssyncset.done $0x0  }
0x63: {  	[sflag:s24] =	ssyncadd.s32 $0xFFFFC000  }
0x64: {  	[tilespmem:s3], [sflag:$0x6] =	stream.linear.gather [hbm4b:s10+s3], $0x1400, $0x38;
	[tilespmem:$0x1E800] =	vst v63  }
0x65: {  	_ =	swait.ge [sflag:s15], $0x1400  }
0x66: {  	[sflag:s15] =	ssyncset.done $0x0  }
0x67: {  	[sflag:s15] =	ssyncadd.s32 $0xFFFFEC00  }
0x68: {  	[tilespmem:s16], [sflag:$0x6] =	stream.linear.gather [hbm4b:s11+s3], $0x1400, $0x38;
	[tilespmem:$0x1E800] =	vst v63  }
0x69: {  	_ =	swait.ge [sflag:s15], $0x1400  }
0x6a: {  	[sflag:s15] =	ssyncset.done $0x0  }
0x6b: {  	[sflag:s15] =	ssyncadd.s32 $0xFFFFEC00  }
0x6c: {  	[tilespmem:s19], [sflag:$0x1] =	stream.indirect.gather [hbm4b:s4+s18], $0x80, s3, s18, $0xb8;
	[tilespmem:$0x1E800] =	vst v63  }
0x6d: {  	_ = 	snop  }
0x6e: {  	[tilespmem:s20], [sflag:$0x2] =	stream.indirect.gather [hbm4b:s4+s18], $0x80, s18, s18, $0xb8;
	[tilespmem:$0x1E800] =	vst v63  }
0x6f: {  	_ =	swait.ge [sflag:s21], $0x4000  }
0x70: {  	[sflag:s21] =	ssyncset.done $0x0  }
0x71: {  	[sflag:s21] =	ssyncadd.s32 $0xFFFFC000  }
0x72: {  	[spmem:s2] =	stream.indirect.scatter.add.f32 [tilespmem:s19], [sflag:$0x3], $0x80, s16, s18, $0xb8;
	[tilespmem:$0x1E800] =	vst v63  }
0x73: {  	_ =	swait.ge [sflag:s22], $0x4000  }
0x74: {  	[sflag:s22] =	ssyncset.done $0x0  }
0x75: {  	s28 =	simm.s32 $0x100;
	[sflag:s22] =	ssyncadd.s32 $0xFFFFC000  }
0x76: {  	[tilespmem:s19], [sflag:$0x1] =	stream.indirect.gather [hbm4b:s4+s18], $0x80, s28, s18, $0xb8;
	[tilespmem:$0x1E800] =	vst v63  }
0x77: {  	_ =	swait.ge [sflag:s23], $0x4000  }
0x78: {  	[sflag:s23] =	ssyncset.done $0x0  }
0x79: {  	s28 =	simm.s32 $0x1480;
	[sflag:s23] =	ssyncadd.s32 $0xFFFFC000  }
0x7a: {  	[spmem:s2] =	stream.indirect.scatter.add.f32 [tilespmem:s20], [sflag:$0x4], $0x80, s28, s18, $0xb8;
	[tilespmem:$0x1E800] =	vst v63  }
0x7b: {  	_ =	swait.ge [sflag:s24], $0x4000  }
0x7c: {  	[sflag:s24] =	ssyncset.done $0x0  }
0x7d: {  	s28 =	simm.s32 $0x180;
	[sflag:s24] =	ssyncadd.s32 $0xFFFFC000  }
0x7e: {  	[tilespmem:s20], [sflag:$0x2] =	stream.indirect.gather [hbm4b:s4+s18], $0x80, s28, s18, $0xb8;
	[tilespmem:$0x1E800] =	vst v63  }
0x7f: {  	_ =	swait.ge [sflag:s21], $0x4000  }
0x80: {  	[sflag:s21] =	ssyncset.done $0x0  }
0x81: {  	s29 =	simm.s32 $0x1500;
	s28 =	simm.s32 $0xFFFFB800;
	[sflag:s21] =	ssyncadd.s32 $0xFFFFC000  }
.LBB2_5:
0x82: {  	[spmem:s2] =	stream.indirect.scatter.add.f32 [tilespmem:s19], [sflag:$0x3], $0x80, s29, s18, $0xb8;
	[tilespmem:$0x1E800] =	vst v63  }
0x83: {  	s29 =	smov.u32 s28  }
0x84: {  	p1 =	sne.s32 s28, $0xFFFFFC00;
	s28 =	sadd.s32 $0x400, s28;
	_ =	swait.ge [sflag:s22], $0x4000  }
0x85: {  	s29 =	sshra.s32 s29, $0x2;
	[sflag:s22] =	ssyncset.done $0x0  }
0x86: {  	s30 =	sadd.s32 $0x1400, s29;
	[sflag:s22] =	ssyncadd.s32 $0xFFFFC000  }
0x87: {  	[tilespmem:s19], [sflag:$0x1] =	stream.indirect.gather [hbm4b:s4+s18], $0x80, s30, s18, $0xb8;
	[tilespmem:$0x1E800] =	vst v63  }
0x88: {  	_ =	swait.ge [sflag:s23], $0x4000  }
0x89: {  	[sflag:s23] =	ssyncset.done $0x0  }
0x8a: {  	s30 =	sadd.s32 $0x2780, s29;
	[sflag:s23] =	ssyncadd.s32 $0xFFFFC000  }
0x8b: {  	[spmem:s2] =	stream.indirect.scatter.add.f32 [tilespmem:s20], [sflag:$0x4], $0x80, s30, s18, $0xb8;
	[tilespmem:$0x1E800] =	vst v63  }
0x8c: {  	_ =	swait.ge [sflag:s24], $0x4000  }
0x8d: {  	[sflag:s24] =	ssyncset.done $0x0  }
.Ltmp4:
0x8e: {  	s30 =	sadd.s32 $0x1480, s29;
	[sflag:s24] =	ssyncadd.s32 $0xFFFFC000;
	(pc) =	sbr.rel @p1 .LBB2_5-.Ltmp4, $4  }
0x8f: {  	[tilespmem:s20], [sflag:$0x2] =	stream.indirect.gather [hbm4b:s4+s18], $0x80, s30, s18, $0xb8;
	[tilespmem:$0x1E800] =	vst v63  }
0x90: {  	_ =	swait.ge [sflag:s21], $0x4000  }
0x91: {  	[sflag:s21] =	ssyncset.done $0x0  }
0x92: {  	s29 =	sadd.s32 $0x2800, s29;
	[sflag:s21] =	ssyncadd.s32 $0xFFFFC000  }
.Ltmp5:
0x93: {  	_ = 	snop;
	(pc) =	sbr.rel .LBB2_6-.Ltmp5, $1  }
0x94: {  	_ =	sdelay $0x3  }
.LBB2_8:
0x95: {  	_ =	sfence.sel $0x180000  }
0x96: {  	[bflag:$0x0] =	sbarrier.arrive $0xFFFF  }
0x97: {  	p0 =	sne.s32 s0, $0x0;
	_ =	strace $0x9000004D  }
0x98: {  	s0 =	sadd.s32 @!p0 $0x100000, s1;
	[bflag:$0x2] =	sbarrier.arrive $0xFFFF  }
0x99: {  	[sflag:s0] =	ssyncadd.tile.s32 @!p0 $0x1;
	_ =	shalt  }
.Lfunc_end2:
_tile_overlayer_lowered:
.L_overlay_start_2:
0x9a: {  	(tag) =	ssettag $0x2  }
0x9b: {  	s0 =	rddreg [dreg:$0x0];
	s2 =	stileid.u32  }
0x9c: {  	s1 =	rddreg [dreg:$0x1];
	p0 =	sne.s32 s2, $0x0  }
0x9d: {  	s3 =	rddreg [dreg:$0x2];
	[bflag:$0x3] =	sbarrier.arrive $0xFFFF;
	s2 =	simm.s32 @!p0 $0x1C06  }
0x9e: {  	[timem:s3], [sflag:s2] =	dma.local @!p0 [hbm:s0], s1  }
0x9f: {  	s0 =	simm.s32 @!p0 $0x6  }
0xa0: {  	_ =	swait.ge @!p0 [sflag:s0], s1  }
0xa1: {  	s1 =	ssub.s32 @!p0 $0x0, s1;
	[sflag:s0] =	ssyncset.done @!p0 $0x0  }
0xa2: {  	[sflag:s0] =	ssyncadd.s32 @!p0 s1  }
0xa3: {  	[bflag:$0x3] =	sbarrier.arrive $0xFFFF  }
0xa4: {  	_ =	shalt  }

// kernel: kernel.9.cloned.1.call-start
scs
__scs_entry_jumppad:
0x0: {  	(pc) =	sbr.rel $0x88, $3  }
0x1: {  	(tag) =	ssettag $0x0;
	lr =	simm.s32 $0x1  }
0x2: {  	[smem:$0x3F96] =	sst lr;
	_ =	strace $0xD0000000  }
0x3: {  	_ = 	snop  }
0x4: {  	_ = 	snop  }
0x5: {  	_ = 	snop  }
0x6: {  	_ = 	snop  }
0x7: {  	_ = 	snop  }
__scs_overlays_trampoline_lowered:
0x8: {  	[smem:$0x3FA5] =	sst s0  }
0x9: {  	[smem:$0x3FA6] =	sst s1  }
0xa: {  	[smem:$0x3FA7] =	sst s2  }
0xb: {  	[smem:$0x3FA8] =	sst s3  }
0xc: {  	[smem:$0x3FA9] =	sst s4  }
0xd: {  	[smem:$0x3FAA] =	sst s5  }
0xe: {  	[smem:$0x3FAB] =	sst s6  }
0xf: {  	[smem:$0x3FAC] =	sst s7  }
0x10: {  	[smem:$0x3FAD] =	sst s8  }
0x11: {  	[smem:$0x3FAE] =	sst s9;
	s0 =	simm.s32 @!p0 $0x0  }
0x12: {  	s1 =	sld [smem:$0x3F94];
	s0 =	simm.s32 @p0 $0x1  }
0x13: {  	[smem:$0x3FAF] =	sst s0;
	s0 =	simm.s32 @!p1 $0x0  }
0x14: {  	s2 =	sld [smem:$0x3F93];
	s0 =	simm.s32 @p1 $0x1  }
0x15: {  	[smem:$0x3FB0] =	sst s0;
	s0 =	simm.s32 @!p2 $0x0  }
0x16: {  	s3 =	sld [smem:$0x3FDB];
	s0 =	simm.s32 @p2 $0x1  }
0x17: {  	s4 =	simm.s32 $0x1BF5;
	[smem:$0x3FB2] =	sst s0  }
0x18: {  	s0 =	sld [smem:$0x3F95];
	_ =	swait.ge [sflag:s4], $0x0  }
0x19: {  	s7 =	sld [smem:$0x3F96]  }
0x1a: {  	s8 =	sadd.s32 $0xFFFFE003, lr  }
0x1b: {  	s9 =	sadd.s32 $0xFFFFFEF7, lr;
	s5 =	simm.s32 $0xFFFFFFFF;
	p2 =	slt.u32 s8, $0xFFFFF086  }
0x1c: {  	p1 =	slt.u32 s9, $0xF7A;
	s5 =	simm.s32 @!p2 $0x0  }
0x1d: {  	s5 =	simm.s32 @p1 $0x1;
	p0 =	seq.s32 s7, s2  }
0x1e: {  	s7 =	smul.u32 @!p0 $0xF7A, s2;
	p2 =	seq.s32 @!p0 s5, $0x0  }
0x1f: {  	s9 =	smul.u32 $0xF7A, s1;
	s8 =	simm.s32 @!p0 $0x1BF5;
	p2 =	por !p2, p0  }
0x20: {  	[sflag:s8] =	ssyncset.s32 @!p0 $0xFFFFF086;
	s6 =	sadd.s32 @!p0 s3, s7;
	s7 =	simm.s32 @!p0 $0x108  }
0x21: {  	s3 =	sadd.s32 s3, s9;
	s6 =	sadd.s32 @!p0 $0x88, s6;
	s7 =	simm.s32 @p2 $0x1082  }
0x22: {  	[simem:s7], [sflag:s8] =	dma.local @!p0 [hbm:s6], $0xF7A  }
0x23: {  	s9 =	sor.u32 $0xD0000000, s2;
	s6 =	simm.s32 $0x108;
	_ =	swait.ge @!p0 [sflag:s8], $0x0  }
0x24: {  	s3 =	sadd.s32 $0x88, s3;
	s6 =	simm.s32 @!p1 $0x1082;
	[sflag:s4] =	ssyncset.s32 $0xFFFFF086  }
0x25: {  	[simem:s6], [sflag:s4] =	dma.local [hbm:s3], $0xF7A  }
0x26: {  	[smem:$0x3F96] =	sst s1;
	(tag) =	ssettag s2;
	_ =	strace s9  }
0x27: {  	s1 =	sld [smem:$0x3FA6]  }
0x28: {  	s2 =	sld [smem:$0x3FA7]  }
0x29: {  	s4 =	sld [smem:$0x3FA9]  }
0x2a: {  	p0 =	seq.s32 s5, $0x0;
	s5 =	sld [smem:$0x3FAA]  }
0x2b: {  	s6 =	sld [smem:$0x3FAB]  }
0x2c: {  	s7 =	sld [smem:$0x3FAC]  }
0x2d: {  	s3 =	simm.s32 $0x108;
	s8 =	sld [smem:$0x3FAD]  }
0x2e: {  	s3 =	simm.s32 @!p0 $0x1082;
	s9 =	sld [smem:$0x3FAE]  }
0x2f: {  	lr =	sadd.s32 s0, s3;
	s0 =	sld [smem:$0x3FA5]  }
0x30: {  	s3 =	sld [smem:$0x3FA8]  }
0x31: {  	[smem:$0x3FB1] =	sst s10  }
0x32: {  	s10 =	sld [smem:$0x3FAF];
	_ =	sdelay $0x3  }
0x33: {  	p0 =	seq.s32 s10, $0x1;
	s10 =	sld [smem:$0x3FB1];
	_ =	sdelay $0x3  }
0x34: {  	[smem:$0x3FB1] =	sst s10  }
0x35: {  	s10 =	sld [smem:$0x3FB0];
	_ =	sdelay $0x3  }
0x36: {  	p1 =	seq.s32 s10, $0x1;
	s10 =	sld [smem:$0x3FB1];
	_ =	sdelay $0x3  }
0x37: {  	[smem:$0x3FB1] =	sst s10  }
0x38: {  	s10 =	sld [smem:$0x3FB2]  }
0x39: {  	_ = 	snop;
	(pc) =	sbr.ind lr, $3  }
0x3a: {  	_ = 	snop  }
0x3b: {  	_ = 	snop  }
0x3c: {  	p2 =	seq.s32 s10, $0x1;
	s10 =	sld [smem:$0x3FB1]  }
0x3d: {  	_ =	shalt  }
0x3e: {  	_ =	shalt  }
0x3f: {  	_ =	shalt  }
0x40: {  	_ =	shalt  }
0x41: {  	_ =	shalt  }
0x42: {  	_ =	shalt  }
0x43: {  	_ =	shalt  }
0x44: {  	_ =	shalt  }
0x45: {  	_ =	shalt  }
0x46: {  	_ =	shalt  }
0x47: {  	_ =	shalt  }
0x48: {  	_ =	shalt  }
0x49: {  	_ =	shalt  }
0x4a: {  	_ =	shalt  }
0x4b: {  	_ =	shalt  }
0x4c: {  	_ =	shalt  }
0x4d: {  	_ =	shalt  }
0x4e: {  	_ =	shalt  }
0x4f: {  	_ =	shalt  }
0x50: {  	_ =	shalt  }
0x51: {  	_ =	shalt  }
0x52: {  	_ =	shalt  }
0x53: {  	_ =	shalt  }
0x54: {  	_ =	shalt  }
0x55: {  	_ =	shalt  }
0x56: {  	_ =	shalt  }
0x57: {  	_ =	shalt  }
0x58: {  	_ =	shalt  }
0x59: {  	_ =	shalt  }
0x5a: {  	_ =	shalt  }
0x5b: {  	_ =	shalt  }
0x5c: {  	_ =	shalt  }
0x5d: {  	_ =	shalt  }
0x5e: {  	_ =	shalt  }
0x5f: {  	_ =	shalt  }
0x60: {  	_ =	shalt  }
0x61: {  	_ =	shalt  }
0x62: {  	_ =	shalt  }
0x63: {  	_ =	shalt  }
0x64: {  	_ =	shalt  }
0x65: {  	_ =	shalt  }
0x66: {  	_ =	shalt  }
0x67: {  	_ =	shalt  }
0x68: {  	_ =	shalt  }
0x69: {  	_ =	shalt  }
0x6a: {  	_ =	shalt  }
0x6b: {  	_ =	shalt  }
0x6c: {  	_ =	shalt  }
0x6d: {  	_ =	shalt  }
0x6e: {  	_ =	shalt  }
0x6f: {  	_ =	shalt  }
0x70: {  	_ =	shalt  }
0x71: {  	_ =	shalt  }
0x72: {  	_ =	shalt  }
0x73: {  	_ =	shalt  }
0x74: {  	_ =	shalt  }
0x75: {  	_ =	shalt  }
0x76: {  	_ =	shalt  }
0x77: {  	_ =	shalt  }
0x78: {  	_ =	shalt  }
0x79: {  	_ =	shalt  }
0x7a: {  	_ =	shalt  }
0x7b: {  	_ =	shalt  }
0x7c: {  	_ =	shalt  }
0x7d: {  	_ =	shalt  }
0x7e: {  	_ =	shalt  }
0x7f: {  	_ =	shalt  }
0x80: {  	_ =	shalt  }
0x81: {  	_ =	shalt  }
0x82: {  	_ =	shalt  }
0x83: {  	_ =	shalt  }
0x84: {  	_ =	shalt  }
0x85: {  	_ =	shalt  }
0x86: {  	_ =	shalt  }
0x87: {  	_ =	shalt  }
.Lfunc_end0:
.L_simem_size_0:
called_computation_lowered:
.L_overlay_start_0:
0x88: {  	s2 =	sld [smem:$0x3FD9]  }
0x89: {  	s3 =	sld [smem:$0x3FFE];
	_ =	sdelay $0x1  }
0x8a: {  	s1 =	srdreg.scid  }
0x8b: {  	s0 =	sand.u32 $0x1, s1  }
0x8c: {  	s16 =	sshll.u32 s0, $0xA;
	s2 =	sadd.s32 s3, s2  }
0x8d: {  	s2 =	sadd.s32 s2, s16  }
0x8e: {  	[smem:$0x3FBD] =	sst s2  }
0x8f: {  	_ = 	snop  }
0x90: {  	(tm) =	ssettm $0x1  }
0x91: {  	s17 =	sld [smem:$0x3FFB];
	_ =	sdelay $0x3  }
0x92: {  	_ =	strace s17  }
0x93: {  	s2 =	sld [smem:$0x3FFC];
	_ =	sdelay $0x3  }
0x94: {  	_ =	strace s2  }
0x95: {  	s2 =	sld [smem:$0x3FFD];
	_ =	sdelay $0x3  }
0x96: {  	_ =	strace s2  }
0x97: {  	_ =	strace $0x8FFFFFFF  }
0x98: {  	s18 =	sld [smem:$0x3FDB];
	_ =	sdelay $0x1  }
0x99: {  	s19 =	simm.s32 $_scs_section_size  }
0x9a: {  	s4 =	simm.s32 $_size__tile_overlayer_lowered;
	s5 =	simm.s32 $_tile_overlayer_lowered  }
0x9b: {  	s22 =	simm.s32 $0x1BFF;
	s21 =	sshll.u32 s5, $0x1;
	s2 =	sadd.s32 s19, s18  }
0x9c: {  	s6 =	simm.s32 $0x0;
	s20 =	sshll.u32 s4, $0x1;
	s4 =	sadd.s32 s21, s2  }
0x9d: {  	[timem:s6], [sflag:s22] =	dma.local [hbm:s4], s20  }
0x9e: {  	_ =	swait.ge [sflag:s22], s20  }
0x9f: {  	s3 =	ssub.s32 $0x0, s20;
	[sflag:s22] =	ssyncset.done $0x0  }
0xa0: {  	[sflag:s22] =	ssyncadd.s32 s3;
	_ =	sdelay $0x1  }
0xa1: {  	s23 =	simm.s32 $0x1B8B  }
0xa2: {  	_ =	swait.ge [sflag:s23], $0x1  }
0xa3: {  	[sflag:s23] =	ssyncset.done $0x0  }
0xa4: {  	s25 =	simm.s32 $0x1B8E;
	s24 =	sld [smem:$0x3FFE];
	[sflag:s23] =	ssyncadd.s32 $0xFFFFFFFF  }
0xa5: {  	s26 =	simm.s32 $execute0_lowered;
	[smem:$0x3FD2] =	sst s25  }
0xa6: {  	s4 =	sshll.u32 s26, $0x1;
	_ =	strace $0x80000046;
	[dreg:$0x1] =	wrdreg $0xFFFFFFFF  }
0xa7: {  	s28 =	simm.s32 $_size_execute0_lowered;
	s2 =	sadd.s32 s2, s4;
	[dreg:$0x0] =	wrdreg $0x0  }
0xa8: {  	s4 =	sshll.u32 s28, $0x1;
	[dreg:$0x2] =	wrdreg s2  }
0xa9: {  	[dreg:$0x3] =	wrdreg s4  }
0xaa: {  	[dreg:$0x4] =	wrdreg $0xC0  }
0xab: {  	_ =	task [dreg:s6], $0x5FFFF  }
0xac: {  	[dreg:$0x1] =	wrdreg $0xFFFFFFFF  }
0xad: {  	[dreg:$0x0] =	wrdreg $0x60  }
0xae: {  	[dreg:$0x2] =	wrdreg s24  }
0xaf: {  	[dreg:$0x3] =	wrdreg $0x2B000  }
0xb0: {  	[dreg:$0x4] =	wrdreg $0x9  }
0xb1: {  	_ =	task.clear_ibuf [dreg:s6], $0x5FFFF;
	_ =	strace $0x90000046  }
0xb2: {  	s29 =	simm.s32 $0x9;
	_ =	strace $0x80000048  }
0xb3: {  	_ =	swait.ge [sflag:s29], $0x1  }
0xb4: {  	[sflag:s29] =	ssyncadd.s32 $0xFFFFFFFF  }
0xb5: {  	_ =	strace $0x90000048  }
0xb6: {  	_ =	sfence  }
0xb7: {  	s30 =	sld [smem:$0x0];
	_ =	sdelay $0x2  }
0xb8: {  	s31 =	sshll.u32 s1, $0xD;
	s1 =	sshrl.u32 s1, $0x2  }
0xb9: {  	s3 =	sand.u32 $0x4000, s31;
	s1 =	sadd.s32 s1, s30  }
0xba: {  	s0 =	sor.u32 s3, s0;
	s1 =	sshll.u32 s1, $0x11  }
0xbb: {  	s0 =	sor.u32 s1, s0  }
0xbc: {  	s0 =	sadd.s32 $0x8F2B, s0  }
0xbd: {  	[sflag:s0] =	ssyncadd.remote.s32 $0x1  }
0xbe: {  	_ =	sfence.sel $0xFFFF  }
0xbf: {  	[dreg:$0x0] =	wrdreg $0xFFFFFFFF;
	(pc) =	sbr.abs _section_cstart, $3  }
0xc0: {  	[dreg:$0x1] =	wrdreg $0xFFFFFFFF  }
0xc1: {  	_ =	task.clear_ibuf [dreg:s6], $0x2FFFF;
	_ =	strace $0x9FFFFFFF  }
0xc2: {  	(tm) =	ssettm $0x7FFFFFFF  }
0xc3: {  	_ =	shalt  }
tec
execute0_lowered:
.L_overlay_start_1:
0x0: {  	(tag) =	ssettag $0x1  }
0x1: {  	s5 =	rddreg [dreg:$0x0]  }
0x2: {  	s0 =	srdreg.scid;
	s2 =	rddreg [dreg:$0x1];
	s3 =	simm.s32 $0x0  }
0x3: {  	s11 =	simm.s32 $0x2800;
	s12 =	simm.s32 $0x80;
	s13 =	simm.s32 $0x2A80  }
0x4: {  	s14 =	simm.s32 $0x1;
	s17 =	simm.s32 $0x20;
	s18 =	simm.s32 $0x10  }
0x5: {  	s19 =	simm.s32 $0x0;
	s4 =	sand.u32 $0x1, s0;
	s0 =	stileid.u32  }
0x6: {  	[smem:$0x7FF] =	sst s3;
	s1 =	sshll.u32 s4, $0x4;
	s8 =	smul.u32 $0x500, s0  }
0x7: {  	s9 =	sshll.u32 s4, $0x7;
	s4 =	ssub.s32 $0x2, s4;
	s31 =	smul.u32 $0xA00, s0  }
0x8: {  	s15 =	sshll.u32 s0, $0x6;
	s6 =	sor.u32 s0, s1;
	s1 =	rddreg [dreg:$0x2]  }
0x9: {  	_ =	strace $0x80000047;
	s30 =	sshrl.u32 s4, $0x1;
	s15 =	sor.u32 $0x1C02, s15  }
0xa: {  	s7 =	smul.u32 $0x2800, s6;
	s8 =	sor.u32 s9, s8;
	s10 =	ssub.s32 s4, s30  }
0xb: {  	p0 =	seq.s32 s6, $0x1F;
	s4 =	simm.s32 $0x28;
	s8 =	sshrl.u32 s8, $0x3  }
0xc: {  	s9 =	sshrl.u32 s31, $0x2;
	s7 =	sshrl.u32 s7, $0x3;
	s8 =	sadd.s32 s8, s5  }
0xd: {  	s4 =	simm.s32 @!p0 $0x50;
	s7 =	sadd.s32 s7, s5;
	s8 =	sadd.s32 $0x17000, s8  }
0xe: {  	s5 =	sadd.s32 $0xD180, s7;
	s6 =	sadd.s32 $0xD400, s7;
	s7 =	sadd.s32 s9, s2  }
0xf: {  	v0 =	vimm.f32 $0.0e+00;
	v1 =	vimm.f32 $1.000000000e+00;
	s9 =	smax.u32 s10, $0x1;
	s10 =	simm.s32 $0x2;
	s16 =	sshrl.u32 s7, $0x3  }
.LBB2_1:
0x10: {  	[tilespmem:$0x2800] =	vst v0  }
0x11: {  	[tilespmem:$0x2810] =	vst v0  }
0x12: {  	[tilespmem:$0x2820] =	vst v0  }
0x13: {  	[tilespmem:$0x2830] =	vst v0  }
0x14: {  	[tilespmem:$0x2840] =	vst v0  }
0x15: {  	[tilespmem:$0x2850] =	vst v0  }
0x16: {  	[tilespmem:$0x2860] =	vst v0  }
0x17: {  	[tilespmem:$0x2870] =	vst v0  }
0x18: {  	[tilespmem:$0x2880] =	vst v0  }
0x19: {  	[tilespmem:$0x2890] =	vst v0  }
0x1a: {  	[tilespmem:$0x28A0] =	vst v0  }
0x1b: {  	[tilespmem:$0x28B0] =	vst v0  }
0x1c: {  	[tilespmem:$0x28C0] =	vst v0  }
0x1d: {  	[tilespmem:$0x28D0] =	vst v0  }
0x1e: {  	[tilespmem:$0x28E0] =	vst v0  }
0x1f: {  	[tilespmem:$0x28F0] =	vst v0  }
0x20: {  	[tilespmem:$0x2900] =	vst v0  }
0x21: {  	[tilespmem:$0x2910] =	vst v0  }
0x22: {  	[tilespmem:$0x2920] =	vst v0  }
0x23: {  	[tilespmem:$0x2930] =	vst v0  }
0x24: {  	[tilespmem:$0x2940] =	vst v0  }
0x25: {  	[tilespmem:$0x2950] =	vst v0  }
0x26: {  	[tilespmem:$0x2960] =	vst v0  }
0x27: {  	[tilespmem:$0x2970] =	vst v0  }
0x28: {  	[tilespmem:$0x2980] =	vst v0  }
0x29: {  	[tilespmem:$0x2990] =	vst v0  }
0x2a: {  	[tilespmem:$0x29A0] =	vst v0  }
0x2b: {  	[tilespmem:$0x29B0] =	vst v0  }
0x2c: {  	[tilespmem:$0x29C0] =	vst v0  }
0x2d: {  	[tilespmem:$0x29D0] =	vst v0  }
0x2e: {  	[tilespmem:$0x29E0] =	vst v0  }
0x2f: {  	[tilespmem:$0x29F0] =	vst v0  }
0x30: {  	[tilespmem:$0x2A00] =	vst v0  }
0x31: {  	[tilespmem:$0x2A10] =	vst v0  }
0x32: {  	[tilespmem:$0x2A20] =	vst v0  }
0x33: {  	[tilespmem:$0x2A30] =	vst v0  }
0x34: {  	[tilespmem:$0x2A40] =	vst v0  }
0x35: {  	[tilespmem:$0x2A50] =	vst v0  }
0x36: {  	[tilespmem:$0x2A60] =	vst v0  }
0x37: {  	[tilespmem:$0x2A70] =	vst v0  }
0x38: {  	[tilespmem:$0x2A80] =	vst v1  }
0x39: {  	[tilespmem:$0x2A90] =	vst v1  }
0x3a: {  	[tilespmem:$0x2AA0] =	vst v1  }
0x3b: {  	[tilespmem:$0x2AB0] =	vst v1  }
0x3c: {  	[tilespmem:$0x2AC0] =	vst v1  }
0x3d: {  	[tilespmem:$0x2AD0] =	vst v1  }
0x3e: {  	[tilespmem:$0x2AE0] =	vst v1  }
0x3f: {  	[tilespmem:$0x2AF0] =	vst v1  }
0x40: {  	[tilespmem:s3], [sflag:$0x2] =	stream.linear.gather [hbm4b:s5+s3], $0x1400, $0x38;
	[tilespmem:$0x2D80] =	vst v63  }
0x41: {  	_ =	swait.ge [sflag:s10], $0x1400  }
0x42: {  	[sflag:s10] =	ssyncset.done $0x0  }
0x43: {  	s20 =	simm.s32 @!p0 $0x0;
	s21 =	simm.s32 @!p0 $0x1400;
	[sflag:s10] =	ssyncadd.s32 $0xFFFFEC00  }
0x44: {  	[tilespmem:s21], [sflag:$0x2] =	stream.linear.gather @!p0 [hbm4b:s6+s20], $0x1400, $0x38;
	[tilespmem:$0x2D80] =	vst v63  }
0x45: {  	s20 =	simm.s32 @!p0 $0x2  }
0x46: {  	_ =	swait.ge @!p0 [sflag:s20], $0x1400  }
0x47: {  	[sflag:s20] =	ssyncset.done @!p0 $0x0  }
0x48: {  	p1 =	sne.s32 s4, $0x1;
	[sflag:s20] =	ssyncadd.s32 @!p0 $0xFFFFEC00  }
0x49: {  	[spmem:s7] =	stream.linear.scatter [tilespmem:s11], [sflag:$0x2], $0x280, $0x38;
	[tilespmem:$0x2D80] =	vst v63  }
.Ltmp0:
0x4a: {  	_ =	swait.ge [sflag:s10], $0x280;
	(pc) =	sbr.rel @!p1 .LBB2_3-.Ltmp0, $4  }
0x4b: {  	[sflag:s10] =	ssyncset.done $0x0  }
0x4c: {  	[sflag:s10] =	ssyncadd.s32 $0xFFFFFD80  }
0x4d: {  	s21 =	simm.s32 $0x0;
	s20 =	sadd.s32 $0xFFFFFFFF, s4;
	[bflag:$0x0] =	sbarrier.arrive $0xFFFF  }
0x4e: {  	[spmem:s2] =	stream.indirect.scatter.add.f32 [tilespmem:s13], [sflag:$0x1], $0x1, s3, s12, $0xb8;
	[tilespmem:$0x2D80] =	vst v63  }
.LBB2_2:
0x4f: {  	p2 =	sne.s32 s20, $0x1  }
.Ltmp1:
0x50: {  	_ = 	snop;
	(pc) =	sbr.rel @p2 .LBB2_2-.Ltmp1, $3  }
0x51: {  	_ = 	snop  }
0x52: {  	s20 =	sadd.s32 $0xFFFFFFFF, s20;
	s21 =	sadd.s32 $0x80, s21;
	_ =	sdelay $0x1  }
0x53: {  	[spmem:s2] =	stream.indirect.scatter.add.f32 [tilespmem:s13], [sflag:$0x1], $0x1, s21, s12, $0xb8;
	[tilespmem:$0x2D80] =	vst v63  }
.LBB2_3:
.Ltmp2:
0x54: {  	(pc) =	sbr.rel @!p1 .LBB2_5-.Ltmp2, $3  }
0x55: {  	_ =	sdelay $0x1  }
0x56: {  	_ =	swait.ge [sflag:s14], $0x80  }
0x57: {  	s20 =	sadd.s32 $0xFFFFFFFF, s4;
	[sflag:s14] =	ssyncset.done $0x0  }
.LBB2_4:
0x58: {  	p1 =	sne.s32 s20, $0x1;
	s20 =	sadd.s32 $0xFFFFFFFF, s20;
	[sflag:s14] =	ssyncadd.s32 $0xFFFFFF80  }
.Ltmp3:
0x59: {  	(pc) =	sbr.rel @p1 .LBB2_4-.Ltmp3, $3  }
0x5a: {  	_ =	sdelay $0x1  }
0x5b: {  	_ =	swait.ge [sflag:s14], $0x80  }
0x5c: {  	[sflag:s14] =	ssyncset.done $0x0  }
.LBB2_5:
0x5d: {  	s19 =	sadd.s32 $0x1, s19  }
0x5e: {  	[sflag:s14] =	ssyncadd.s32 $0xFFFFFF80;
	p1 =	sne.s32 s19, s9  }
.Ltmp4:
0x5f: {  	[bflag:$0x0] =	sbarrier.arrive $0xFFFF;
	(pc) =	sbr.rel @p1 .LBB2_1-.Ltmp4, $4  }
0x60: {  	[hbm:s8@s17], [sflag:s15] =	dma.strided [spmem:s16@s18], $0x50, s14, $0x10   }
0x61: {  	_ =	swait.ge [sflag:s10], $0x50  }
0x62: {  	[sflag:s10] =	ssyncset.done $0x0  }
0x63: {  	[sflag:s10] =	ssyncadd.s32 $0xFFFFFFB0  }
0x64: {  	_ =	sfence.sel $0x180000  }
0x65: {  	[bflag:$0x0] =	sbarrier.arrive $0xFFFF  }
0x66: {  	p0 =	sne.s32 s0, $0x0;
	_ =	strace $0x90000047  }
0x67: {  	s0 =	sadd.s32 @!p0 $0x100000, s1;
	[bflag:$0x2] =	sbarrier.arrive $0xFFFF  }
0x68: {  	[sflag:s0] =	ssyncadd.tile.s32 @!p0 $0x1;
	_ =	shalt  }
.Lfunc_end2:
_tile_overlayer_lowered:
.L_overlay_start_2:
0x69: {  	(tag) =	ssettag $0x2  }
0x6a: {  	s0 =	rddreg [dreg:$0x0];
	s2 =	stileid.u32  }
0x6b: {  	s1 =	rddreg [dreg:$0x1];
	p0 =	sne.s32 s2, $0x0  }
0x6c: {  	s3 =	rddreg [dreg:$0x2];
	[bflag:$0x3] =	sbarrier.arrive $0xFFFF;
	s2 =	simm.s32 @!p0 $0x1C02  }
0x6d: {  	[timem:s3], [sflag:s2] =	dma.local @!p0 [hbm:s0], s1  }
0x6e: {  	s0 =	simm.s32 @!p0 $0x2  }
0x6f: {  	_ =	swait.ge @!p0 [sflag:s0], s1  }
0x70: {  	s1 =	ssub.s32 @!p0 $0x0, s1;
	[sflag:s0] =	ssyncset.done @!p0 $0x0  }
0x71: {  	[sflag:s0] =	ssyncadd.s32 @!p0 s1  }
0x72: {  	[bflag:$0x3] =	sbarrier.arrive $0xFFFF  }
0x73: {  	_ =	shalt  }

</sc_bundles>
